<compile_context>
chip_gen: v7x
topology: tpu7x:2x2x1
jax: 0.10.2.dev20260603
libtpu: 0.0.44.dev20260713+nightly
codegen_flags: <defaults>
</compile_context>

<pallas_src>
import functools

import jax
import jax.numpy as jnp
from jax import lax
from jax.experimental import pallas as pl
from jax.experimental.pallas import tpu as pltpu
from jax.experimental.pallas import tpu_sc as plsc

N = 10000
E = 320000
F = 128
G = 64

NC = 2
NS = 16
L = 16
NW = NC * NS

E_T = E // NW
K = 80
NCH = E_T // K
NPAD = 10240
HR_T = NPAD // NS
AR_T = NPAD // NS
NBUF = 4


def _hist_body(dst_r, za_hbm, ones_hbm, out_hbm, di_all, rows_v, acc, sems):
    c = lax.axis_index("c")
    s = lax.axis_index("s")
    wid = c * NS + s
    zslice = acc.at[pl.ds(pl.multiple_of(s * AR_T, 8), AR_T)]
    pltpu.async_copy(ones_hbm, rows_v, sems.at[0])
    pltpu.async_copy(dst_r.at[wid], di_all, sems.at[1])
    pltpu.async_copy(za_hbm, zslice, sems.at[2])
    pltpu.make_async_copy(ones_hbm, rows_v, sems.at[0]).wait()
    pltpu.make_async_copy(dst_r.at[wid], di_all, sems.at[1]).wait()
    pltpu.make_async_copy(za_hbm, zslice, sems.at[2]).wait()
    plsc.subcore_barrier()

    def chunk(j, carry):
        pltpu.async_copy(rows_v, acc.at[di_all.at[j]], sems.at[j % NBUF], add=True)

        @pl.when(j >= NBUF)
        def _():
            pltpu.make_async_copy(
                rows_v, acc.at[di_all.at[j]], sems.at[j % NBUF]
            ).wait()

        return carry

    lax.fori_loop(0, NCH, chunk, 0)
    for b in range(NBUF):
        pltpu.make_async_copy(rows_v, acc.at[di_all.at[0]], sems.at[b]).wait()
    plsc.subcore_barrier()

    t0 = pl.multiple_of(s * AR_T, 8)
    co = pl.multiple_of(c * NPAD, 8)
    pltpu.sync_copy(acc.at[pl.ds(t0, AR_T)], out_hbm.at[pl.ds(co + t0, AR_T)])


def _agg_body(hp_hbm, src_hbm, dst_r, za_hbm, out_hbm, srd, di_all, rows3,
              acc, gsem, ssem, isem):
    c = lax.axis_index("c")
    s = lax.axis_index("s")
    wid = c * NS + s
    ebase = pl.multiple_of(wid * E_T, 8)
    zslice = acc.at[pl.ds(pl.multiple_of(s * AR_T, 8), AR_T)]
    pltpu.async_copy(dst_r.at[wid], di_all, gsem.at[0])
    pltpu.async_copy(src_hbm.at[pl.ds(ebase, K)], srd.at[0], isem.at[0])
    pltpu.async_copy(src_hbm.at[pl.ds(ebase + K, K)], srd.at[1], isem.at[1])
    pltpu.async_copy(src_hbm.at[pl.ds(ebase + 2 * K, K)], srd.at[2], isem.at[2])
    pltpu.async_copy(za_hbm, zslice, gsem.at[1])
    pltpu.make_async_copy(dst_r.at[wid], di_all, gsem.at[0]).wait()
    pltpu.make_async_copy(src_hbm.at[pl.ds(ebase, K)], srd.at[0], isem.at[0]).wait()
    pltpu.make_async_copy(src_hbm.at[pl.ds(ebase + K, K)], srd.at[1], isem.at[1]).wait()
    pltpu.make_async_copy(za_hbm, zslice, gsem.at[1]).wait()
    plsc.subcore_barrier()

    pltpu.async_copy(hp_hbm.at[srd.at[0]], rows3.at[0], gsem.at[0])
    pltpu.async_copy(hp_hbm.at[srd.at[1]], rows3.at[1], gsem.at[1])

    def chunk(j, carry):
        p = j % 3
        pn = (j + 2) % 3
        pltpu.make_async_copy(hp_hbm.at[srd.at[p]], rows3.at[p], gsem.at[p]).wait()

        @pl.when(j + 3 < NCH)
        def _():
            pltpu.async_copy(
                src_hbm.at[pl.ds(pl.multiple_of(ebase + (j + 3) * K, 8), K)],
                srd.at[p], isem.at[p],
            )

        pltpu.async_copy(rows3.at[p], acc.at[di_all.at[j]], ssem.at[p], add=True)

        @pl.when(j >= 1)
        def _():
            pltpu.make_async_copy(
                rows3.at[pn], acc.at[di_all.at[j]], ssem.at[pn]
            ).wait()

        @pl.when(j + 2 < NCH)
        def _():
            pltpu.make_async_copy(
                src_hbm.at[pl.ds(ebase, K)], srd.at[pn], isem.at[pn]
            ).wait()
            pltpu.async_copy(hp_hbm.at[srd.at[pn]], rows3.at[pn], gsem.at[pn])

        return carry

    lax.fori_loop(0, NCH, chunk, 0)
    pltpu.make_async_copy(
        rows3.at[0], acc.at[di_all.at[0]], ssem.at[(NCH - 1) % 3]
    ).wait()
    plsc.subcore_barrier()

    t0 = pl.multiple_of(s * AR_T, 8)
    co = pl.multiple_of(c * NPAD, 8)
    pltpu.sync_copy(acc.at[pl.ds(t0, AR_T)], out_hbm.at[pl.ds(co + t0, AR_T)])


@functools.lru_cache(maxsize=1)
def _sc_kernels():
    mesh = plsc.VectorSubcoreMesh(
        core_axis_name="c", subcore_axis_name="s", num_cores=NC, num_subcores=NS
    )
    hist = pl.kernel(
        _hist_body,
        out_type=jax.ShapeDtypeStruct((NC * NPAD, F), jnp.float32),
        mesh=mesh,
        scratch_types=[
            pltpu.VMEM((NCH, K), jnp.int32),
            pltpu.VMEM((K, F), jnp.float32),
            pltpu.VMEM_SHARED((NPAD, F), jnp.float32),
            pltpu.SemaphoreType.DMA((NBUF,)),
        ],
    )
    agg = pl.kernel(
        _agg_body,
        out_type=jax.ShapeDtypeStruct((NC * NPAD, F), jnp.float32),
        mesh=mesh,
        scratch_types=[
            pltpu.VMEM((3, K), jnp.int32),
            pltpu.VMEM((NCH, K), jnp.int32),
            pltpu.VMEM((3, K, F), jnp.float32),
            pltpu.VMEM_SHARED((NPAD, F), jnp.float32),
            pltpu.SemaphoreType.DMA((3,)),
            pltpu.SemaphoreType.DMA((3,)),
            pltpu.SemaphoreType.DMA((3,)),
        ],
    )
    return hist, agg


def _pre1_body(x_ref, w_ref, deg_ref, h1p_ref, dinv_ref):
    deg = deg_ref[0:N, 0:1] + deg_ref[NPAD : NPAD + N, 0:1]
    dinv = lax.rsqrt(deg + 1.0)
    h = jnp.dot(x_ref[...], w_ref[...], preferred_element_type=jnp.float32)
    h1p_ref[...] = h * dinv
    dinv_ref[...] = dinv


def _mid_body(agg_ref, hp_ref, dinv_ref, b_ref, w_ref, out_ref):
    dinv = dinv_ref[...]
    hin = jnp.maximum(
        dinv * (agg_ref[0:N] + agg_ref[NPAD : NPAD + N] + hp_ref[...]) + b_ref[...],
        0.0,
    )
    out_ref[...] = (
        jnp.dot(hin, w_ref[...], preferred_element_type=jnp.float32) * dinv
    )


def _final_body(
    agg_ref, hp_ref, dinv_ref, b3_ref, batch_ref, wh1_ref, bh1_ref, wh2_ref,
    bh2_ref, out_ref,
):
    h3 = (
        dinv_ref[...] * (agg_ref[0:N] + agg_ref[NPAD : NPAD + N] + hp_ref[...])
        + b3_ref[...]
    )
    gids = lax.broadcasted_iota(jnp.int32, (G, N), 0)
    m = (gids == batch_ref[...]).astype(jnp.float32)
    cnt = jnp.sum(m, axis=1, keepdims=True)
    pooled = jnp.dot(m, h3, preferred_element_type=jnp.float32) / jnp.maximum(
        cnt, 1.0
    )
    z = jnp.maximum(
        jnp.dot(pooled, wh1_ref[...], preferred_element_type=jnp.float32)
        + bh1_ref[...],
        0.0,
    )
    out_ref[...] = (
        jnp.dot(z, wh2_ref[...], preferred_element_type=jnp.float32) + bh2_ref[...]
    )


def kernel(x, edge_index, batch, W1, b1, W2, b2, W3, b3, Wh1, bh1, Wh2, bh2):
    _hist, _agg = _sc_kernels()
    src_f = edge_index[0]
    dst_r = edge_index[1].reshape(NW, NCH, K)
    zeros_a = jnp.zeros((AR_T, F), jnp.float32)
    ones_rows = jnp.ones((K, F), jnp.float32)

    deg_arr = _hist(dst_r, zeros_a, ones_rows)

    h1p, dinv = pl.pallas_call(
        _pre1_body,
        out_shape=(
            jax.ShapeDtypeStruct((N, F), jnp.float32),
            jax.ShapeDtypeStruct((N, 1), jnp.float32),
        ),
    )(x, W1, deg_arr)

    agg1 = _agg(h1p, src_f, dst_r, zeros_a)
    h2p = pl.pallas_call(
        _mid_body, out_shape=jax.ShapeDtypeStruct((N, F), jnp.float32)
    )(agg1, h1p, dinv, b1.reshape(1, F), W2)

    agg2 = _agg(h2p, src_f, dst_r, zeros_a)
    h3p = pl.pallas_call(
        _mid_body, out_shape=jax.ShapeDtypeStruct((N, F), jnp.float32)
    )(agg2, h2p, dinv, b2.reshape(1, F), W3)

    agg3 = _agg(h3p, src_f, dst_r, zeros_a)
    out = pl.pallas_call(
        _final_body, out_shape=jax.ShapeDtypeStruct((G, F), jnp.float32)
    )(
        agg3, h3p, dinv, b3.reshape(1, F), batch.reshape(1, N),
        Wh1, bh1.reshape(1, F), Wh2, bh2.reshape(1, F),
    )
    return out

# --- scband reference (transcript-rebuilt; emitter-appended) ---
"""Pipeline reference for scband-graph-encoder-3556232921556 (READ-ONLY COPY).

The authoritative reference and input builder live on the scoring server;
editing this copy changes nothing except your own understanding.
"""

import jax, jax.numpy as jnp
import numpy as np

N = 10000
E = 320000
F_IN = 128
H = 128
NHID = 128
NOUT = 128
G = 64


def setup_inputs(seed: int = 0) -> dict:
    key = jax.random.key(seed)
    ks = jax.random.split(key, 16)
    x = jax.random.normal(ks[0], (N, F_IN), dtype=jnp.float32)
    edge_index = jax.random.randint(ks[1], (2, E), 0, N, dtype=jnp.int32)
    batch = jnp.sort(jax.random.randint(ks[2], (N,), 0, G, dtype=jnp.int32))
    def lin(k, fin, fout):
        return jax.random.normal(k, (fin, fout), dtype=jnp.float32) / np.sqrt(fin)
    W1 = lin(ks[3], F_IN, H); b1 = jnp.zeros((H,), jnp.float32)
    W2 = lin(ks[4], H, H);    b2 = jnp.zeros((H,), jnp.float32)
    W3 = lin(ks[5], H, H);    b3 = jnp.zeros((H,), jnp.float32)
    Wh1 = lin(ks[6], H, NHID); bh1 = jnp.zeros((NHID,), jnp.float32)
    Wh2 = lin(ks[7], NHID, NOUT); bh2 = jnp.zeros((NOUT,), jnp.float32)
    return {"x": x, "edge_index": edge_index, "batch": batch,
            "W1": W1, "b1": b1, "W2": W2, "b2": b2, "W3": W3, "b3": b3,
            "Wh1": Wh1, "bh1": bh1, "Wh2": Wh2, "bh2": bh2}


def gcn_conv(x, edge_index, W, b):
    # PyG GCNConv: add self-loops, symmetric deg normalization, scatter-add aggregation
    sl = jnp.arange(N, dtype=edge_index.dtype)
    src = jnp.concatenate([edge_index[0], sl])
    dst = jnp.concatenate([edge_index[1], sl])
    deg = jnp.zeros((N,), jnp.float32).at[dst].add(1.0)
    dinv = jnp.where(deg > 0, jax.lax.rsqrt(deg), 0.0)
    norm = dinv[src] * dinv[dst]
    h = x @ W
    msg = h[src] * norm[:, None]
    out = jnp.zeros((N, W.shape[1]), jnp.float32).at[dst].add(msg)
    return out + b


def reference(x, edge_index, batch, W1, b1, W2, b2, W3, b3, Wh1, bh1, Wh2, bh2):
    h = jax.nn.relu(gcn_conv(x, edge_index, W1, b1))
    h = jax.nn.relu(gcn_conv(h, edge_index, W2, b2))
    h = gcn_conv(h, edge_index, W3, b3)
    seg_sum = jax.ops.segment_sum(h, batch, num_segments=G)
    cnt = jax.ops.segment_sum(jnp.ones((N,), jnp.float32), batch, num_segments=G)
    pooled = seg_sum / jnp.maximum(cnt, 1.0)[:, None]
    z = jax.nn.relu(pooled @ Wh1 + bh1)
    return z @ Wh2 + bh2

if __name__ == "__main__":
    import jax
    _d = setup_inputs()
    print(jax.jit(kernel)(*tuple(_d.values())))

</pallas_src>

<mosaic_0001>
#map = affine_map<(d0, d1) -> (0, 0, 0)>
#map1 = affine_map<(d0, d1) -> (0, 0)>
module attributes {stable_mosaic.version = 14 : i64} {
  func.func @_hist_body(%arg0: i32, %arg1: i32, %arg2: memref<32x125x80xi32, #tpu.memory_space<hbm>>, %arg3: memref<640x128xf32, #tpu.memory_space<hbm>>, %arg4: memref<80x128xf32, #tpu.memory_space<hbm>>, %arg5: memref<20480x128xf32, #tpu.memory_space<hbm>>, %arg6: memref<125x80xi32, #tpu.memory_space<vmem>>, %arg7: memref<80x128xf32, #tpu.memory_space<vmem>>, %arg8: memref<10240x128xf32, #tpu.memory_space<vmem_shared>>, %arg9: memref<4x!tpu.dma_semaphore, #tpu.memory_space<semaphore_mem>>) attributes {dimension_semantics = [#tpu.dimension_semantics<core_parallel>, #tpu.dimension_semantics<subcore_parallel>], iteration_bounds = array<i64: 2, 16>, scalar_prefetch = 0 : i64, scratch_operands = 4 : i64, tpu.core_type = #tpu.core_type<sc_vector_subcore>, window_params = [{transform_indices = #map}, {transform_indices = #map1}, {transform_indices = #map1}, {transform_indices = #map1}]} {
    %mul3A = arith.constant 16 : i32
    %mul3A_0 = arith.muli %arg0, %mul3A : i32
    %add3A = arith.addi %mul3A_0, %arg1 : i32
    %mul3A_1 = arith.constant 640 : i32
    %mul3A_2 = arith.muli %arg1, %mul3A_1 : i32
    %multiple_of3A = tpu.assume_multiple %mul3A_2, 8 : i32
    %dma_start3A = arith.constant 0 : i32
    %dma_start3A_3 = tpu.memref_slice %arg9[%dma_start3A] : memref<4x!tpu.dma_semaphore, #tpu.memory_space<semaphore_mem>> -> memref<1x!tpu.dma_semaphore, #tpu.memory_space<semaphore_mem>>
    %dma_start3A_4 = tpu.memref_squeeze %dma_start3A_3 : memref<1x!tpu.dma_semaphore, #tpu.memory_space<semaphore_mem>> -> memref<!tpu.dma_semaphore, #tpu.memory_space<semaphore_mem>>
    tpu.enqueue_dma source(%arg4 : memref<80x128xf32, #tpu.memory_space<hbm>>) target(%arg7 : memref<80x128xf32, #tpu.memory_space<vmem>>) target_semaphore(%dma_start3A_4 : memref<!tpu.dma_semaphore, #tpu.memory_space<semaphore_mem>>)
    %dma_start3A_5 = arith.constant 1 : i32
    %dma_start3A_6 = arith.constant 0 : i32
    %dma_start3A_7 = arith.constant 0 : i32
    %dma_start3A_8 = tpu.memref_slice %arg2[%add3A, %dma_start3A_6, %dma_start3A_7] : memref<32x125x80xi32, #tpu.memory_space<hbm>> -> memref<1x125x80xi32, #tpu.memory_space<hbm>>
    %dma_start3A_9 = tpu.memref_squeeze %dma_start3A_8 : memref<1x125x80xi32, #tpu.memory_space<hbm>> -> memref<125x80xi32, #tpu.memory_space<hbm>>
    %dma_start3A_10 = tpu.memref_slice %arg9[%dma_start3A_5] : memref<4x!tpu.dma_semaphore, #tpu.memory_space<semaphore_mem>> -> memref<1x!tpu.dma_semaphore, #tpu.memory_space<semaphore_mem>>
    %dma_start3A_11 = tpu.memref_squeeze %dma_start3A_10 : memref<1x!tpu.dma_semaphore, #tpu.memory_space<semaphore_mem>> -> memref<!tpu.dma_semaphore, #tpu.memory_space<semaphore_mem>>
    %dma_start3A_12 = arith.constant 0 : i32
    %dma_start3A_13 = arith.constant 0 : i32
    %dma_start3A_14 = tpu.memref_slice %arg2[%add3A, %dma_start3A_12, %dma_start3A_13] : memref<32x125x80xi32, #tpu.memory_space<hbm>> -> memref<1x125x80xi32, #tpu.memory_space<hbm>>
    %dma_start3A_15 = tpu.memref_squeeze %dma_start3A_14 : memref<1x125x80xi32, #tpu.memory_space<hbm>> -> memref<125x80xi32, #tpu.memory_space<hbm>>
    tpu.enqueue_dma source(%dma_start3A_15 : memref<125x80xi32, #tpu.memory_space<hbm>>) target(%arg6 : memref<125x80xi32, #tpu.memory_space<vmem>>) target_semaphore(%dma_start3A_11 : memref<!tpu.dma_semaphore, #tpu.memory_space<semaphore_mem>>)
    %dma_start3A_16 = arith.constant 2 : i32
    %dma_start3A_17 = tpu.memref_slice %arg9[%dma_start3A_16] : memref<4x!tpu.dma_semaphore, #tpu.memory_space<semaphore_mem>> -> memref<1x!tpu.dma_semaphore, #tpu.memory_space<semaphore_mem>>
    %dma_start3A_18 = tpu.memref_squeeze %dma_start3A_17 : memref<1x!tpu.dma_semaphore, #tpu.memory_space<semaphore_mem>> -> memref<!tpu.dma_semaphore, #tpu.memory_space<semaphore_mem>>
    %dma_start3A_19 = arith.constant 0 : i32
    %dma_start3A_20 = tpu.memref_slice %arg8[%multiple_of3A, %dma_start3A_19] : memref<10240x128xf32, #tpu.memory_space<vmem_shared>> -> memref<640x128xf32, #tpu.memory_space<vmem_shared>>
    tpu.enqueue_dma source(%arg3 : memref<640x128xf32, #tpu.memory_space<hbm>>) target(%dma_start3A_20 : memref<640x128xf32, #tpu.memory_space<vmem_shared>>) target_semaphore(%dma_start3A_18 : memref<!tpu.dma_semaphore, #tpu.memory_space<semaphore_mem>>)
    %dma_wait3A = arith.constant 0 : i32
    %dma_wait3A_21 = tpu.memref_slice %arg9[%dma_wait3A] : memref<4x!tpu.dma_semaphore, #tpu.memory_space<semaphore_mem>> -> memref<1x!tpu.dma_semaphore, #tpu.memory_space<semaphore_mem>>
    %dma_wait3A_22 = tpu.memref_squeeze %dma_wait3A_21 : memref<1x!tpu.dma_semaphore, #tpu.memory_space<semaphore_mem>> -> memref<!tpu.dma_semaphore, #tpu.memory_space<semaphore_mem>>
    tpu.wait_dma2 semaphore(%dma_wait3A_22 : memref<!tpu.dma_semaphore, #tpu.memory_space<semaphore_mem>>) src(%arg4 : memref<80x128xf32, #tpu.memory_space<hbm>>) dst(%arg7 : memref<80x128xf32, #tpu.memory_space<vmem>>)
    %dma_wait3A_23 = arith.constant 1 : i32
    %dma_wait3A_24 = arith.constant 0 : i32
    %dma_wait3A_25 = arith.constant 0 : i32
    %dma_wait3A_26 = tpu.memref_slice %arg2[%add3A, %dma_wait3A_24, %dma_wait3A_25] : memref<32x125x80xi32, #tpu.memory_space<hbm>> -> memref<1x125x80xi32, #tpu.memory_space<hbm>>
    %dma_wait3A_27 = tpu.memref_squeeze %dma_wait3A_26 : memref<1x125x80xi32, #tpu.memory_space<hbm>> -> memref<125x80xi32, #tpu.memory_space<hbm>>
    %dma_wait3A_28 = tpu.memref_slice %arg9[%dma_wait3A_23] : memref<4x!tpu.dma_semaphore, #tpu.memory_space<semaphore_mem>> -> memref<1x!tpu.dma_semaphore, #tpu.memory_space<semaphore_mem>>
    %dma_wait3A_29 = tpu.memref_squeeze %dma_wait3A_28 : memref<1x!tpu.dma_semaphore, #tpu.memory_space<semaphore_mem>> -> memref<!tpu.dma_semaphore, #tpu.memory_space<semaphore_mem>>
    %dma_wait3A_30 = arith.constant 0 : i32
    %dma_wait3A_31 = arith.constant 0 : i32
    %dma_wait3A_32 = tpu.memref_slice %arg2[%add3A, %dma_wait3A_30, %dma_wait3A_31] : memref<32x125x80xi32, #tpu.memory_space<hbm>> -> memref<1x125x80xi32, #tpu.memory_space<hbm>>
    %dma_wait3A_33 = tpu.memref_squeeze %dma_wait3A_32 : memref<1x125x80xi32, #tpu.memory_space<hbm>> -> memref<125x80xi32, #tpu.memory_space<hbm>>
    tpu.wait_dma2 semaphore(%dma_wait3A_29 : memref<!tpu.dma_semaphore, #tpu.memory_space<semaphore_mem>>) src(%dma_wait3A_33 : memref<125x80xi32, #tpu.memory_space<hbm>>) dst(%arg6 : memref<125x80xi32, #tpu.memory_space<vmem>>)
    %dma_wait3A_34 = arith.constant 2 : i32
    %dma_wait3A_35 = tpu.memref_slice %arg9[%dma_wait3A_34] : memref<4x!tpu.dma_semaphore, #tpu.memory_space<semaphore_mem>> -> memref<1x!tpu.dma_semaphore, #tpu.memory_space<semaphore_mem>>
    %dma_wait3A_36 = tpu.memref_squeeze %dma_wait3A_35 : memref<1x!tpu.dma_semaphore, #tpu.memory_space<semaphore_mem>> -> memref<!tpu.dma_semaphore, #tpu.memory_space<semaphore_mem>>
    %dma_wait3A_37 = arith.constant 0 : i32
    %dma_wait3A_38 = tpu.memref_slice %arg8[%multiple_of3A, %dma_wait3A_37] : memref<10240x128xf32, #tpu.memory_space<vmem_shared>> -> memref<640x128xf32, #tpu.memory_space<vmem_shared>>
    tpu.wait_dma2 semaphore(%dma_wait3A_36 : memref<!tpu.dma_semaphore, #tpu.memory_space<semaphore_mem>>) src(%arg3 : memref<640x128xf32, #tpu.memory_space<hbm>>) dst(%dma_wait3A_38 : memref<640x128xf32, #tpu.memory_space<vmem_shared>>)
    %barrier3A = arith.constant 0 : index
    tpu.barrier barrier_id(%barrier3A)
    %scan3A = arith.constant 0 : i32
    %scan3A_39 = arith.constant 0 : i32
    %scan3A_40 = arith.constant 125 : i32
    %scan3A_41 = arith.addi %scan3A_39, %scan3A_40 : i32
    %scan3A_42 = arith.constant 1 : i32
    scf.for %scan3A_92 = %scan3A_39 to %scan3A_41 step %scan3A_42  : i32 {
      %jit3A = arith.constant 4 : i32
      %eq3A = arith.constant 0 : i32
      %eq3A_93 = arith.cmpi eq, %jit3A, %eq3A : i32
      %jit3A_94 = arith.constant 1 : i32
      %select_n3A = arith.select %eq3A_93, %jit3A_94, %jit3A : i32
      %rem3A = arith.remsi %scan3A_92, %select_n3A : i32
      %ne3A = arith.constant 0 : i32
      %ne3A_95 = arith.cmpi ne, %rem3A, %ne3A : i32
      %lt3A = arith.constant 0 : i32
      %lt3A_96 = arith.cmpi slt, %rem3A, %lt3A : i32
      %lt3A_97 = arith.constant 0 : i32
      %lt3A_98 = arith.cmpi slt, %select_n3A, %lt3A_97 : i32
      %ne3A_99 = arith.xori %lt3A_96, %lt3A_98 : i1
      %and3A = arith.andi %ne3A_99, %ne3A_95 : i1
      %add3A_100 = arith.addi %rem3A, %select_n3A : i32
      %select_n3A_101 = arith.select %and3A, %add3A_100, %rem3A : i32
      %dma_start3A_102 = arith.constant 0 : i32
      %dma_start3A_103 = tpu.memref_slice %arg6[%scan3A_92, %dma_start3A_102] : memref<125x80xi32, #tpu.memory_space<vmem>> -> memref<1x80xi32, #tpu.memory_space<vmem>>
      %dma_start3A_104 = tpu.memref_squeeze %dma_start3A_103 : memref<1x80xi32, #tpu.memory_space<vmem>> -> memref<80xi32, #tpu.memory_space<vmem>>
      %dma_start3A_105 = arith.constant 0 : i32
      %dma_start3A_106 = arith.constant 0 : i32
      %dma_start3A_107 = tpu.memref_slice %arg8[%dma_start3A_105, %dma_start3A_106] : memref<10240x128xf32, #tpu.memory_space<vmem_shared>> -> memref<10240x128xf32, #tpu.memory_space<vmem_shared>>
      %dma_start3A_108 = tpu.memref_slice %arg9[%select_n3A_101] : memref<4x!tpu.dma_semaphore, #tpu.memory_space<semaphore_mem>> -> memref<1x!tpu.dma_semaphore, #tpu.memory_space<semaphore_mem>>
      %dma_start3A_109 = tpu.memref_squeeze %dma_start3A_108 : memref<1x!tpu.dma_semaphore, #tpu.memory_space<semaphore_mem>> -> memref<!tpu.dma_semaphore, #tpu.memory_space<semaphore_mem>>
      tpu.enqueue_indirect_dma source(%arg7 : memref<80x128xf32, #tpu.memory_space<vmem>>) target(%dma_start3A_107 : memref<10240x128xf32, #tpu.memory_space<vmem_shared>>) offsets(%dma_start3A_104 : memref<80xi32, #tpu.memory_space<vmem>>) semaphore(%dma_start3A_109 : memref<!tpu.dma_semaphore, #tpu.memory_space<semaphore_mem>>) {add = true}
      %ge3A = arith.constant 4 : i32
      %ge3A_110 = arith.cmpi sge, %scan3A_92, %ge3A : i32
      %convert_element_type3A = arith.extui %ge3A_110 : i1 to i32
      %cond3A = arith.constant 0 : i32
      %cond3A_111 = arith.cmpi ne, %convert_element_type3A, %cond3A : i32
      scf.if %cond3A_111 {
        %jit3A_112 = arith.constant 4 : i32
        %eq3A_113 = arith.constant 0 : i32
        %eq3A_114 = arith.cmpi eq, %jit3A_112, %eq3A_113 : i32
        %jit3A_115 = arith.constant 1 : i32
        %select_n3A_116 = arith.select %eq3A_114, %jit3A_115, %jit3A_112 : i32
        %rem3A_117 = arith.remsi %scan3A_92, %select_n3A_116 : i32
        %ne3A_118 = arith.constant 0 : i32
        %ne3A_119 = arith.cmpi ne, %rem3A_117, %ne3A_118 : i32
        %lt3A_120 = arith.constant 0 : i32
        %lt3A_121 = arith.cmpi slt, %rem3A_117, %lt3A_120 : i32
        %lt3A_122 = arith.constant 0 : i32
        %lt3A_123 = arith.cmpi slt, %select_n3A_116, %lt3A_122 : i32
        %ne3A_124 = arith.xori %lt3A_121, %lt3A_123 : i1
        %and3A_125 = arith.andi %ne3A_124, %ne3A_119 : i1
        %add3A_126 = arith.addi %rem3A_117, %select_n3A_116 : i32
        %select_n3A_127 = arith.select %and3A_125, %add3A_126, %rem3A_117 : i32
        %dma_wait3A_128 = arith.constant 0 : i32
        %dma_wait3A_129 = tpu.memref_slice %arg6[%scan3A_92, %dma_wait3A_128] : memref<125x80xi32, #tpu.memory_space<vmem>> -> memref<1x80xi32, #tpu.memory_space<vmem>>
        %dma_wait3A_130 = tpu.memref_squeeze %dma_wait3A_129 : memref<1x80xi32, #tpu.memory_space<vmem>> -> memref<80xi32, #tpu.memory_space<vmem>>
        %dma_wait3A_131 = arith.constant 0 : i32
        %dma_wait3A_132 = arith.constant 0 : i32
        %dma_wait3A_133 = tpu.memref_slice %arg8[%dma_wait3A_131, %dma_wait3A_132] : memref<10240x128xf32, #tpu.memory_space<vmem_shared>> -> memref<10240x128xf32, #tpu.memory_space<vmem_shared>>
        %dma_wait3A_134 = tpu.memref_slice %arg9[%select_n3A_127] : memref<4x!tpu.dma_semaphore, #tpu.memory_space<semaphore_mem>> -> memref<1x!tpu.dma_semaphore, #tpu.memory_space<semaphore_mem>>
        %dma_wait3A_135 = tpu.memref_squeeze %dma_wait3A_134 : memref<1x!tpu.dma_semaphore, #tpu.memory_space<semaphore_mem>> -> memref<!tpu.dma_semaphore, #tpu.memory_space<semaphore_mem>>
        tpu.wait_indirect_dma semaphore(%dma_wait3A_135 : memref<!tpu.dma_semaphore, #tpu.memory_space<semaphore_mem>>) src(%arg7 : memref<80x128xf32, #tpu.memory_space<vmem>>) dst(%dma_wait3A_133 : memref<10240x128xf32, #tpu.memory_space<vmem_shared>>)
      } else {
      }
    }
    %scan3A_43 = arith.constant 125 : i32
    %dma_wait3A_44 = arith.constant 0 : i32
    %dma_wait3A_45 = arith.constant 0 : i32
    %dma_wait3A_46 = arith.constant 0 : i32
    %dma_wait3A_47 = tpu.memref_slice %arg6[%dma_wait3A_44, %dma_wait3A_46] : memref<125x80xi32, #tpu.memory_space<vmem>> -> memref<1x80xi32, #tpu.memory_space<vmem>>
    %dma_wait3A_48 = tpu.memref_squeeze %dma_wait3A_47 : memref<1x80xi32, #tpu.memory_space<vmem>> -> memref<80xi32, #tpu.memory_space<vmem>>
    %dma_wait3A_49 = arith.constant 0 : i32
    %dma_wait3A_50 = arith.constant 0 : i32
    %dma_wait3A_51 = tpu.memref_slice %arg8[%dma_wait3A_49, %dma_wait3A_50] : memref<10240x128xf32, #tpu.memory_space<vmem_shared>> -> memref<10240x128xf32, #tpu.memory_space<vmem_shared>>
    %dma_wait3A_52 = tpu.memref_slice %arg9[%dma_wait3A_45] : memref<4x!tpu.dma_semaphore, #tpu.memory_space<semaphore_mem>> -> memref<1x!tpu.dma_semaphore, #tpu.memory_space<semaphore_mem>>
    %dma_wait3A_53 = tpu.memref_squeeze %dma_wait3A_52 : memref<1x!tpu.dma_semaphore, #tpu.memory_space<semaphore_mem>> -> memref<!tpu.dma_semaphore, #tpu.memory_space<semaphore_mem>>
    tpu.wait_indirect_dma semaphore(%dma_wait3A_53 : memref<!tpu.dma_semaphore, #tpu.memory_space<semaphore_mem>>) src(%arg7 : memref<80x128xf32, #tpu.memory_space<vmem>>) dst(%dma_wait3A_51 : memref<10240x128xf32, #tpu.memory_space<vmem_shared>>)
    %dma_wait3A_54 = arith.constant 0 : i32
    %dma_wait3A_55 = arith.constant 1 : i32
    %dma_wait3A_56 = arith.constant 0 : i32
    %dma_wait3A_57 = tpu.memref_slice %arg6[%dma_wait3A_54, %dma_wait3A_56] : memref<125x80xi32, #tpu.memory_space<vmem>> -> memref<1x80xi32, #tpu.memory_space<vmem>>
    %dma_wait3A_58 = tpu.memref_squeeze %dma_wait3A_57 : memref<1x80xi32, #tpu.memory_space<vmem>> -> memref<80xi32, #tpu.memory_space<vmem>>
    %dma_wait3A_59 = arith.constant 0 : i32
    %dma_wait3A_60 = arith.constant 0 : i32
    %dma_wait3A_61 = tpu.memref_slice %arg8[%dma_wait3A_59, %dma_wait3A_60] : memref<10240x128xf32, #tpu.memory_space<vmem_shared>> -> memref<10240x128xf32, #tpu.memory_space<vmem_shared>>
    %dma_wait3A_62 = tpu.memref_slice %arg9[%dma_wait3A_55] : memref<4x!tpu.dma_semaphore, #tpu.memory_space<semaphore_mem>> -> memref<1x!tpu.dma_semaphore, #tpu.memory_space<semaphore_mem>>
    %dma_wait3A_63 = tpu.memref_squeeze %dma_wait3A_62 : memref<1x!tpu.dma_semaphore, #tpu.memory_space<semaphore_mem>> -> memref<!tpu.dma_semaphore, #tpu.memory_space<semaphore_mem>>
    tpu.wait_indirect_dma semaphore(%dma_wait3A_63 : memref<!tpu.dma_semaphore, #tpu.memory_space<semaphore_mem>>) src(%arg7 : memref<80x128xf32, #tpu.memory_space<vmem>>) dst(%dma_wait3A_61 : memref<10240x128xf32, #tpu.memory_space<vmem_shared>>)
    %dma_wait3A_64 = arith.constant 0 : i32
    %dma_wait3A_65 = arith.constant 2 : i32
    %dma_wait3A_66 = arith.constant 0 : i32
    %dma_wait3A_67 = tpu.memref_slice %arg6[%dma_wait3A_64, %dma_wait3A_66] : memref<125x80xi32, #tpu.memory_space<vmem>> -> memref<1x80xi32, #tpu.memory_space<vmem>>
    %dma_wait3A_68 = tpu.memref_squeeze %dma_wait3A_67 : memref<1x80xi32, #tpu.memory_space<vmem>> -> memref<80xi32, #tpu.memory_space<vmem>>
    %dma_wait3A_69 = arith.constant 0 : i32
    %dma_wait3A_70 = arith.constant 0 : i32
    %dma_wait3A_71 = tpu.memref_slice %arg8[%dma_wait3A_69, %dma_wait3A_70] : memref<10240x128xf32, #tpu.memory_space<vmem_shared>> -> memref<10240x128xf32, #tpu.memory_space<vmem_shared>>
    %dma_wait3A_72 = tpu.memref_slice %arg9[%dma_wait3A_65] : memref<4x!tpu.dma_semaphore, #tpu.memory_space<semaphore_mem>> -> memref<1x!tpu.dma_semaphore, #tpu.memory_space<semaphore_mem>>
    %dma_wait3A_73 = tpu.memref_squeeze %dma_wait3A_72 : memref<1x!tpu.dma_semaphore, #tpu.memory_space<semaphore_mem>> -> memref<!tpu.dma_semaphore, #tpu.memory_space<semaphore_mem>>
    tpu.wait_indirect_dma semaphore(%dma_wait3A_73 : memref<!tpu.dma_semaphore, #tpu.memory_space<semaphore_mem>>) src(%arg7 : memref<80x128xf32, #tpu.memory_space<vmem>>) dst(%dma_wait3A_71 : memref<10240x128xf32, #tpu.memory_space<vmem_shared>>)
    %dma_wait3A_74 = arith.constant 0 : i32
    %dma_wait3A_75 = arith.constant 3 : i32
    %dma_wait3A_76 = arith.constant 0 : i32
    %dma_wait3A_77 = tpu.memref_slice %arg6[%dma_wait3A_74, %dma_wait3A_76] : memref<125x80xi32, #tpu.memory_space<vmem>> -> memref<1x80xi32, #tpu.memory_space<vmem>>
    %dma_wait3A_78 = tpu.memref_squeeze %dma_wait3A_77 : memref<1x80xi32, #tpu.memory_space<vmem>> -> memref<80xi32, #tpu.memory_space<vmem>>
    %dma_wait3A_79 = arith.constant 0 : i32
    %dma_wait3A_80 = arith.constant 0 : i32
    %dma_wait3A_81 = tpu.memref_slice %arg8[%dma_wait3A_79, %dma_wait3A_80] : memref<10240x128xf32, #tpu.memory_space<vmem_shared>> -> memref<10240x128xf32, #tpu.memory_space<vmem_shared>>
    %dma_wait3A_82 = tpu.memref_slice %arg9[%dma_wait3A_75] : memref<4x!tpu.dma_semaphore, #tpu.memory_space<semaphore_mem>> -> memref<1x!tpu.dma_semaphore, #tpu.memory_space<semaphore_mem>>
    %dma_wait3A_83 = tpu.memref_squeeze %dma_wait3A_82 : memref<1x!tpu.dma_semaphore, #tpu.memory_space<semaphore_mem>> -> memref<!tpu.dma_semaphore, #tpu.memory_space<semaphore_mem>>
    tpu.wait_indirect_dma semaphore(%dma_wait3A_83 : memref<!tpu.dma_semaphore, #tpu.memory_space<semaphore_mem>>) src(%arg7 : memref<80x128xf32, #tpu.memory_space<vmem>>) dst(%dma_wait3A_81 : memref<10240x128xf32, #tpu.memory_space<vmem_shared>>)
    %barrier3A_84 = arith.constant 0 : index
    tpu.barrier barrier_id(%barrier3A_84)
    %mul3A_85 = arith.constant 640 : i32
    %mul3A_86 = arith.muli %arg1, %mul3A_85 : i32
    %multiple_of3A_87 = tpu.assume_multiple %mul3A_86, 8 : i32
    %mul3A_88 = arith.constant 10240 : i32
    %mul3A_89 = arith.muli %arg0, %mul3A_88 : i32
    %multiple_of3A_90 = tpu.assume_multiple %mul3A_89, 8 : i32
    %add3A_91 = arith.addi %multiple_of3A_90, %multiple_of3A_87 : i32
    "tpu.region"() ({
      %run_scoped3A = tpu.sem_alloc : memref<!tpu.dma_semaphore, #tpu.memory_space<semaphore_mem>>
      %dma_start3A_92 = arith.constant 0 : i32
      %dma_start3A_93 = tpu.memref_slice %arg5[%add3A_91, %dma_start3A_92] : memref<20480x128xf32, #tpu.memory_space<hbm>> -> memref<640x128xf32, #tpu.memory_space<hbm>>
      %dma_start3A_94 = arith.constant 0 : i32
      %dma_start3A_95 = tpu.memref_slice %arg8[%multiple_of3A_87, %dma_start3A_94] : memref<10240x128xf32, #tpu.memory_space<vmem_shared>> -> memref<640x128xf32, #tpu.memory_space<vmem_shared>>
      tpu.enqueue_dma source(%dma_start3A_95 : memref<640x128xf32, #tpu.memory_space<vmem_shared>>) target(%dma_start3A_93 : memref<640x128xf32, #tpu.memory_space<hbm>>) target_semaphore(%run_scoped3A : memref<!tpu.dma_semaphore, #tpu.memory_space<semaphore_mem>>)
      %dma_wait3A_96 = arith.constant 0 : i32
      %dma_wait3A_97 = tpu.memref_slice %arg5[%add3A_91, %dma_wait3A_96] : memref<20480x128xf32, #tpu.memory_space<hbm>> -> memref<640x128xf32, #tpu.memory_space<hbm>>
      %dma_wait3A_98 = arith.constant 0 : i32
      %dma_wait3A_99 = tpu.memref_slice %arg8[%multiple_of3A_87, %dma_wait3A_98] : memref<10240x128xf32, #tpu.memory_space<vmem_shared>> -> memref<640x128xf32, #tpu.memory_space<vmem_shared>>
      tpu.wait_dma2 semaphore(%run_scoped3A : memref<!tpu.dma_semaphore, #tpu.memory_space<semaphore_mem>>) src(%dma_wait3A_99 : memref<640x128xf32, #tpu.memory_space<vmem_shared>>) dst(%dma_wait3A_97 : memref<640x128xf32, #tpu.memory_space<hbm>>)
      tpu.yield
    }) : () -> ()
    return
  }
}

#map = affine_map<(d0, d1) -> (0, 0)>
#map1 = affine_map<(d0, d1) -> (0)>
#map2 = affine_map<(d0, d1) -> (0, 0, 0)>
module attributes {stable_mosaic.version = 14 : i64} {
  func.func @_agg_body(%arg0: i32, %arg1: i32, %arg2: memref<10000x128xf32, #tpu.memory_space<hbm>>, %arg3: memref<320000xi32, #tpu.memory_space<hbm>>, %arg4: memref<32x125x80xi32, #tpu.memory_space<hbm>>, %arg5: memref<640x128xf32, #tpu.memory_space<hbm>>, %arg6: memref<20480x128xf32, #tpu.memory_space<hbm>>, %arg7: memref<3x80xi32, #tpu.memory_space<vmem>>, %arg8: memref<125x80xi32, #tpu.memory_space<vmem>>, %arg9: memref<3x80x128xf32, #tpu.memory_space<vmem>>, %arg10: memref<10240x128xf32, #tpu.memory_space<vmem_shared>>, %arg11: memref<3x!tpu.dma_semaphore, #tpu.memory_space<semaphore_mem>>, %arg12: memref<3x!tpu.dma_semaphore, #tpu.memory_space<semaphore_mem>>, %arg13: memref<3x!tpu.dma_semaphore, #tpu.memory_space<semaphore_mem>>) attributes {dimension_semantics = [#tpu.dimension_semantics<core_parallel>, #tpu.dimension_semantics<subcore_parallel>], iteration_bounds = array<i64: 2, 16>, scalar_prefetch = 0 : i64, scratch_operands = 7 : i64, tpu.core_type = #tpu.core_type<sc_vector_subcore>, window_params = [{transform_indices = #map}, {transform_indices = #map1}, {transform_indices = #map2}, {transform_indices = #map}, {transform_indices = #map}]} {
    %mul3A = arith.constant 16 : i32
    %mul3A_0 = arith.muli %arg0, %mul3A : i32
    %add3A = arith.addi %mul3A_0, %arg1 : i32
    %mul3A_1 = arith.constant 10000 : i32
    %mul3A_2 = arith.muli %add3A, %mul3A_1 : i32
    %multiple_of3A = tpu.assume_multiple %mul3A_2, 8 : i32
    %mul3A_3 = arith.constant 640 : i32
    %mul3A_4 = arith.muli %arg1, %mul3A_3 : i32
    %multiple_of3A_5 = tpu.assume_multiple %mul3A_4, 8 : i32
    %dma_start3A = arith.constant 0 : i32
    %dma_start3A_6 = arith.constant 0 : i32
    %dma_start3A_7 = arith.constant 0 : i32
    %dma_start3A_8 = tpu.memref_slice %arg4[%add3A, %dma_start3A_6, %dma_start3A_7] : memref<32x125x80xi32, #tpu.memory_space<hbm>> -> memref<1x125x80xi32, #tpu.memory_space<hbm>>
    %dma_start3A_9 = tpu.memref_squeeze %dma_start3A_8 : memref<1x125x80xi32, #tpu.memory_space<hbm>> -> memref<125x80xi32, #tpu.memory_space<hbm>>
    %dma_start3A_10 = tpu.memref_slice %arg11[%dma_start3A] : memref<3x!tpu.dma_semaphore, #tpu.memory_space<semaphore_mem>> -> memref<1x!tpu.dma_semaphore, #tpu.memory_space<semaphore_mem>>
    %dma_start3A_11 = tpu.memref_squeeze %dma_start3A_10 : memref<1x!tpu.dma_semaphore, #tpu.memory_space<semaphore_mem>> -> memref<!tpu.dma_semaphore, #tpu.memory_space<semaphore_mem>>
    %dma_start3A_12 = arith.constant 0 : i32
    %dma_start3A_13 = arith.constant 0 : i32
    %dma_start3A_14 = tpu.memref_slice %arg4[%add3A, %dma_start3A_12, %dma_start3A_13] : memref<32x125x80xi32, #tpu.memory_space<hbm>> -> memref<1x125x80xi32, #tpu.memory_space<hbm>>
    %dma_start3A_15 = tpu.memref_squeeze %dma_start3A_14 : memref<1x125x80xi32, #tpu.memory_space<hbm>> -> memref<125x80xi32, #tpu.memory_space<hbm>>
    tpu.enqueue_dma source(%dma_start3A_15 : memref<125x80xi32, #tpu.memory_space<hbm>>) target(%arg8 : memref<125x80xi32, #tpu.memory_space<vmem>>) target_semaphore(%dma_start3A_11 : memref<!tpu.dma_semaphore, #tpu.memory_space<semaphore_mem>>)
    %dma_start3A_16 = arith.constant 0 : i32
    %dma_start3A_17 = arith.constant 0 : i32
    %dma_start3A_18 = arith.constant 0 : i32
    %dma_start3A_19 = tpu.memref_slice %arg7[%dma_start3A_16, %dma_start3A_18] : memref<3x80xi32, #tpu.memory_space<vmem>> -> memref<1x80xi32, #tpu.memory_space<vmem>>
    %dma_start3A_20 = tpu.memref_squeeze %dma_start3A_19 : memref<1x80xi32, #tpu.memory_space<vmem>> -> memref<80xi32, #tpu.memory_space<vmem>>
    %dma_start3A_21 = tpu.memref_slice %arg3[%multiple_of3A] : memref<320000xi32, #tpu.memory_space<hbm>> -> memref<80xi32, #tpu.memory_space<hbm>>
    %dma_start3A_22 = tpu.memref_slice %arg13[%dma_start3A_17] : memref<3x!tpu.dma_semaphore, #tpu.memory_space<semaphore_mem>> -> memref<1x!tpu.dma_semaphore, #tpu.memory_space<semaphore_mem>>
    %dma_start3A_23 = tpu.memref_squeeze %dma_start3A_22 : memref<1x!tpu.dma_semaphore, #tpu.memory_space<semaphore_mem>> -> memref<!tpu.dma_semaphore, #tpu.memory_space<semaphore_mem>>
    %dma_start3A_24 = arith.constant 0 : i32
    %dma_start3A_25 = tpu.memref_slice %arg7[%dma_start3A_16, %dma_start3A_24] : memref<3x80xi32, #tpu.memory_space<vmem>> -> memref<1x80xi32, #tpu.memory_space<vmem>>
    %dma_start3A_26 = tpu.memref_squeeze %dma_start3A_25 : memref<1x80xi32, #tpu.memory_space<vmem>> -> memref<80xi32, #tpu.memory_space<vmem>>
    %dma_start3A_27 = tpu.memref_slice %arg3[%multiple_of3A] : memref<320000xi32, #tpu.memory_space<hbm>> -> memref<80xi32, #tpu.memory_space<hbm>>
    tpu.enqueue_dma source(%dma_start3A_27 : memref<80xi32, #tpu.memory_space<hbm>>) target(%dma_start3A_26 : memref<80xi32, #tpu.memory_space<vmem>>) target_semaphore(%dma_start3A_23 : memref<!tpu.dma_semaphore, #tpu.memory_space<semaphore_mem>>)
    %add3A_28 = arith.constant 80 : i32
    %add3A_29 = arith.addi %multiple_of3A, %add3A_28 : i32
    %dma_start3A_30 = arith.constant 1 : i32
    %dma_start3A_31 = arith.constant 1 : i32
    %dma_start3A_32 = arith.constant 0 : i32
    %dma_start3A_33 = tpu.memref_slice %arg7[%dma_start3A_30, %dma_start3A_32] : memref<3x80xi32, #tpu.memory_space<vmem>> -> memref<1x80xi32, #tpu.memory_space<vmem>>
    %dma_start3A_34 = tpu.memref_squeeze %dma_start3A_33 : memref<1x80xi32, #tpu.memory_space<vmem>> -> memref<80xi32, #tpu.memory_space<vmem>>
    %dma_start3A_35 = tpu.memref_slice %arg3[%add3A_29] : memref<320000xi32, #tpu.memory_space<hbm>> -> memref<80xi32, #tpu.memory_space<hbm>>
    %dma_start3A_36 = tpu.memref_slice %arg13[%dma_start3A_31] : memref<3x!tpu.dma_semaphore, #tpu.memory_space<semaphore_mem>> -> memref<1x!tpu.dma_semaphore, #tpu.memory_space<semaphore_mem>>
    %dma_start3A_37 = tpu.memref_squeeze %dma_start3A_36 : memref<1x!tpu.dma_semaphore, #tpu.memory_space<semaphore_mem>> -> memref<!tpu.dma_semaphore, #tpu.memory_space<semaphore_mem>>
    %dma_start3A_38 = arith.constant 0 : i32
    %dma_start3A_39 = tpu.memref_slice %arg7[%dma_start3A_30, %dma_start3A_38] : memref<3x80xi32, #tpu.memory_space<vmem>> -> memref<1x80xi32, #tpu.memory_space<vmem>>
    %dma_start3A_40 = tpu.memref_squeeze %dma_start3A_39 : memref<1x80xi32, #tpu.memory_space<vmem>> -> memref<80xi32, #tpu.memory_space<vmem>>
    %dma_start3A_41 = tpu.memref_slice %arg3[%add3A_29] : memref<320000xi32, #tpu.memory_space<hbm>> -> memref<80xi32, #tpu.memory_space<hbm>>
    tpu.enqueue_dma source(%dma_start3A_41 : memref<80xi32, #tpu.memory_space<hbm>>) target(%dma_start3A_40 : memref<80xi32, #tpu.memory_space<vmem>>) target_semaphore(%dma_start3A_37 : memref<!tpu.dma_semaphore, #tpu.memory_space<semaphore_mem>>)
    %add3A_42 = arith.constant 160 : i32
    %add3A_43 = arith.addi %multiple_of3A, %add3A_42 : i32
    %dma_start3A_44 = arith.constant 2 : i32
    %dma_start3A_45 = arith.constant 2 : i32
    %dma_start3A_46 = arith.constant 0 : i32
    %dma_start3A_47 = tpu.memref_slice %arg7[%dma_start3A_44, %dma_start3A_46] : memref<3x80xi32, #tpu.memory_space<vmem>> -> memref<1x80xi32, #tpu.memory_space<vmem>>
    %dma_start3A_48 = tpu.memref_squeeze %dma_start3A_47 : memref<1x80xi32, #tpu.memory_space<vmem>> -> memref<80xi32, #tpu.memory_space<vmem>>
    %dma_start3A_49 = tpu.memref_slice %arg3[%add3A_43] : memref<320000xi32, #tpu.memory_space<hbm>> -> memref<80xi32, #tpu.memory_space<hbm>>
    %dma_start3A_50 = tpu.memref_slice %arg13[%dma_start3A_45] : memref<3x!tpu.dma_semaphore, #tpu.memory_space<semaphore_mem>> -> memref<1x!tpu.dma_semaphore, #tpu.memory_space<semaphore_mem>>
    %dma_start3A_51 = tpu.memref_squeeze %dma_start3A_50 : memref<1x!tpu.dma_semaphore, #tpu.memory_space<semaphore_mem>> -> memref<!tpu.dma_semaphore, #tpu.memory_space<semaphore_mem>>
    %dma_start3A_52 = arith.constant 0 : i32
    %dma_start3A_53 = tpu.memref_slice %arg7[%dma_start3A_44, %dma_start3A_52] : memref<3x80xi32, #tpu.memory_space<vmem>> -> memref<1x80xi32, #tpu.memory_space<vmem>>
    %dma_start3A_54 = tpu.memref_squeeze %dma_start3A_53 : memref<1x80xi32, #tpu.memory_space<vmem>> -> memref<80xi32, #tpu.memory_space<vmem>>
    %dma_start3A_55 = tpu.memref_slice %arg3[%add3A_43] : memref<320000xi32, #tpu.memory_space<hbm>> -> memref<80xi32, #tpu.memory_space<hbm>>
    tpu.enqueue_dma source(%dma_start3A_55 : memref<80xi32, #tpu.memory_space<hbm>>) target(%dma_start3A_54 : memref<80xi32, #tpu.memory_space<vmem>>) target_semaphore(%dma_start3A_51 : memref<!tpu.dma_semaphore, #tpu.memory_space<semaphore_mem>>)
    %dma_start3A_56 = arith.constant 1 : i32
    %dma_start3A_57 = tpu.memref_slice %arg11[%dma_start3A_56] : memref<3x!tpu.dma_semaphore, #tpu.memory_space<semaphore_mem>> -> memref<1x!tpu.dma_semaphore, #tpu.memory_space<semaphore_mem>>
    %dma_start3A_58 = tpu.memref_squeeze %dma_start3A_57 : memref<1x!tpu.dma_semaphore, #tpu.memory_space<semaphore_mem>> -> memref<!tpu.dma_semaphore, #tpu.memory_space<semaphore_mem>>
    %dma_start3A_59 = arith.constant 0 : i32
    %dma_start3A_60 = tpu.memref_slice %arg10[%multiple_of3A_5, %dma_start3A_59] : memref<10240x128xf32, #tpu.memory_space<vmem_shared>> -> memref<640x128xf32, #tpu.memory_space<vmem_shared>>
    tpu.enqueue_dma source(%arg5 : memref<640x128xf32, #tpu.memory_space<hbm>>) target(%dma_start3A_60 : memref<640x128xf32, #tpu.memory_space<vmem_shared>>) target_semaphore(%dma_start3A_58 : memref<!tpu.dma_semaphore, #tpu.memory_space<semaphore_mem>>)
    %dma_wait3A = arith.constant 0 : i32
    %dma_wait3A_61 = arith.constant 0 : i32
    %dma_wait3A_62 = arith.constant 0 : i32
    %dma_wait3A_63 = tpu.memref_slice %arg4[%add3A, %dma_wait3A_61, %dma_wait3A_62] : memref<32x125x80xi32, #tpu.memory_space<hbm>> -> memref<1x125x80xi32, #tpu.memory_space<hbm>>
    %dma_wait3A_64 = tpu.memref_squeeze %dma_wait3A_63 : memref<1x125x80xi32, #tpu.memory_space<hbm>> -> memref<125x80xi32, #tpu.memory_space<hbm>>
    %dma_wait3A_65 = tpu.memref_slice %arg11[%dma_wait3A] : memref<3x!tpu.dma_semaphore, #tpu.memory_space<semaphore_mem>> -> memref<1x!tpu.dma_semaphore, #tpu.memory_space<semaphore_mem>>
    %dma_wait3A_66 = tpu.memref_squeeze %dma_wait3A_65 : memref<1x!tpu.dma_semaphore, #tpu.memory_space<semaphore_mem>> -> memref<!tpu.dma_semaphore, #tpu.memory_space<semaphore_mem>>
    %dma_wait3A_67 = arith.constant 0 : i32
    %dma_wait3A_68 = arith.constant 0 : i32
    %dma_wait3A_69 = tpu.memref_slice %arg4[%add3A, %dma_wait3A_67, %dma_wait3A_68] : memref<32x125x80xi32, #tpu.memory_space<hbm>> -> memref<1x125x80xi32, #tpu.memory_space<hbm>>
    %dma_wait3A_70 = tpu.memref_squeeze %dma_wait3A_69 : memref<1x125x80xi32, #tpu.memory_space<hbm>> -> memref<125x80xi32, #tpu.memory_space<hbm>>
    tpu.wait_dma2 semaphore(%dma_wait3A_66 : memref<!tpu.dma_semaphore, #tpu.memory_space<semaphore_mem>>) src(%dma_wait3A_70 : memref<125x80xi32, #tpu.memory_space<hbm>>) dst(%arg8 : memref<125x80xi32, #tpu.memory_space<vmem>>)
    %dma_wait3A_71 = arith.constant 0 : i32
    %dma_wait3A_72 = arith.constant 0 : i32
    %dma_wait3A_73 = arith.constant 0 : i32
    %dma_wait3A_74 = tpu.memref_slice %arg7[%dma_wait3A_71, %dma_wait3A_73] : memref<3x80xi32, #tpu.memory_space<vmem>> -> memref<1x80xi32, #tpu.memory_space<vmem>>
    %dma_wait3A_75 = tpu.memref_squeeze %dma_wait3A_74 : memref<1x80xi32, #tpu.memory_space<vmem>> -> memref<80xi32, #tpu.memory_space<vmem>>
    %dma_wait3A_76 = tpu.memref_slice %arg3[%multiple_of3A] : memref<320000xi32, #tpu.memory_space<hbm>> -> memref<80xi32, #tpu.memory_space<hbm>>
    %dma_wait3A_77 = tpu.memref_slice %arg13[%dma_wait3A_72] : memref<3x!tpu.dma_semaphore, #tpu.memory_space<semaphore_mem>> -> memref<1x!tpu.dma_semaphore, #tpu.memory_space<semaphore_mem>>
    %dma_wait3A_78 = tpu.memref_squeeze %dma_wait3A_77 : memref<1x!tpu.dma_semaphore, #tpu.memory_space<semaphore_mem>> -> memref<!tpu.dma_semaphore, #tpu.memory_space<semaphore_mem>>
    %dma_wait3A_79 = arith.constant 0 : i32
    %dma_wait3A_80 = tpu.memref_slice %arg7[%dma_wait3A_71, %dma_wait3A_79] : memref<3x80xi32, #tpu.memory_space<vmem>> -> memref<1x80xi32, #tpu.memory_space<vmem>>
    %dma_wait3A_81 = tpu.memref_squeeze %dma_wait3A_80 : memref<1x80xi32, #tpu.memory_space<vmem>> -> memref<80xi32, #tpu.memory_space<vmem>>
    %dma_wait3A_82 = tpu.memref_slice %arg3[%multiple_of3A] : memref<320000xi32, #tpu.memory_space<hbm>> -> memref<80xi32, #tpu.memory_space<hbm>>
    tpu.wait_dma2 semaphore(%dma_wait3A_78 : memref<!tpu.dma_semaphore, #tpu.memory_space<semaphore_mem>>) src(%dma_wait3A_82 : memref<80xi32, #tpu.memory_space<hbm>>) dst(%dma_wait3A_81 : memref<80xi32, #tpu.memory_space<vmem>>)
    %add3A_83 = arith.constant 80 : i32
    %add3A_84 = arith.addi %multiple_of3A, %add3A_83 : i32
    %dma_wait3A_85 = arith.constant 1 : i32
    %dma_wait3A_86 = arith.constant 1 : i32
    %dma_wait3A_87 = arith.constant 0 : i32
    %dma_wait3A_88 = tpu.memref_slice %arg7[%dma_wait3A_85, %dma_wait3A_87] : memref<3x80xi32, #tpu.memory_space<vmem>> -> memref<1x80xi32, #tpu.memory_space<vmem>>
    %dma_wait3A_89 = tpu.memref_squeeze %dma_wait3A_88 : memref<1x80xi32, #tpu.memory_space<vmem>> -> memref<80xi32, #tpu.memory_space<vmem>>
    %dma_wait3A_90 = tpu.memref_slice %arg3[%add3A_84] : memref<320000xi32, #tpu.memory_space<hbm>> -> memref<80xi32, #tpu.memory_space<hbm>>
    %dma_wait3A_91 = tpu.memref_slice %arg13[%dma_wait3A_86] : memref<3x!tpu.dma_semaphore, #tpu.memory_space<semaphore_mem>> -> memref<1x!tpu.dma_semaphore, #tpu.memory_space<semaphore_mem>>
    %dma_wait3A_92 = tpu.memref_squeeze %dma_wait3A_91 : memref<1x!tpu.dma_semaphore, #tpu.memory_space<semaphore_mem>> -> memref<!tpu.dma_semaphore, #tpu.memory_space<semaphore_mem>>
    %dma_wait3A_93 = arith.constant 0 : i32
    %dma_wait3A_94 = tpu.memref_slice %arg7[%dma_wait3A_85, %dma_wait3A_93] : memref<3x80xi32, #tpu.memory_space<vmem>> -> memref<1x80xi32, #tpu.memory_space<vmem>>
    %dma_wait3A_95 = tpu.memref_squeeze %dma_wait3A_94 : memref<1x80xi32, #tpu.memory_space<vmem>> -> memref<80xi32, #tpu.memory_space<vmem>>
    %dma_wait3A_96 = tpu.memref_slice %arg3[%add3A_84] : memref<320000xi32, #tpu.memory_space<hbm>> -> memref<80xi32, #tpu.memory_space<hbm>>
    tpu.wait_dma2 semaphore(%dma_wait3A_92 : memref<!tpu.dma_semaphore, #tpu.memory_space<semaphore_mem>>) src(%dma_wait3A_96 : memref<80xi32, #tpu.memory_space<hbm>>) dst(%dma_wait3A_95 : memref<80xi32, #tpu.memory_space<vmem>>)
    %dma_wait3A_97 = arith.constant 1 : i32
    %dma_wait3A_98 = tpu.memref_slice %arg11[%dma_wait3A_97] : memref<3x!tpu.dma_semaphore, #tpu.memory_space<semaphore_mem>> -> memref<1x!tpu.dma_semaphore, #tpu.memory_space<semaphore_mem>>
    %dma_wait3A_99 = tpu.memref_squeeze %dma_wait3A_98 : memref<1x!tpu.dma_semaphore, #tpu.memory_space<semaphore_mem>> -> memref<!tpu.dma_semaphore, #tpu.memory_space<semaphore_mem>>
    %dma_wait3A_100 = arith.constant 0 : i32
    %dma_wait3A_101 = tpu.memref_slice %arg10[%multiple_of3A_5, %dma_wait3A_100] : memref<10240x128xf32, #tpu.memory_space<vmem_shared>> -> memref<640x128xf32, #tpu.memory_space<vmem_shared>>
    tpu.wait_dma2 semaphore(%dma_wait3A_99 : memref<!tpu.dma_semaphore, #tpu.memory_space<semaphore_mem>>) src(%arg5 : memref<640x128xf32, #tpu.memory_space<hbm>>) dst(%dma_wait3A_101 : memref<640x128xf32, #tpu.memory_space<vmem_shared>>)
    %barrier3A = arith.constant 0 : index
    tpu.barrier barrier_id(%barrier3A)
    %dma_start3A_102 = arith.constant 0 : i32
    %dma_start3A_103 = arith.constant 0 : i32
    %dma_start3A_104 = arith.constant 0 : i32
    %dma_start3A_105 = arith.constant 0 : i32
    %dma_start3A_106 = arith.constant 0 : i32
    %dma_start3A_107 = tpu.memref_slice %arg9[%dma_start3A_103, %dma_start3A_105, %dma_start3A_106] : memref<3x80x128xf32, #tpu.memory_space<vmem>> -> memref<1x80x128xf32, #tpu.memory_space<vmem>>
    %dma_start3A_108 = tpu.memref_squeeze %dma_start3A_107 : memref<1x80x128xf32, #tpu.memory_space<vmem>> -> memref<80x128xf32, #tpu.memory_space<vmem>>
    %dma_start3A_109 = arith.constant 0 : i32
    %dma_start3A_110 = tpu.memref_slice %arg7[%dma_start3A_102, %dma_start3A_109] : memref<3x80xi32, #tpu.memory_space<vmem>> -> memref<1x80xi32, #tpu.memory_space<vmem>>
    %dma_start3A_111 = tpu.memref_squeeze %dma_start3A_110 : memref<1x80xi32, #tpu.memory_space<vmem>> -> memref<80xi32, #tpu.memory_space<vmem>>
    %dma_start3A_112 = arith.constant 0 : i32
    %dma_start3A_113 = arith.constant 0 : i32
    %dma_start3A_114 = tpu.memref_slice %arg2[%dma_start3A_112, %dma_start3A_113] : memref<10000x128xf32, #tpu.memory_space<hbm>> -> memref<10000x128xf32, #tpu.memory_space<hbm>>
    %dma_start3A_115 = tpu.memref_slice %arg11[%dma_start3A_104] : memref<3x!tpu.dma_semaphore, #tpu.memory_space<semaphore_mem>> -> memref<1x!tpu.dma_semaphore, #tpu.memory_space<semaphore_mem>>
    %dma_start3A_116 = tpu.memref_squeeze %dma_start3A_115 : memref<1x!tpu.dma_semaphore, #tpu.memory_space<semaphore_mem>> -> memref<!tpu.dma_semaphore, #tpu.memory_space<semaphore_mem>>
    tpu.enqueue_indirect_dma source(%dma_start3A_114 : memref<10000x128xf32, #tpu.memory_space<hbm>>) target(%dma_start3A_108 : memref<80x128xf32, #tpu.memory_space<vmem>>) offsets(%dma_start3A_111 : memref<80xi32, #tpu.memory_space<vmem>>) semaphore(%dma_start3A_116 : memref<!tpu.dma_semaphore, #tpu.memory_space<semaphore_mem>>)
    %dma_start3A_117 = arith.constant 1 : i32
    %dma_start3A_118 = arith.constant 1 : i32
    %dma_start3A_119 = arith.constant 1 : i32
    %dma_start3A_120 = arith.constant 0 : i32
    %dma_start3A_121 = arith.constant 0 : i32
    %dma_start3A_122 = tpu.memref_slice %arg9[%dma_start3A_118, %dma_start3A_120, %dma_start3A_121] : memref<3x80x128xf32, #tpu.memory_space<vmem>> -> memref<1x80x128xf32, #tpu.memory_space<vmem>>
    %dma_start3A_123 = tpu.memref_squeeze %dma_start3A_122 : memref<1x80x128xf32, #tpu.memory_space<vmem>> -> memref<80x128xf32, #tpu.memory_space<vmem>>
    %dma_start3A_124 = arith.constant 0 : i32
    %dma_start3A_125 = tpu.memref_slice %arg7[%dma_start3A_117, %dma_start3A_124] : memref<3x80xi32, #tpu.memory_space<vmem>> -> memref<1x80xi32, #tpu.memory_space<vmem>>
    %dma_start3A_126 = tpu.memref_squeeze %dma_start3A_125 : memref<1x80xi32, #tpu.memory_space<vmem>> -> memref<80xi32, #tpu.memory_space<vmem>>
    %dma_start3A_127 = arith.constant 0 : i32
    %dma_start3A_128 = arith.constant 0 : i32
    %dma_start3A_129 = tpu.memref_slice %arg2[%dma_start3A_127, %dma_start3A_128] : memref<10000x128xf32, #tpu.memory_space<hbm>> -> memref<10000x128xf32, #tpu.memory_space<hbm>>
    %dma_start3A_130 = tpu.memref_slice %arg11[%dma_start3A_119] : memref<3x!tpu.dma_semaphore, #tpu.memory_space<semaphore_mem>> -> memref<1x!tpu.dma_semaphore, #tpu.memory_space<semaphore_mem>>
    %dma_start3A_131 = tpu.memref_squeeze %dma_start3A_130 : memref<1x!tpu.dma_semaphore, #tpu.memory_space<semaphore_mem>> -> memref<!tpu.dma_semaphore, #tpu.memory_space<semaphore_mem>>
    tpu.enqueue_indirect_dma source(%dma_start3A_129 : memref<10000x128xf32, #tpu.memory_space<hbm>>) target(%dma_start3A_123 : memref<80x128xf32, #tpu.memory_space<vmem>>) offsets(%dma_start3A_126 : memref<80xi32, #tpu.memory_space<vmem>>) semaphore(%dma_start3A_131 : memref<!tpu.dma_semaphore, #tpu.memory_space<semaphore_mem>>)
    %scan3A = arith.constant 0 : i32
    %scan3A_132 = arith.constant 0 : i32
    %scan3A_133 = arith.constant 125 : i32
    %scan3A_134 = arith.addi %scan3A_132, %scan3A_133 : i32
    %scan3A_135 = arith.constant 1 : i32
    scf.for %scan3A_160 = %scan3A_132 to %scan3A_134 step %scan3A_135  : i32 {
      %jit3A = arith.constant 3 : i32
      %eq3A = arith.constant 0 : i32
      %eq3A_161 = arith.cmpi eq, %jit3A, %eq3A : i32
      %jit3A_162 = arith.constant 1 : i32
      %select_n3A = arith.select %eq3A_161, %jit3A_162, %jit3A : i32
      %rem3A = arith.remsi %scan3A_160, %select_n3A : i32
      %ne3A = arith.constant 0 : i32
      %ne3A_163 = arith.cmpi ne, %rem3A, %ne3A : i32
      %lt3A = arith.constant 0 : i32
      %lt3A_164 = arith.cmpi slt, %rem3A, %lt3A : i32
      %lt3A_165 = arith.constant 0 : i32
      %lt3A_166 = arith.cmpi slt, %select_n3A, %lt3A_165 : i32
      %ne3A_167 = arith.xori %lt3A_164, %lt3A_166 : i1
      %and3A = arith.andi %ne3A_167, %ne3A_163 : i1
      %add3A_168 = arith.addi %rem3A, %select_n3A : i32
      %select_n3A_169 = arith.select %and3A, %add3A_168, %rem3A : i32
      %add3A_170 = arith.constant 2 : i32
      %add3A_171 = arith.addi %scan3A_160, %add3A_170 : i32
      %jit3A_172 = arith.constant 3 : i32
      %eq3A_173 = arith.constant 0 : i32
      %eq3A_174 = arith.cmpi eq, %jit3A_172, %eq3A_173 : i32
      %jit3A_175 = arith.constant 1 : i32
      %select_n3A_176 = arith.select %eq3A_174, %jit3A_175, %jit3A_172 : i32
      %rem3A_177 = arith.remsi %add3A_171, %select_n3A_176 : i32
      %ne3A_178 = arith.constant 0 : i32
      %ne3A_179 = arith.cmpi ne, %rem3A_177, %ne3A_178 : i32
      %lt3A_180 = arith.constant 0 : i32
      %lt3A_181 = arith.cmpi slt, %rem3A_177, %lt3A_180 : i32
      %lt3A_182 = arith.constant 0 : i32
      %lt3A_183 = arith.cmpi slt, %select_n3A_176, %lt3A_182 : i32
      %ne3A_184 = arith.xori %lt3A_181, %lt3A_183 : i1
      %and3A_185 = arith.andi %ne3A_184, %ne3A_179 : i1
      %add3A_186 = arith.addi %rem3A_177, %select_n3A_176 : i32
      %select_n3A_187 = arith.select %and3A_185, %add3A_186, %rem3A_177 : i32
      %dma_wait3A_188 = arith.constant 0 : i32
      %dma_wait3A_189 = arith.constant 0 : i32
      %dma_wait3A_190 = tpu.memref_slice %arg9[%select_n3A_169, %dma_wait3A_188, %dma_wait3A_189] : memref<3x80x128xf32, #tpu.memory_space<vmem>> -> memref<1x80x128xf32, #tpu.memory_space<vmem>>
      %dma_wait3A_191 = tpu.memref_squeeze %dma_wait3A_190 : memref<1x80x128xf32, #tpu.memory_space<vmem>> -> memref<80x128xf32, #tpu.memory_space<vmem>>
      %dma_wait3A_192 = arith.constant 0 : i32
      %dma_wait3A_193 = tpu.memref_slice %arg7[%select_n3A_169, %dma_wait3A_192] : memref<3x80xi32, #tpu.memory_space<vmem>> -> memref<1x80xi32, #tpu.memory_space<vmem>>
      %dma_wait3A_194 = tpu.memref_squeeze %dma_wait3A_193 : memref<1x80xi32, #tpu.memory_space<vmem>> -> memref<80xi32, #tpu.memory_space<vmem>>
      %dma_wait3A_195 = arith.constant 0 : i32
      %dma_wait3A_196 = arith.constant 0 : i32
      %dma_wait3A_197 = tpu.memref_slice %arg2[%dma_wait3A_195, %dma_wait3A_196] : memref<10000x128xf32, #tpu.memory_space<hbm>> -> memref<10000x128xf32, #tpu.memory_space<hbm>>
      %dma_wait3A_198 = tpu.memref_slice %arg11[%select_n3A_169] : memref<3x!tpu.dma_semaphore, #tpu.memory_space<semaphore_mem>> -> memref<1x!tpu.dma_semaphore, #tpu.memory_space<semaphore_mem>>
      %dma_wait3A_199 = tpu.memref_squeeze %dma_wait3A_198 : memref<1x!tpu.dma_semaphore, #tpu.memory_space<semaphore_mem>> -> memref<!tpu.dma_semaphore, #tpu.memory_space<semaphore_mem>>
      tpu.wait_indirect_dma semaphore(%dma_wait3A_199 : memref<!tpu.dma_semaphore, #tpu.memory_space<semaphore_mem>>) src(%dma_wait3A_197 : memref<10000x128xf32, #tpu.memory_space<hbm>>) dst(%dma_wait3A_191 : memref<80x128xf32, #tpu.memory_space<vmem>>)
      %add3A_200 = arith.constant 3 : i32
      %add3A_201 = arith.addi %scan3A_160, %add3A_200 : i32
      %lt3A_202 = arith.constant 125 : i32
      %lt3A_203 = arith.cmpi slt, %add3A_201, %lt3A_202 : i32
      %convert_element_type3A = arith.extui %lt3A_203 : i1 to i32
      %cond3A = arith.constant 0 : i32
      %cond3A_204 = arith.cmpi ne, %convert_element_type3A, %cond3A : i32
      scf.if %cond3A_204 {
        %add3A_228 = arith.constant 3 : i32
        %add3A_229 = arith.addi %scan3A_160, %add3A_228 : i32
        %mul3A_230 = arith.constant 80 : i32
        %mul3A_231 = arith.muli %add3A_229, %mul3A_230 : i32
        %add3A_232 = arith.addi %multiple_of3A, %mul3A_231 : i32
        %multiple_of3A_233 = tpu.assume_multiple %add3A_232, 8 : i32
        %dma_start3A_234 = arith.constant 0 : i32
        %dma_start3A_235 = tpu.memref_slice %arg7[%select_n3A_169, %dma_start3A_234] : memref<3x80xi32, #tpu.memory_space<vmem>> -> memref<1x80xi32, #tpu.memory_space<vmem>>
        %dma_start3A_236 = tpu.memref_squeeze %dma_start3A_235 : memref<1x80xi32, #tpu.memory_space<vmem>> -> memref<80xi32, #tpu.memory_space<vmem>>
        %dma_start3A_237 = tpu.memref_slice %arg3[%multiple_of3A_233] : memref<320000xi32, #tpu.memory_space<hbm>> -> memref<80xi32, #tpu.memory_space<hbm>>
        %dma_start3A_238 = tpu.memref_slice %arg13[%select_n3A_169] : memref<3x!tpu.dma_semaphore, #tpu.memory_space<semaphore_mem>> -> memref<1x!tpu.dma_semaphore, #tpu.memory_space<semaphore_mem>>
        %dma_start3A_239 = tpu.memref_squeeze %dma_start3A_238 : memref<1x!tpu.dma_semaphore, #tpu.memory_space<semaphore_mem>> -> memref<!tpu.dma_semaphore, #tpu.memory_space<semaphore_mem>>
        %dma_start3A_240 = arith.constant 0 : i32
        %dma_start3A_241 = tpu.memref_slice %arg7[%select_n3A_169, %dma_start3A_240] : memref<3x80xi32, #tpu.memory_space<vmem>> -> memref<1x80xi32, #tpu.memory_space<vmem>>
        %dma_start3A_242 = tpu.memref_squeeze %dma_start3A_241 : memref<1x80xi32, #tpu.memory_space<vmem>> -> memref<80xi32, #tpu.memory_space<vmem>>
        %dma_start3A_243 = tpu.memref_slice %arg3[%multiple_of3A_233] : memref<320000xi32, #tpu.memory_space<hbm>> -> memref<80xi32, #tpu.memory_space<hbm>>
        tpu.enqueue_dma source(%dma_start3A_243 : memref<80xi32, #tpu.memory_space<hbm>>) target(%dma_start3A_242 : memref<80xi32, #tpu.memory_space<vmem>>) target_semaphore(%dma_start3A_239 : memref<!tpu.dma_semaphore, #tpu.memory_space<semaphore_mem>>)
      } else {
      }
      %dma_start3A_205 = arith.constant 0 : i32
      %dma_start3A_206 = arith.constant 0 : i32
      %dma_start3A_207 = tpu.memref_slice %arg9[%select_n3A_169, %dma_start3A_205, %dma_start3A_206] : memref<3x80x128xf32, #tpu.memory_space<vmem>> -> memref<1x80x128xf32, #tpu.memory_space<vmem>>
      %dma_start3A_208 = tpu.memref_squeeze %dma_start3A_207 : memref<1x80x128xf32, #tpu.memory_space<vmem>> -> memref<80x128xf32, #tpu.memory_space<vmem>>
      %dma_start3A_209 = arith.constant 0 : i32
      %dma_start3A_210 = tpu.memref_slice %arg8[%scan3A_160, %dma_start3A_209] : memref<125x80xi32, #tpu.memory_space<vmem>> -> memref<1x80xi32, #tpu.memory_space<vmem>>
      %dma_start3A_211 = tpu.memref_squeeze %dma_start3A_210 : memref<1x80xi32, #tpu.memory_space<vmem>> -> memref<80xi32, #tpu.memory_space<vmem>>
      %dma_start3A_212 = arith.constant 0 : i32
      %dma_start3A_213 = arith.constant 0 : i32
      %dma_start3A_214 = tpu.memref_slice %arg10[%dma_start3A_212, %dma_start3A_213] : memref<10240x128xf32, #tpu.memory_space<vmem_shared>> -> memref<10240x128xf32, #tpu.memory_space<vmem_shared>>
      %dma_start3A_215 = tpu.memref_slice %arg12[%select_n3A_169] : memref<3x!tpu.dma_semaphore, #tpu.memory_space<semaphore_mem>> -> memref<1x!tpu.dma_semaphore, #tpu.memory_space<semaphore_mem>>
      %dma_start3A_216 = tpu.memref_squeeze %dma_start3A_215 : memref<1x!tpu.dma_semaphore, #tpu.memory_space<semaphore_mem>> -> memref<!tpu.dma_semaphore, #tpu.memory_space<semaphore_mem>>
      tpu.enqueue_indirect_dma source(%dma_start3A_208 : memref<80x128xf32, #tpu.memory_space<vmem>>) target(%dma_start3A_214 : memref<10240x128xf32, #tpu.memory_space<vmem_shared>>) offsets(%dma_start3A_211 : memref<80xi32, #tpu.memory_space<vmem>>) semaphore(%dma_start3A_216 : memref<!tpu.dma_semaphore, #tpu.memory_space<semaphore_mem>>) {add = true}
      %ge3A = arith.constant 1 : i32
      %ge3A_217 = arith.cmpi sge, %scan3A_160, %ge3A : i32
      %convert_element_type3A_218 = arith.extui %ge3A_217 : i1 to i32
      %cond3A_219 = arith.constant 0 : i32
      %cond3A_220 = arith.cmpi ne, %convert_element_type3A_218, %cond3A_219 : i32
      scf.if %cond3A_220 {
        %dma_wait3A_228 = arith.constant 0 : i32
        %dma_wait3A_229 = arith.constant 0 : i32
        %dma_wait3A_230 = tpu.memref_slice %arg9[%select_n3A_187, %dma_wait3A_228, %dma_wait3A_229] : memref<3x80x128xf32, #tpu.memory_space<vmem>> -> memref<1x80x128xf32, #tpu.memory_space<vmem>>
        %dma_wait3A_231 = tpu.memref_squeeze %dma_wait3A_230 : memref<1x80x128xf32, #tpu.memory_space<vmem>> -> memref<80x128xf32, #tpu.memory_space<vmem>>
        %dma_wait3A_232 = arith.constant 0 : i32
        %dma_wait3A_233 = tpu.memref_slice %arg8[%scan3A_160, %dma_wait3A_232] : memref<125x80xi32, #tpu.memory_space<vmem>> -> memref<1x80xi32, #tpu.memory_space<vmem>>
        %dma_wait3A_234 = tpu.memref_squeeze %dma_wait3A_233 : memref<1x80xi32, #tpu.memory_space<vmem>> -> memref<80xi32, #tpu.memory_space<vmem>>
        %dma_wait3A_235 = arith.constant 0 : i32
        %dma_wait3A_236 = arith.constant 0 : i32
        %dma_wait3A_237 = tpu.memref_slice %arg10[%dma_wait3A_235, %dma_wait3A_236] : memref<10240x128xf32, #tpu.memory_space<vmem_shared>> -> memref<10240x128xf32, #tpu.memory_space<vmem_shared>>
        %dma_wait3A_238 = tpu.memref_slice %arg12[%select_n3A_187] : memref<3x!tpu.dma_semaphore, #tpu.memory_space<semaphore_mem>> -> memref<1x!tpu.dma_semaphore, #tpu.memory_space<semaphore_mem>>
        %dma_wait3A_239 = tpu.memref_squeeze %dma_wait3A_238 : memref<1x!tpu.dma_semaphore, #tpu.memory_space<semaphore_mem>> -> memref<!tpu.dma_semaphore, #tpu.memory_space<semaphore_mem>>
        tpu.wait_indirect_dma semaphore(%dma_wait3A_239 : memref<!tpu.dma_semaphore, #tpu.memory_space<semaphore_mem>>) src(%dma_wait3A_231 : memref<80x128xf32, #tpu.memory_space<vmem>>) dst(%dma_wait3A_237 : memref<10240x128xf32, #tpu.memory_space<vmem_shared>>)
      } else {
      }
      %add3A_221 = arith.constant 2 : i32
      %add3A_222 = arith.addi %scan3A_160, %add3A_221 : i32
      %lt3A_223 = arith.constant 125 : i32
      %lt3A_224 = arith.cmpi slt, %add3A_222, %lt3A_223 : i32
      %convert_element_type3A_225 = arith.extui %lt3A_224 : i1 to i32
      %cond3A_226 = arith.constant 0 : i32
      %cond3A_227 = arith.cmpi ne, %convert_element_type3A_225, %cond3A_226 : i32
      scf.if %cond3A_227 {
        %dma_wait3A_228 = arith.constant 0 : i32
        %dma_wait3A_229 = tpu.memref_slice %arg7[%select_n3A_187, %dma_wait3A_228] : memref<3x80xi32, #tpu.memory_space<vmem>> -> memref<1x80xi32, #tpu.memory_space<vmem>>
        %dma_wait3A_230 = tpu.memref_squeeze %dma_wait3A_229 : memref<1x80xi32, #tpu.memory_space<vmem>> -> memref<80xi32, #tpu.memory_space<vmem>>
        %dma_wait3A_231 = tpu.memref_slice %arg3[%multiple_of3A] : memref<320000xi32, #tpu.memory_space<hbm>> -> memref<80xi32, #tpu.memory_space<hbm>>
        %dma_wait3A_232 = tpu.memref_slice %arg13[%select_n3A_187] : memref<3x!tpu.dma_semaphore, #tpu.memory_space<semaphore_mem>> -> memref<1x!tpu.dma_semaphore, #tpu.memory_space<semaphore_mem>>
        %dma_wait3A_233 = tpu.memref_squeeze %dma_wait3A_232 : memref<1x!tpu.dma_semaphore, #tpu.memory_space<semaphore_mem>> -> memref<!tpu.dma_semaphore, #tpu.memory_space<semaphore_mem>>
        %dma_wait3A_234 = arith.constant 0 : i32
        %dma_wait3A_235 = tpu.memref_slice %arg7[%select_n3A_187, %dma_wait3A_234] : memref<3x80xi32, #tpu.memory_space<vmem>> -> memref<1x80xi32, #tpu.memory_space<vmem>>
        %dma_wait3A_236 = tpu.memref_squeeze %dma_wait3A_235 : memref<1x80xi32, #tpu.memory_space<vmem>> -> memref<80xi32, #tpu.memory_space<vmem>>
        %dma_wait3A_237 = tpu.memref_slice %arg3[%multiple_of3A] : memref<320000xi32, #tpu.memory_space<hbm>> -> memref<80xi32, #tpu.memory_space<hbm>>
        tpu.wait_dma2 semaphore(%dma_wait3A_233 : memref<!tpu.dma_semaphore, #tpu.memory_space<semaphore_mem>>) src(%dma_wait3A_237 : memref<80xi32, #tpu.memory_space<hbm>>) dst(%dma_wait3A_236 : memref<80xi32, #tpu.memory_space<vmem>>)
        %dma_start3A_238 = arith.constant 0 : i32
        %dma_start3A_239 = arith.constant 0 : i32
        %dma_start3A_240 = tpu.memref_slice %arg9[%select_n3A_187, %dma_start3A_238, %dma_start3A_239] : memref<3x80x128xf32, #tpu.memory_space<vmem>> -> memref<1x80x128xf32, #tpu.memory_space<vmem>>
        %dma_start3A_241 = tpu.memref_squeeze %dma_start3A_240 : memref<1x80x128xf32, #tpu.memory_space<vmem>> -> memref<80x128xf32, #tpu.memory_space<vmem>>
        %dma_start3A_242 = arith.constant 0 : i32
        %dma_start3A_243 = tpu.memref_slice %arg7[%select_n3A_187, %dma_start3A_242] : memref<3x80xi32, #tpu.memory_space<vmem>> -> memref<1x80xi32, #tpu.memory_space<vmem>>
        %dma_start3A_244 = tpu.memref_squeeze %dma_start3A_243 : memref<1x80xi32, #tpu.memory_space<vmem>> -> memref<80xi32, #tpu.memory_space<vmem>>
        %dma_start3A_245 = arith.constant 0 : i32
        %dma_start3A_246 = arith.constant 0 : i32
        %dma_start3A_247 = tpu.memref_slice %arg2[%dma_start3A_245, %dma_start3A_246] : memref<10000x128xf32, #tpu.memory_space<hbm>> -> memref<10000x128xf32, #tpu.memory_space<hbm>>
        %dma_start3A_248 = tpu.memref_slice %arg11[%select_n3A_187] : memref<3x!tpu.dma_semaphore, #tpu.memory_space<semaphore_mem>> -> memref<1x!tpu.dma_semaphore, #tpu.memory_space<semaphore_mem>>
        %dma_start3A_249 = tpu.memref_squeeze %dma_start3A_248 : memref<1x!tpu.dma_semaphore, #tpu.memory_space<semaphore_mem>> -> memref<!tpu.dma_semaphore, #tpu.memory_space<semaphore_mem>>
        tpu.enqueue_indirect_dma source(%dma_start3A_247 : memref<10000x128xf32, #tpu.memory_space<hbm>>) target(%dma_start3A_241 : memref<80x128xf32, #tpu.memory_space<vmem>>) offsets(%dma_start3A_244 : memref<80xi32, #tpu.memory_space<vmem>>) semaphore(%dma_start3A_249 : memref<!tpu.dma_semaphore, #tpu.memory_space<semaphore_mem>>)
      } else {
      }
    }
    %scan3A_136 = arith.constant 125 : i32
    %dma_wait3A_137 = arith.constant 0 : i32
    %dma_wait3A_138 = arith.constant 0 : i32
    %dma_wait3A_139 = arith.constant 1 : i32
    %dma_wait3A_140 = arith.constant 0 : i32
    %dma_wait3A_141 = arith.constant 0 : i32
    %dma_wait3A_142 = tpu.memref_slice %arg9[%dma_wait3A_137, %dma_wait3A_140, %dma_wait3A_141] : memref<3x80x128xf32, #tpu.memory_space<vmem>> -> memref<1x80x128xf32, #tpu.memory_space<vmem>>
    %dma_wait3A_143 = tpu.memref_squeeze %dma_wait3A_142 : memref<1x80x128xf32, #tpu.memory_space<vmem>> -> memref<80x128xf32, #tpu.memory_space<vmem>>
    %dma_wait3A_144 = arith.constant 0 : i32
    %dma_wait3A_145 = tpu.memref_slice %arg8[%dma_wait3A_138, %dma_wait3A_144] : memref<125x80xi32, #tpu.memory_space<vmem>> -> memref<1x80xi32, #tpu.memory_space<vmem>>
    %dma_wait3A_146 = tpu.memref_squeeze %dma_wait3A_145 : memref<1x80xi32, #tpu.memory_space<vmem>> -> memref<80xi32, #tpu.memory_space<vmem>>
    %dma_wait3A_147 = arith.constant 0 : i32
    %dma_wait3A_148 = arith.constant 0 : i32
    %dma_wait3A_149 = tpu.memref_slice %arg10[%dma_wait3A_147, %dma_wait3A_148] : memref<10240x128xf32, #tpu.memory_space<vmem_shared>> -> memref<10240x128xf32, #tpu.memory_space<vmem_shared>>
    %dma_wait3A_150 = tpu.memref_slice %arg12[%dma_wait3A_139] : memref<3x!tpu.dma_semaphore, #tpu.memory_space<semaphore_mem>> -> memref<1x!tpu.dma_semaphore, #tpu.memory_space<semaphore_mem>>
    %dma_wait3A_151 = tpu.memref_squeeze %dma_wait3A_150 : memref<1x!tpu.dma_semaphore, #tpu.memory_space<semaphore_mem>> -> memref<!tpu.dma_semaphore, #tpu.memory_space<semaphore_mem>>
    tpu.wait_indirect_dma semaphore(%dma_wait3A_151 : memref<!tpu.dma_semaphore, #tpu.memory_space<semaphore_mem>>) src(%dma_wait3A_143 : memref<80x128xf32, #tpu.memory_space<vmem>>) dst(%dma_wait3A_149 : memref<10240x128xf32, #tpu.memory_space<vmem_shared>>)
    %barrier3A_152 = arith.constant 0 : index
    tpu.barrier barrier_id(%barrier3A_152)
    %mul3A_153 = arith.constant 640 : i32
    %mul3A_154 = arith.muli %arg1, %mul3A_153 : i32
    %multiple_of3A_155 = tpu.assume_multiple %mul3A_154, 8 : i32
    %mul3A_156 = arith.constant 10240 : i32
    %mul3A_157 = arith.muli %arg0, %mul3A_156 : i32
    %multiple_of3A_158 = tpu.assume_multiple %mul3A_157, 8 : i32
    %add3A_159 = arith.addi %multiple_of3A_158, %multiple_of3A_155 : i32
    "tpu.region"() ({
      %run_scoped3A = tpu.sem_alloc : memref<!tpu.dma_semaphore, #tpu.memory_space<semaphore_mem>>
      %dma_start3A_160 = arith.constant 0 : i32
      %dma_start3A_161 = tpu.memref_slice %arg6[%add3A_159, %dma_start3A_160] : memref<20480x128xf32, #tpu.memory_space<hbm>> -> memref<640x128xf32, #tpu.memory_space<hbm>>
      %dma_start3A_162 = arith.constant 0 : i32
      %dma_start3A_163 = tpu.memref_slice %arg10[%multiple_of3A_155, %dma_start3A_162] : memref<10240x128xf32, #tpu.memory_space<vmem_shared>> -> memref<640x128xf32, #tpu.memory_space<vmem_shared>>
      tpu.enqueue_dma source(%dma_start3A_163 : memref<640x128xf32, #tpu.memory_space<vmem_shared>>) target(%dma_start3A_161 : memref<640x128xf32, #tpu.memory_space<hbm>>) target_semaphore(%run_scoped3A : memref<!tpu.dma_semaphore, #tpu.memory_space<semaphore_mem>>)
      %dma_wait3A_164 = arith.constant 0 : i32
      %dma_wait3A_165 = tpu.memref_slice %arg6[%add3A_159, %dma_wait3A_164] : memref<20480x128xf32, #tpu.memory_space<hbm>> -> memref<640x128xf32, #tpu.memory_space<hbm>>
      %dma_wait3A_166 = arith.constant 0 : i32
      %dma_wait3A_167 = tpu.memref_slice %arg10[%multiple_of3A_155, %dma_wait3A_166] : memref<10240x128xf32, #tpu.memory_space<vmem_shared>> -> memref<640x128xf32, #tpu.memory_space<vmem_shared>>
      tpu.wait_dma2 semaphore(%run_scoped3A : memref<!tpu.dma_semaphore, #tpu.memory_space<semaphore_mem>>) src(%dma_wait3A_167 : memref<640x128xf32, #tpu.memory_space<vmem_shared>>) dst(%dma_wait3A_165 : memref<640x128xf32, #tpu.memory_space<hbm>>)
      tpu.yield
    }) : () -> ()
    return
  }
}

#map = affine_map<(d0, d1) -> (0, 0)>
#map1 = affine_map<(d0, d1) -> (0)>
#map2 = affine_map<(d0, d1) -> (0, 0, 0)>
module attributes {stable_mosaic.version = 14 : i64} {
  func.func @_agg_body(%arg0: i32, %arg1: i32, %arg2: memref<10000x128xf32, #tpu.memory_space<hbm>>, %arg3: memref<320000xi32, #tpu.memory_space<hbm>>, %arg4: memref<32x125x80xi32, #tpu.memory_space<hbm>>, %arg5: memref<640x128xf32, #tpu.memory_space<hbm>>, %arg6: memref<20480x128xf32, #tpu.memory_space<hbm>>, %arg7: memref<3x80xi32, #tpu.memory_space<vmem>>, %arg8: memref<125x80xi32, #tpu.memory_space<vmem>>, %arg9: memref<3x80x128xf32, #tpu.memory_space<vmem>>, %arg10: memref<10240x128xf32, #tpu.memory_space<vmem_shared>>, %arg11: memref<3x!tpu.dma_semaphore, #tpu.memory_space<semaphore_mem>>, %arg12: memref<3x!tpu.dma_semaphore, #tpu.memory_space<semaphore_mem>>, %arg13: memref<3x!tpu.dma_semaphore, #tpu.memory_space<semaphore_mem>>) attributes {dimension_semantics = [#tpu.dimension_semantics<core_parallel>, #tpu.dimension_semantics<subcore_parallel>], iteration_bounds = array<i64: 2, 16>, scalar_prefetch = 0 : i64, scratch_operands = 7 : i64, tpu.core_type = #tpu.core_type<sc_vector_subcore>, window_params = [{transform_indices = #map}, {transform_indices = #map1}, {transform_indices = #map2}, {transform_indices = #map}, {transform_indices = #map}]} {
    %mul3A = arith.constant 16 : i32
    %mul3A_0 = arith.muli %arg0, %mul3A : i32
    %add3A = arith.addi %mul3A_0, %arg1 : i32
    %mul3A_1 = arith.constant 10000 : i32
    %mul3A_2 = arith.muli %add3A, %mul3A_1 : i32
    %multiple_of3A = tpu.assume_multiple %mul3A_2, 8 : i32
    %mul3A_3 = arith.constant 640 : i32
    %mul3A_4 = arith.muli %arg1, %mul3A_3 : i32
    %multiple_of3A_5 = tpu.assume_multiple %mul3A_4, 8 : i32
    %dma_start3A = arith.constant 0 : i32
    %dma_start3A_6 = arith.constant 0 : i32
    %dma_start3A_7 = arith.constant 0 : i32
    %dma_start3A_8 = tpu.memref_slice %arg4[%add3A, %dma_start3A_6, %dma_start3A_7] : memref<32x125x80xi32, #tpu.memory_space<hbm>> -> memref<1x125x80xi32, #tpu.memory_space<hbm>>
    %dma_start3A_9 = tpu.memref_squeeze %dma_start3A_8 : memref<1x125x80xi32, #tpu.memory_space<hbm>> -> memref<125x80xi32, #tpu.memory_space<hbm>>
    %dma_start3A_10 = tpu.memref_slice %arg11[%dma_start3A] : memref<3x!tpu.dma_semaphore, #tpu.memory_space<semaphore_mem>> -> memref<1x!tpu.dma_semaphore, #tpu.memory_space<semaphore_mem>>
    %dma_start3A_11 = tpu.memref_squeeze %dma_start3A_10 : memref<1x!tpu.dma_semaphore, #tpu.memory_space<semaphore_mem>> -> memref<!tpu.dma_semaphore, #tpu.memory_space<semaphore_mem>>
    %dma_start3A_12 = arith.constant 0 : i32
    %dma_start3A_13 = arith.constant 0 : i32
    %dma_start3A_14 = tpu.memref_slice %arg4[%add3A, %dma_start3A_12, %dma_start3A_13] : memref<32x125x80xi32, #tpu.memory_space<hbm>> -> memref<1x125x80xi32, #tpu.memory_space<hbm>>
    %dma_start3A_15 = tpu.memref_squeeze %dma_start3A_14 : memref<1x125x80xi32, #tpu.memory_space<hbm>> -> memref<125x80xi32, #tpu.memory_space<hbm>>
    tpu.enqueue_dma source(%dma_start3A_15 : memref<125x80xi32, #tpu.memory_space<hbm>>) target(%arg8 : memref<125x80xi32, #tpu.memory_space<vmem>>) target_semaphore(%dma_start3A_11 : memref<!tpu.dma_semaphore, #tpu.memory_space<semaphore_mem>>)
    %dma_start3A_16 = arith.constant 0 : i32
    %dma_start3A_17 = arith.constant 0 : i32
    %dma_start3A_18 = arith.constant 0 : i32
    %dma_start3A_19 = tpu.memref_slice %arg7[%dma_start3A_16, %dma_start3A_18] : memref<3x80xi32, #tpu.memory_space<vmem>> -> memref<1x80xi32, #tpu.memory_space<vmem>>
    %dma_start3A_20 = tpu.memref_squeeze %dma_start3A_19 : memref<1x80xi32, #tpu.memory_space<vmem>> -> memref<80xi32, #tpu.memory_space<vmem>>
    %dma_start3A_21 = tpu.memref_slice %arg3[%multiple_of3A] : memref<320000xi32, #tpu.memory_space<hbm>> -> memref<80xi32, #tpu.memory_space<hbm>>
    %dma_start3A_22 = tpu.memref_slice %arg13[%dma_start3A_17] : memref<3x!tpu.dma_semaphore, #tpu.memory_space<semaphore_mem>> -> memref<1x!tpu.dma_semaphore, #tpu.memory_space<semaphore_mem>>
    %dma_start3A_23 = tpu.memref_squeeze %dma_start3A_22 : memref<1x!tpu.dma_semaphore, #tpu.memory_space<semaphore_mem>> -> memref<!tpu.dma_semaphore, #tpu.memory_space<semaphore_mem>>
    %dma_start3A_24 = arith.constant 0 : i32
    %dma_start3A_25 = tpu.memref_slice %arg7[%dma_start3A_16, %dma_start3A_24] : memref<3x80xi32, #tpu.memory_space<vmem>> -> memref<1x80xi32, #tpu.memory_space<vmem>>
    %dma_start3A_26 = tpu.memref_squeeze %dma_start3A_25 : memref<1x80xi32, #tpu.memory_space<vmem>> -> memref<80xi32, #tpu.memory_space<vmem>>
    %dma_start3A_27 = tpu.memref_slice %arg3[%multiple_of3A] : memref<320000xi32, #tpu.memory_space<hbm>> -> memref<80xi32, #tpu.memory_space<hbm>>
    tpu.enqueue_dma source(%dma_start3A_27 : memref<80xi32, #tpu.memory_space<hbm>>) target(%dma_start3A_26 : memref<80xi32, #tpu.memory_space<vmem>>) target_semaphore(%dma_start3A_23 : memref<!tpu.dma_semaphore, #tpu.memory_space<semaphore_mem>>)
    %add3A_28 = arith.constant 80 : i32
    %add3A_29 = arith.addi %multiple_of3A, %add3A_28 : i32
    %dma_start3A_30 = arith.constant 1 : i32
    %dma_start3A_31 = arith.constant 1 : i32
    %dma_start3A_32 = arith.constant 0 : i32
    %dma_start3A_33 = tpu.memref_slice %arg7[%dma_start3A_30, %dma_start3A_32] : memref<3x80xi32, #tpu.memory_space<vmem>> -> memref<1x80xi32, #tpu.memory_space<vmem>>
    %dma_start3A_34 = tpu.memref_squeeze %dma_start3A_33 : memref<1x80xi32, #tpu.memory_space<vmem>> -> memref<80xi32, #tpu.memory_space<vmem>>
    %dma_start3A_35 = tpu.memref_slice %arg3[%add3A_29] : memref<320000xi32, #tpu.memory_space<hbm>> -> memref<80xi32, #tpu.memory_space<hbm>>
    %dma_start3A_36 = tpu.memref_slice %arg13[%dma_start3A_31] : memref<3x!tpu.dma_semaphore, #tpu.memory_space<semaphore_mem>> -> memref<1x!tpu.dma_semaphore, #tpu.memory_space<semaphore_mem>>
    %dma_start3A_37 = tpu.memref_squeeze %dma_start3A_36 : memref<1x!tpu.dma_semaphore, #tpu.memory_space<semaphore_mem>> -> memref<!tpu.dma_semaphore, #tpu.memory_space<semaphore_mem>>
    %dma_start3A_38 = arith.constant 0 : i32
    %dma_start3A_39 = tpu.memref_slice %arg7[%dma_start3A_30, %dma_start3A_38] : memref<3x80xi32, #tpu.memory_space<vmem>> -> memref<1x80xi32, #tpu.memory_space<vmem>>
    %dma_start3A_40 = tpu.memref_squeeze %dma_start3A_39 : memref<1x80xi32, #tpu.memory_space<vmem>> -> memref<80xi32, #tpu.memory_space<vmem>>
    %dma_start3A_41 = tpu.memref_slice %arg3[%add3A_29] : memref<320000xi32, #tpu.memory_space<hbm>> -> memref<80xi32, #tpu.memory_space<hbm>>
    tpu.enqueue_dma source(%dma_start3A_41 : memref<80xi32, #tpu.memory_space<hbm>>) target(%dma_start3A_40 : memref<80xi32, #tpu.memory_space<vmem>>) target_semaphore(%dma_start3A_37 : memref<!tpu.dma_semaphore, #tpu.memory_space<semaphore_mem>>)
    %add3A_42 = arith.constant 160 : i32
    %add3A_43 = arith.addi %multiple_of3A, %add3A_42 : i32
    %dma_start3A_44 = arith.constant 2 : i32
    %dma_start3A_45 = arith.constant 2 : i32
    %dma_start3A_46 = arith.constant 0 : i32
    %dma_start3A_47 = tpu.memref_slice %arg7[%dma_start3A_44, %dma_start3A_46] : memref<3x80xi32, #tpu.memory_space<vmem>> -> memref<1x80xi32, #tpu.memory_space<vmem>>
    %dma_start3A_48 = tpu.memref_squeeze %dma_start3A_47 : memref<1x80xi32, #tpu.memory_space<vmem>> -> memref<80xi32, #tpu.memory_space<vmem>>
    %dma_start3A_49 = tpu.memref_slice %arg3[%add3A_43] : memref<320000xi32, #tpu.memory_space<hbm>> -> memref<80xi32, #tpu.memory_space<hbm>>
    %dma_start3A_50 = tpu.memref_slice %arg13[%dma_start3A_45] : memref<3x!tpu.dma_semaphore, #tpu.memory_space<semaphore_mem>> -> memref<1x!tpu.dma_semaphore, #tpu.memory_space<semaphore_mem>>
    %dma_start3A_51 = tpu.memref_squeeze %dma_start3A_50 : memref<1x!tpu.dma_semaphore, #tpu.memory_space<semaphore_mem>> -> memref<!tpu.dma_semaphore, #tpu.memory_space<semaphore_mem>>
    %dma_start3A_52 = arith.constant 0 : i32
    %dma_start3A_53 = tpu.memref_slice %arg7[%dma_start3A_44, %dma_start3A_52] : memref<3x80xi32, #tpu.memory_space<vmem>> -> memref<1x80xi32, #tpu.memory_space<vmem>>
    %dma_start3A_54 = tpu.memref_squeeze %dma_start3A_53 : memref<1x80xi32, #tpu.memory_space<vmem>> -> memref<80xi32, #tpu.memory_space<vmem>>
    %dma_start3A_55 = tpu.memref_slice %arg3[%add3A_43] : memref<320000xi32, #tpu.memory_space<hbm>> -> memref<80xi32, #tpu.memory_space<hbm>>
    tpu.enqueue_dma source(%dma_start3A_55 : memref<80xi32, #tpu.memory_space<hbm>>) target(%dma_start3A_54 : memref<80xi32, #tpu.memory_space<vmem>>) target_semaphore(%dma_start3A_51 : memref<!tpu.dma_semaphore, #tpu.memory_space<semaphore_mem>>)
    %dma_start3A_56 = arith.constant 1 : i32
    %dma_start3A_57 = tpu.memref_slice %arg11[%dma_start3A_56] : memref<3x!tpu.dma_semaphore, #tpu.memory_space<semaphore_mem>> -> memref<1x!tpu.dma_semaphore, #tpu.memory_space<semaphore_mem>>
    %dma_start3A_58 = tpu.memref_squeeze %dma_start3A_57 : memref<1x!tpu.dma_semaphore, #tpu.memory_space<semaphore_mem>> -> memref<!tpu.dma_semaphore, #tpu.memory_space<semaphore_mem>>
    %dma_start3A_59 = arith.constant 0 : i32
    %dma_start3A_60 = tpu.memref_slice %arg10[%multiple_of3A_5, %dma_start3A_59] : memref<10240x128xf32, #tpu.memory_space<vmem_shared>> -> memref<640x128xf32, #tpu.memory_space<vmem_shared>>
    tpu.enqueue_dma source(%arg5 : memref<640x128xf32, #tpu.memory_space<hbm>>) target(%dma_start3A_60 : memref<640x128xf32, #tpu.memory_space<vmem_shared>>) target_semaphore(%dma_start3A_58 : memref<!tpu.dma_semaphore, #tpu.memory_space<semaphore_mem>>)
    %dma_wait3A = arith.constant 0 : i32
    %dma_wait3A_61 = arith.constant 0 : i32
    %dma_wait3A_62 = arith.constant 0 : i32
    %dma_wait3A_63 = tpu.memref_slice %arg4[%add3A, %dma_wait3A_61, %dma_wait3A_62] : memref<32x125x80xi32, #tpu.memory_space<hbm>> -> memref<1x125x80xi32, #tpu.memory_space<hbm>>
    %dma_wait3A_64 = tpu.memref_squeeze %dma_wait3A_63 : memref<1x125x80xi32, #tpu.memory_space<hbm>> -> memref<125x80xi32, #tpu.memory_space<hbm>>
    %dma_wait3A_65 = tpu.memref_slice %arg11[%dma_wait3A] : memref<3x!tpu.dma_semaphore, #tpu.memory_space<semaphore_mem>> -> memref<1x!tpu.dma_semaphore, #tpu.memory_space<semaphore_mem>>
    %dma_wait3A_66 = tpu.memref_squeeze %dma_wait3A_65 : memref<1x!tpu.dma_semaphore, #tpu.memory_space<semaphore_mem>> -> memref<!tpu.dma_semaphore, #tpu.memory_space<semaphore_mem>>
    %dma_wait3A_67 = arith.constant 0 : i32
    %dma_wait3A_68 = arith.constant 0 : i32
    %dma_wait3A_69 = tpu.memref_slice %arg4[%add3A, %dma_wait3A_67, %dma_wait3A_68] : memref<32x125x80xi32, #tpu.memory_space<hbm>> -> memref<1x125x80xi32, #tpu.memory_space<hbm>>
    %dma_wait3A_70 = tpu.memref_squeeze %dma_wait3A_69 : memref<1x125x80xi32, #tpu.memory_space<hbm>> -> memref<125x80xi32, #tpu.memory_space<hbm>>
    tpu.wait_dma2 semaphore(%dma_wait3A_66 : memref<!tpu.dma_semaphore, #tpu.memory_space<semaphore_mem>>) src(%dma_wait3A_70 : memref<125x80xi32, #tpu.memory_space<hbm>>) dst(%arg8 : memref<125x80xi32, #tpu.memory_space<vmem>>)
    %dma_wait3A_71 = arith.constant 0 : i32
    %dma_wait3A_72 = arith.constant 0 : i32
    %dma_wait3A_73 = arith.constant 0 : i32
    %dma_wait3A_74 = tpu.memref_slice %arg7[%dma_wait3A_71, %dma_wait3A_73] : memref<3x80xi32, #tpu.memory_space<vmem>> -> memref<1x80xi32, #tpu.memory_space<vmem>>
    %dma_wait3A_75 = tpu.memref_squeeze %dma_wait3A_74 : memref<1x80xi32, #tpu.memory_space<vmem>> -> memref<80xi32, #tpu.memory_space<vmem>>
    %dma_wait3A_76 = tpu.memref_slice %arg3[%multiple_of3A] : memref<320000xi32, #tpu.memory_space<hbm>> -> memref<80xi32, #tpu.memory_space<hbm>>
    %dma_wait3A_77 = tpu.memref_slice %arg13[%dma_wait3A_72] : memref<3x!tpu.dma_semaphore, #tpu.memory_space<semaphore_mem>> -> memref<1x!tpu.dma_semaphore, #tpu.memory_space<semaphore_mem>>
    %dma_wait3A_78 = tpu.memref_squeeze %dma_wait3A_77 : memref<1x!tpu.dma_semaphore, #tpu.memory_space<semaphore_mem>> -> memref<!tpu.dma_semaphore, #tpu.memory_space<semaphore_mem>>
    %dma_wait3A_79 = arith.constant 0 : i32
    %dma_wait3A_80 = tpu.memref_slice %arg7[%dma_wait3A_71, %dma_wait3A_79] : memref<3x80xi32, #tpu.memory_space<vmem>> -> memref<1x80xi32, #tpu.memory_space<vmem>>
    %dma_wait3A_81 = tpu.memref_squeeze %dma_wait3A_80 : memref<1x80xi32, #tpu.memory_space<vmem>> -> memref<80xi32, #tpu.memory_space<vmem>>
    %dma_wait3A_82 = tpu.memref_slice %arg3[%multiple_of3A] : memref<320000xi32, #tpu.memory_space<hbm>> -> memref<80xi32, #tpu.memory_space<hbm>>
    tpu.wait_dma2 semaphore(%dma_wait3A_78 : memref<!tpu.dma_semaphore, #tpu.memory_space<semaphore_mem>>) src(%dma_wait3A_82 : memref<80xi32, #tpu.memory_space<hbm>>) dst(%dma_wait3A_81 : memref<80xi32, #tpu.memory_space<vmem>>)
    %add3A_83 = arith.constant 80 : i32
    %add3A_84 = arith.addi %multiple_of3A, %add3A_83 : i32
    %dma_wait3A_85 = arith.constant 1 : i32
    %dma_wait3A_86 = arith.constant 1 : i32
    %dma_wait3A_87 = arith.constant 0 : i32
    %dma_wait3A_88 = tpu.memref_slice %arg7[%dma_wait3A_85, %dma_wait3A_87] : memref<3x80xi32, #tpu.memory_space<vmem>> -> memref<1x80xi32, #tpu.memory_space<vmem>>
    %dma_wait3A_89 = tpu.memref_squeeze %dma_wait3A_88 : memref<1x80xi32, #tpu.memory_space<vmem>> -> memref<80xi32, #tpu.memory_space<vmem>>
    %dma_wait3A_90 = tpu.memref_slice %arg3[%add3A_84] : memref<320000xi32, #tpu.memory_space<hbm>> -> memref<80xi32, #tpu.memory_space<hbm>>
    %dma_wait3A_91 = tpu.memref_slice %arg13[%dma_wait3A_86] : memref<3x!tpu.dma_semaphore, #tpu.memory_space<semaphore_mem>> -> memref<1x!tpu.dma_semaphore, #tpu.memory_space<semaphore_mem>>
    %dma_wait3A_92 = tpu.memref_squeeze %dma_wait3A_91 : memref<1x!tpu.dma_semaphore, #tpu.memory_space<semaphore_mem>> -> memref<!tpu.dma_semaphore, #tpu.memory_space<semaphore_mem>>
    %dma_wait3A_93 = arith.constant 0 : i32
    %dma_wait3A_94 = tpu.memref_slice %arg7[%dma_wait3A_85, %dma_wait3A_93] : memref<3x80xi32, #tpu.memory_space<vmem>> -> memref<1x80xi32, #tpu.memory_space<vmem>>
    %dma_wait3A_95 = tpu.memref_squeeze %dma_wait3A_94 : memref<1x80xi32, #tpu.memory_space<vmem>> -> memref<80xi32, #tpu.memory_space<vmem>>
    %dma_wait3A_96 = tpu.memref_slice %arg3[%add3A_84] : memref<320000xi32, #tpu.memory_space<hbm>> -> memref<80xi32, #tpu.memory_space<hbm>>
    tpu.wait_dma2 semaphore(%dma_wait3A_92 : memref<!tpu.dma_semaphore, #tpu.memory_space<semaphore_mem>>) src(%dma_wait3A_96 : memref<80xi32, #tpu.memory_space<hbm>>) dst(%dma_wait3A_95 : memref<80xi32, #tpu.memory_space<vmem>>)
    %dma_wait3A_97 = arith.constant 1 : i32
    %dma_wait3A_98 = tpu.memref_slice %arg11[%dma_wait3A_97] : memref<3x!tpu.dma_semaphore, #tpu.memory_space<semaphore_mem>> -> memref<1x!tpu.dma_semaphore, #tpu.memory_space<semaphore_mem>>
    %dma_wait3A_99 = tpu.memref_squeeze %dma_wait3A_98 : memref<1x!tpu.dma_semaphore, #tpu.memory_space<semaphore_mem>> -> memref<!tpu.dma_semaphore, #tpu.memory_space<semaphore_mem>>
    %dma_wait3A_100 = arith.constant 0 : i32
    %dma_wait3A_101 = tpu.memref_slice %arg10[%multiple_of3A_5, %dma_wait3A_100] : memref<10240x128xf32, #tpu.memory_space<vmem_shared>> -> memref<640x128xf32, #tpu.memory_space<vmem_shared>>
    tpu.wait_dma2 semaphore(%dma_wait3A_99 : memref<!tpu.dma_semaphore, #tpu.memory_space<semaphore_mem>>) src(%arg5 : memref<640x128xf32, #tpu.memory_space<hbm>>) dst(%dma_wait3A_101 : memref<640x128xf32, #tpu.memory_space<vmem_shared>>)
    %barrier3A = arith.constant 0 : index
    tpu.barrier barrier_id(%barrier3A)
    %dma_start3A_102 = arith.constant 0 : i32
    %dma_start3A_103 = arith.constant 0 : i32
    %dma_start3A_104 = arith.constant 0 : i32
    %dma_start3A_105 = arith.constant 0 : i32
    %dma_start3A_106 = arith.constant 0 : i32
    %dma_start3A_107 = tpu.memref_slice %arg9[%dma_start3A_103, %dma_start3A_105, %dma_start3A_106] : memref<3x80x128xf32, #tpu.memory_space<vmem>> -> memref<1x80x128xf32, #tpu.memory_space<vmem>>
    %dma_start3A_108 = tpu.memref_squeeze %dma_start3A_107 : memref<1x80x128xf32, #tpu.memory_space<vmem>> -> memref<80x128xf32, #tpu.memory_space<vmem>>
    %dma_start3A_109 = arith.constant 0 : i32
    %dma_start3A_110 = tpu.memref_slice %arg7[%dma_start3A_102, %dma_start3A_109] : memref<3x80xi32, #tpu.memory_space<vmem>> -> memref<1x80xi32, #tpu.memory_space<vmem>>
    %dma_start3A_111 = tpu.memref_squeeze %dma_start3A_110 : memref<1x80xi32, #tpu.memory_space<vmem>> -> memref<80xi32, #tpu.memory_space<vmem>>
    %dma_start3A_112 = arith.constant 0 : i32
    %dma_start3A_113 = arith.constant 0 : i32
    %dma_start3A_114 = tpu.memref_slice %arg2[%dma_start3A_112, %dma_start3A_113] : memref<10000x128xf32, #tpu.memory_space<hbm>> -> memref<10000x128xf32, #tpu.memory_space<hbm>>
    %dma_start3A_115 = tpu.memref_slice %arg11[%dma_start3A_104] : memref<3x!tpu.dma_semaphore, #tpu.memory_space<semaphore_mem>> -> memref<1x!tpu.dma_semaphore, #tpu.memory_space<semaphore_mem>>
    %dma_start3A_116 = tpu.memref_squeeze %dma_start3A_115 : memref<1x!tpu.dma_semaphore, #tpu.memory_space<semaphore_mem>> -> memref<!tpu.dma_semaphore, #tpu.memory_space<semaphore_mem>>
    tpu.enqueue_indirect_dma source(%dma_start3A_114 : memref<10000x128xf32, #tpu.memory_space<hbm>>) target(%dma_start3A_108 : memref<80x128xf32, #tpu.memory_space<vmem>>) offsets(%dma_start3A_111 : memref<80xi32, #tpu.memory_space<vmem>>) semaphore(%dma_start3A_116 : memref<!tpu.dma_semaphore, #tpu.memory_space<semaphore_mem>>)
    %dma_start3A_117 = arith.constant 1 : i32
    %dma_start3A_118 = arith.constant 1 : i32
    %dma_start3A_119 = arith.constant 1 : i32
    %dma_start3A_120 = arith.constant 0 : i32
    %dma_start3A_121 = arith.constant 0 : i32
    %dma_start3A_122 = tpu.memref_slice %arg9[%dma_start3A_118, %dma_start3A_120, %dma_start3A_121] : memref<3x80x128xf32, #tpu.memory_space<vmem>> -> memref<1x80x128xf32, #tpu.memory_space<vmem>>
    %dma_start3A_123 = tpu.memref_squeeze %dma_start3A_122 : memref<1x80x128xf32, #tpu.memory_space<vmem>> -> memref<80x128xf32, #tpu.memory_space<vmem>>
    %dma_start3A_124 = arith.constant 0 : i32
    %dma_start3A_125 = tpu.memref_slice %arg7[%dma_start3A_117, %dma_start3A_124] : memref<3x80xi32, #tpu.memory_space<vmem>> -> memref<1x80xi32, #tpu.memory_space<vmem>>
    %dma_start3A_126 = tpu.memref_squeeze %dma_start3A_125 : memref<1x80xi32, #tpu.memory_space<vmem>> -> memref<80xi32, #tpu.memory_space<vmem>>
    %dma_start3A_127 = arith.constant 0 : i32
    %dma_start3A_128 = arith.constant 0 : i32
    %dma_start3A_129 = tpu.memref_slice %arg2[%dma_start3A_127, %dma_start3A_128] : memref<10000x128xf32, #tpu.memory_space<hbm>> -> memref<10000x128xf32, #tpu.memory_space<hbm>>
    %dma_start3A_130 = tpu.memref_slice %arg11[%dma_start3A_119] : memref<3x!tpu.dma_semaphore, #tpu.memory_space<semaphore_mem>> -> memref<1x!tpu.dma_semaphore, #tpu.memory_space<semaphore_mem>>
    %dma_start3A_131 = tpu.memref_squeeze %dma_start3A_130 : memref<1x!tpu.dma_semaphore, #tpu.memory_space<semaphore_mem>> -> memref<!tpu.dma_semaphore, #tpu.memory_space<semaphore_mem>>
    tpu.enqueue_indirect_dma source(%dma_start3A_129 : memref<10000x128xf32, #tpu.memory_space<hbm>>) target(%dma_start3A_123 : memref<80x128xf32, #tpu.memory_space<vmem>>) offsets(%dma_start3A_126 : memref<80xi32, #tpu.memory_space<vmem>>) semaphore(%dma_start3A_131 : memref<!tpu.dma_semaphore, #tpu.memory_space<semaphore_mem>>)
    %scan3A = arith.constant 0 : i32
    %scan3A_132 = arith.constant 0 : i32
    %scan3A_133 = arith.constant 125 : i32
    %scan3A_134 = arith.addi %scan3A_132, %scan3A_133 : i32
    %scan3A_135 = arith.constant 1 : i32
    scf.for %scan3A_160 = %scan3A_132 to %scan3A_134 step %scan3A_135  : i32 {
      %jit3A = arith.constant 3 : i32
      %eq3A = arith.constant 0 : i32
      %eq3A_161 = arith.cmpi eq, %jit3A, %eq3A : i32
      %jit3A_162 = arith.constant 1 : i32
      %select_n3A = arith.select %eq3A_161, %jit3A_162, %jit3A : i32
      %rem3A = arith.remsi %scan3A_160, %select_n3A : i32
      %ne3A = arith.constant 0 : i32
      %ne3A_163 = arith.cmpi ne, %rem3A, %ne3A : i32
      %lt3A = arith.constant 0 : i32
      %lt3A_164 = arith.cmpi slt, %rem3A, %lt3A : i32
      %lt3A_165 = arith.constant 0 : i32
      %lt3A_166 = arith.cmpi slt, %select_n3A, %lt3A_165 : i32
      %ne3A_167 = arith.xori %lt3A_164, %lt3A_166 : i1
      %and3A = arith.andi %ne3A_167, %ne3A_163 : i1
      %add3A_168 = arith.addi %rem3A, %select_n3A : i32
      %select_n3A_169 = arith.select %and3A, %add3A_168, %rem3A : i32
      %add3A_170 = arith.constant 2 : i32
      %add3A_171 = arith.addi %scan3A_160, %add3A_170 : i32
      %jit3A_172 = arith.constant 3 : i32
      %eq3A_173 = arith.constant 0 : i32
      %eq3A_174 = arith.cmpi eq, %jit3A_172, %eq3A_173 : i32
      %jit3A_175 = arith.constant 1 : i32
      %select_n3A_176 = arith.select %eq3A_174, %jit3A_175, %jit3A_172 : i32
      %rem3A_177 = arith.remsi %add3A_171, %select_n3A_176 : i32
      %ne3A_178 = arith.constant 0 : i32
      %ne3A_179 = arith.cmpi ne, %rem3A_177, %ne3A_178 : i32
      %lt3A_180 = arith.constant 0 : i32
      %lt3A_181 = arith.cmpi slt, %rem3A_177, %lt3A_180 : i32
      %lt3A_182 = arith.constant 0 : i32
      %lt3A_183 = arith.cmpi slt, %select_n3A_176, %lt3A_182 : i32
      %ne3A_184 = arith.xori %lt3A_181, %lt3A_183 : i1
      %and3A_185 = arith.andi %ne3A_184, %ne3A_179 : i1
      %add3A_186 = arith.addi %rem3A_177, %select_n3A_176 : i32
      %select_n3A_187 = arith.select %and3A_185, %add3A_186, %rem3A_177 : i32
      %dma_wait3A_188 = arith.constant 0 : i32
      %dma_wait3A_189 = arith.constant 0 : i32
      %dma_wait3A_190 = tpu.memref_slice %arg9[%select_n3A_169, %dma_wait3A_188, %dma_wait3A_189] : memref<3x80x128xf32, #tpu.memory_space<vmem>> -> memref<1x80x128xf32, #tpu.memory_space<vmem>>
      %dma_wait3A_191 = tpu.memref_squeeze %dma_wait3A_190 : memref<1x80x128xf32, #tpu.memory_space<vmem>> -> memref<80x128xf32, #tpu.memory_space<vmem>>
      %dma_wait3A_192 = arith.constant 0 : i32
      %dma_wait3A_193 = tpu.memref_slice %arg7[%select_n3A_169, %dma_wait3A_192] : memref<3x80xi32, #tpu.memory_space<vmem>> -> memref<1x80xi32, #tpu.memory_space<vmem>>
      %dma_wait3A_194 = tpu.memref_squeeze %dma_wait3A_193 : memref<1x80xi32, #tpu.memory_space<vmem>> -> memref<80xi32, #tpu.memory_space<vmem>>
      %dma_wait3A_195 = arith.constant 0 : i32
      %dma_wait3A_196 = arith.constant 0 : i32
      %dma_wait3A_197 = tpu.memref_slice %arg2[%dma_wait3A_195, %dma_wait3A_196] : memref<10000x128xf32, #tpu.memory_space<hbm>> -> memref<10000x128xf32, #tpu.memory_space<hbm>>
      %dma_wait3A_198 = tpu.memref_slice %arg11[%select_n3A_169] : memref<3x!tpu.dma_semaphore, #tpu.memory_space<semaphore_mem>> -> memref<1x!tpu.dma_semaphore, #tpu.memory_space<semaphore_mem>>
      %dma_wait3A_199 = tpu.memref_squeeze %dma_wait3A_198 : memref<1x!tpu.dma_semaphore, #tpu.memory_space<semaphore_mem>> -> memref<!tpu.dma_semaphore, #tpu.memory_space<semaphore_mem>>
      tpu.wait_indirect_dma semaphore(%dma_wait3A_199 : memref<!tpu.dma_semaphore, #tpu.memory_space<semaphore_mem>>) src(%dma_wait3A_197 : memref<10000x128xf32, #tpu.memory_space<hbm>>) dst(%dma_wait3A_191 : memref<80x128xf32, #tpu.memory_space<vmem>>)
      %add3A_200 = arith.constant 3 : i32
      %add3A_201 = arith.addi %scan3A_160, %add3A_200 : i32
      %lt3A_202 = arith.constant 125 : i32
      %lt3A_203 = arith.cmpi slt, %add3A_201, %lt3A_202 : i32
      %convert_element_type3A = arith.extui %lt3A_203 : i1 to i32
      %cond3A = arith.constant 0 : i32
      %cond3A_204 = arith.cmpi ne, %convert_element_type3A, %cond3A : i32
      scf.if %cond3A_204 {
        %add3A_228 = arith.constant 3 : i32
        %add3A_229 = arith.addi %scan3A_160, %add3A_228 : i32
        %mul3A_230 = arith.constant 80 : i32
        %mul3A_231 = arith.muli %add3A_229, %mul3A_230 : i32
        %add3A_232 = arith.addi %multiple_of3A, %mul3A_231 : i32
        %multiple_of3A_233 = tpu.assume_multiple %add3A_232, 8 : i32
        %dma_start3A_234 = arith.constant 0 : i32
        %dma_start3A_235 = tpu.memref_slice %arg7[%select_n3A_169, %dma_start3A_234] : memref<3x80xi32, #tpu.memory_space<vmem>> -> memref<1x80xi32, #tpu.memory_space<vmem>>
        %dma_start3A_236 = tpu.memref_squeeze %dma_start3A_235 : memref<1x80xi32, #tpu.memory_space<vmem>> -> memref<80xi32, #tpu.memory_space<vmem>>
        %dma_start3A_237 = tpu.memref_slice %arg3[%multiple_of3A_233] : memref<320000xi32, #tpu.memory_space<hbm>> -> memref<80xi32, #tpu.memory_space<hbm>>
        %dma_start3A_238 = tpu.memref_slice %arg13[%select_n3A_169] : memref<3x!tpu.dma_semaphore, #tpu.memory_space<semaphore_mem>> -> memref<1x!tpu.dma_semaphore, #tpu.memory_space<semaphore_mem>>
        %dma_start3A_239 = tpu.memref_squeeze %dma_start3A_238 : memref<1x!tpu.dma_semaphore, #tpu.memory_space<semaphore_mem>> -> memref<!tpu.dma_semaphore, #tpu.memory_space<semaphore_mem>>
        %dma_start3A_240 = arith.constant 0 : i32
        %dma_start3A_241 = tpu.memref_slice %arg7[%select_n3A_169, %dma_start3A_240] : memref<3x80xi32, #tpu.memory_space<vmem>> -> memref<1x80xi32, #tpu.memory_space<vmem>>
        %dma_start3A_242 = tpu.memref_squeeze %dma_start3A_241 : memref<1x80xi32, #tpu.memory_space<vmem>> -> memref<80xi32, #tpu.memory_space<vmem>>
        %dma_start3A_243 = tpu.memref_slice %arg3[%multiple_of3A_233] : memref<320000xi32, #tpu.memory_space<hbm>> -> memref<80xi32, #tpu.memory_space<hbm>>
        tpu.enqueue_dma source(%dma_start3A_243 : memref<80xi32, #tpu.memory_space<hbm>>) target(%dma_start3A_242 : memref<80xi32, #tpu.memory_space<vmem>>) target_semaphore(%dma_start3A_239 : memref<!tpu.dma_semaphore, #tpu.memory_space<semaphore_mem>>)
      } else {
      }
      %dma_start3A_205 = arith.constant 0 : i32
      %dma_start3A_206 = arith.constant 0 : i32
      %dma_start3A_207 = tpu.memref_slice %arg9[%select_n3A_169, %dma_start3A_205, %dma_start3A_206] : memref<3x80x128xf32, #tpu.memory_space<vmem>> -> memref<1x80x128xf32, #tpu.memory_space<vmem>>
      %dma_start3A_208 = tpu.memref_squeeze %dma_start3A_207 : memref<1x80x128xf32, #tpu.memory_space<vmem>> -> memref<80x128xf32, #tpu.memory_space<vmem>>
      %dma_start3A_209 = arith.constant 0 : i32
      %dma_start3A_210 = tpu.memref_slice %arg8[%scan3A_160, %dma_start3A_209] : memref<125x80xi32, #tpu.memory_space<vmem>> -> memref<1x80xi32, #tpu.memory_space<vmem>>
      %dma_start3A_211 = tpu.memref_squeeze %dma_start3A_210 : memref<1x80xi32, #tpu.memory_space<vmem>> -> memref<80xi32, #tpu.memory_space<vmem>>
      %dma_start3A_212 = arith.constant 0 : i32
      %dma_start3A_213 = arith.constant 0 : i32
      %dma_start3A_214 = tpu.memref_slice %arg10[%dma_start3A_212, %dma_start3A_213] : memref<10240x128xf32, #tpu.memory_space<vmem_shared>> -> memref<10240x128xf32, #tpu.memory_space<vmem_shared>>
      %dma_start3A_215 = tpu.memref_slice %arg12[%select_n3A_169] : memref<3x!tpu.dma_semaphore, #tpu.memory_space<semaphore_mem>> -> memref<1x!tpu.dma_semaphore, #tpu.memory_space<semaphore_mem>>
      %dma_start3A_216 = tpu.memref_squeeze %dma_start3A_215 : memref<1x!tpu.dma_semaphore, #tpu.memory_space<semaphore_mem>> -> memref<!tpu.dma_semaphore, #tpu.memory_space<semaphore_mem>>
      tpu.enqueue_indirect_dma source(%dma_start3A_208 : memref<80x128xf32, #tpu.memory_space<vmem>>) target(%dma_start3A_214 : memref<10240x128xf32, #tpu.memory_space<vmem_shared>>) offsets(%dma_start3A_211 : memref<80xi32, #tpu.memory_space<vmem>>) semaphore(%dma_start3A_216 : memref<!tpu.dma_semaphore, #tpu.memory_space<semaphore_mem>>) {add = true}
      %ge3A = arith.constant 1 : i32
      %ge3A_217 = arith.cmpi sge, %scan3A_160, %ge3A : i32
      %convert_element_type3A_218 = arith.extui %ge3A_217 : i1 to i32
      %cond3A_219 = arith.constant 0 : i32
      %cond3A_220 = arith.cmpi ne, %convert_element_type3A_218, %cond3A_219 : i32
      scf.if %cond3A_220 {
        %dma_wait3A_228 = arith.constant 0 : i32
        %dma_wait3A_229 = arith.constant 0 : i32
        %dma_wait3A_230 = tpu.memref_slice %arg9[%select_n3A_187, %dma_wait3A_228, %dma_wait3A_229] : memref<3x80x128xf32, #tpu.memory_space<vmem>> -> memref<1x80x128xf32, #tpu.memory_space<vmem>>
        %dma_wait3A_231 = tpu.memref_squeeze %dma_wait3A_230 : memref<1x80x128xf32, #tpu.memory_space<vmem>> -> memref<80x128xf32, #tpu.memory_space<vmem>>
        %dma_wait3A_232 = arith.constant 0 : i32
        %dma_wait3A_233 = tpu.memref_slice %arg8[%scan3A_160, %dma_wait3A_232] : memref<125x80xi32, #tpu.memory_space<vmem>> -> memref<1x80xi32, #tpu.memory_space<vmem>>
        %dma_wait3A_234 = tpu.memref_squeeze %dma_wait3A_233 : memref<1x80xi32, #tpu.memory_space<vmem>> -> memref<80xi32, #tpu.memory_space<vmem>>
        %dma_wait3A_235 = arith.constant 0 : i32
        %dma_wait3A_236 = arith.constant 0 : i32
        %dma_wait3A_237 = tpu.memref_slice %arg10[%dma_wait3A_235, %dma_wait3A_236] : memref<10240x128xf32, #tpu.memory_space<vmem_shared>> -> memref<10240x128xf32, #tpu.memory_space<vmem_shared>>
        %dma_wait3A_238 = tpu.memref_slice %arg12[%select_n3A_187] : memref<3x!tpu.dma_semaphore, #tpu.memory_space<semaphore_mem>> -> memref<1x!tpu.dma_semaphore, #tpu.memory_space<semaphore_mem>>
        %dma_wait3A_239 = tpu.memref_squeeze %dma_wait3A_238 : memref<1x!tpu.dma_semaphore, #tpu.memory_space<semaphore_mem>> -> memref<!tpu.dma_semaphore, #tpu.memory_space<semaphore_mem>>
        tpu.wait_indirect_dma semaphore(%dma_wait3A_239 : memref<!tpu.dma_semaphore, #tpu.memory_space<semaphore_mem>>) src(%dma_wait3A_231 : memref<80x128xf32, #tpu.memory_space<vmem>>) dst(%dma_wait3A_237 : memref<10240x128xf32, #tpu.memory_space<vmem_shared>>)
      } else {
      }
      %add3A_221 = arith.constant 2 : i32
      %add3A_222 = arith.addi %scan3A_160, %add3A_221 : i32
      %lt3A_223 = arith.constant 125 : i32
      %lt3A_224 = arith.cmpi slt, %add3A_222, %lt3A_223 : i32
      %convert_element_type3A_225 = arith.extui %lt3A_224 : i1 to i32
      %cond3A_226 = arith.constant 0 : i32
      %cond3A_227 = arith.cmpi ne, %convert_element_type3A_225, %cond3A_226 : i32
      scf.if %cond3A_227 {
        %dma_wait3A_228 = arith.constant 0 : i32
        %dma_wait3A_229 = tpu.memref_slice %arg7[%select_n3A_187, %dma_wait3A_228] : memref<3x80xi32, #tpu.memory_space<vmem>> -> memref<1x80xi32, #tpu.memory_space<vmem>>
        %dma_wait3A_230 = tpu.memref_squeeze %dma_wait3A_229 : memref<1x80xi32, #tpu.memory_space<vmem>> -> memref<80xi32, #tpu.memory_space<vmem>>
        %dma_wait3A_231 = tpu.memref_slice %arg3[%multiple_of3A] : memref<320000xi32, #tpu.memory_space<hbm>> -> memref<80xi32, #tpu.memory_space<hbm>>
        %dma_wait3A_232 = tpu.memref_slice %arg13[%select_n3A_187] : memref<3x!tpu.dma_semaphore, #tpu.memory_space<semaphore_mem>> -> memref<1x!tpu.dma_semaphore, #tpu.memory_space<semaphore_mem>>
        %dma_wait3A_233 = tpu.memref_squeeze %dma_wait3A_232 : memref<1x!tpu.dma_semaphore, #tpu.memory_space<semaphore_mem>> -> memref<!tpu.dma_semaphore, #tpu.memory_space<semaphore_mem>>
        %dma_wait3A_234 = arith.constant 0 : i32
        %dma_wait3A_235 = tpu.memref_slice %arg7[%select_n3A_187, %dma_wait3A_234] : memref<3x80xi32, #tpu.memory_space<vmem>> -> memref<1x80xi32, #tpu.memory_space<vmem>>
        %dma_wait3A_236 = tpu.memref_squeeze %dma_wait3A_235 : memref<1x80xi32, #tpu.memory_space<vmem>> -> memref<80xi32, #tpu.memory_space<vmem>>
        %dma_wait3A_237 = tpu.memref_slice %arg3[%multiple_of3A] : memref<320000xi32, #tpu.memory_space<hbm>> -> memref<80xi32, #tpu.memory_space<hbm>>
        tpu.wait_dma2 semaphore(%dma_wait3A_233 : memref<!tpu.dma_semaphore, #tpu.memory_space<semaphore_mem>>) src(%dma_wait3A_237 : memref<80xi32, #tpu.memory_space<hbm>>) dst(%dma_wait3A_236 : memref<80xi32, #tpu.memory_space<vmem>>)
        %dma_start3A_238 = arith.constant 0 : i32
        %dma_start3A_239 = arith.constant 0 : i32
        %dma_start3A_240 = tpu.memref_slice %arg9[%select_n3A_187, %dma_start3A_238, %dma_start3A_239] : memref<3x80x128xf32, #tpu.memory_space<vmem>> -> memref<1x80x128xf32, #tpu.memory_space<vmem>>
        %dma_start3A_241 = tpu.memref_squeeze %dma_start3A_240 : memref<1x80x128xf32, #tpu.memory_space<vmem>> -> memref<80x128xf32, #tpu.memory_space<vmem>>
        %dma_start3A_242 = arith.constant 0 : i32
        %dma_start3A_243 = tpu.memref_slice %arg7[%select_n3A_187, %dma_start3A_242] : memref<3x80xi32, #tpu.memory_space<vmem>> -> memref<1x80xi32, #tpu.memory_space<vmem>>
        %dma_start3A_244 = tpu.memref_squeeze %dma_start3A_243 : memref<1x80xi32, #tpu.memory_space<vmem>> -> memref<80xi32, #tpu.memory_space<vmem>>
        %dma_start3A_245 = arith.constant 0 : i32
        %dma_start3A_246 = arith.constant 0 : i32
        %dma_start3A_247 = tpu.memref_slice %arg2[%dma_start3A_245, %dma_start3A_246] : memref<10000x128xf32, #tpu.memory_space<hbm>> -> memref<10000x128xf32, #tpu.memory_space<hbm>>
        %dma_start3A_248 = tpu.memref_slice %arg11[%select_n3A_187] : memref<3x!tpu.dma_semaphore, #tpu.memory_space<semaphore_mem>> -> memref<1x!tpu.dma_semaphore, #tpu.memory_space<semaphore_mem>>
        %dma_start3A_249 = tpu.memref_squeeze %dma_start3A_248 : memref<1x!tpu.dma_semaphore, #tpu.memory_space<semaphore_mem>> -> memref<!tpu.dma_semaphore, #tpu.memory_space<semaphore_mem>>
        tpu.enqueue_indirect_dma source(%dma_start3A_247 : memref<10000x128xf32, #tpu.memory_space<hbm>>) target(%dma_start3A_241 : memref<80x128xf32, #tpu.memory_space<vmem>>) offsets(%dma_start3A_244 : memref<80xi32, #tpu.memory_space<vmem>>) semaphore(%dma_start3A_249 : memref<!tpu.dma_semaphore, #tpu.memory_space<semaphore_mem>>)
      } else {
      }
    }
    %scan3A_136 = arith.constant 125 : i32
    %dma_wait3A_137 = arith.constant 0 : i32
    %dma_wait3A_138 = arith.constant 0 : i32
    %dma_wait3A_139 = arith.constant 1 : i32
    %dma_wait3A_140 = arith.constant 0 : i32
    %dma_wait3A_141 = arith.constant 0 : i32
    %dma_wait3A_142 = tpu.memref_slice %arg9[%dma_wait3A_137, %dma_wait3A_140, %dma_wait3A_141] : memref<3x80x128xf32, #tpu.memory_space<vmem>> -> memref<1x80x128xf32, #tpu.memory_space<vmem>>
    %dma_wait3A_143 = tpu.memref_squeeze %dma_wait3A_142 : memref<1x80x128xf32, #tpu.memory_space<vmem>> -> memref<80x128xf32, #tpu.memory_space<vmem>>
    %dma_wait3A_144 = arith.constant 0 : i32
    %dma_wait3A_145 = tpu.memref_slice %arg8[%dma_wait3A_138, %dma_wait3A_144] : memref<125x80xi32, #tpu.memory_space<vmem>> -> memref<1x80xi32, #tpu.memory_space<vmem>>
    %dma_wait3A_146 = tpu.memref_squeeze %dma_wait3A_145 : memref<1x80xi32, #tpu.memory_space<vmem>> -> memref<80xi32, #tpu.memory_space<vmem>>
    %dma_wait3A_147 = arith.constant 0 : i32
    %dma_wait3A_148 = arith.constant 0 : i32
    %dma_wait3A_149 = tpu.memref_slice %arg10[%dma_wait3A_147, %dma_wait3A_148] : memref<10240x128xf32, #tpu.memory_space<vmem_shared>> -> memref<10240x128xf32, #tpu.memory_space<vmem_shared>>
    %dma_wait3A_150 = tpu.memref_slice %arg12[%dma_wait3A_139] : memref<3x!tpu.dma_semaphore, #tpu.memory_space<semaphore_mem>> -> memref<1x!tpu.dma_semaphore, #tpu.memory_space<semaphore_mem>>
    %dma_wait3A_151 = tpu.memref_squeeze %dma_wait3A_150 : memref<1x!tpu.dma_semaphore, #tpu.memory_space<semaphore_mem>> -> memref<!tpu.dma_semaphore, #tpu.memory_space<semaphore_mem>>
    tpu.wait_indirect_dma semaphore(%dma_wait3A_151 : memref<!tpu.dma_semaphore, #tpu.memory_space<semaphore_mem>>) src(%dma_wait3A_143 : memref<80x128xf32, #tpu.memory_space<vmem>>) dst(%dma_wait3A_149 : memref<10240x128xf32, #tpu.memory_space<vmem_shared>>)
    %barrier3A_152 = arith.constant 0 : index
    tpu.barrier barrier_id(%barrier3A_152)
    %mul3A_153 = arith.constant 640 : i32
    %mul3A_154 = arith.muli %arg1, %mul3A_153 : i32
    %multiple_of3A_155 = tpu.assume_multiple %mul3A_154, 8 : i32
    %mul3A_156 = arith.constant 10240 : i32
    %mul3A_157 = arith.muli %arg0, %mul3A_156 : i32
    %multiple_of3A_158 = tpu.assume_multiple %mul3A_157, 8 : i32
    %add3A_159 = arith.addi %multiple_of3A_158, %multiple_of3A_155 : i32
    "tpu.region"() ({
      %run_scoped3A = tpu.sem_alloc : memref<!tpu.dma_semaphore, #tpu.memory_space<semaphore_mem>>
      %dma_start3A_160 = arith.constant 0 : i32
      %dma_start3A_161 = tpu.memref_slice %arg6[%add3A_159, %dma_start3A_160] : memref<20480x128xf32, #tpu.memory_space<hbm>> -> memref<640x128xf32, #tpu.memory_space<hbm>>
      %dma_start3A_162 = arith.constant 0 : i32
      %dma_start3A_163 = tpu.memref_slice %arg10[%multiple_of3A_155, %dma_start3A_162] : memref<10240x128xf32, #tpu.memory_space<vmem_shared>> -> memref<640x128xf32, #tpu.memory_space<vmem_shared>>
      tpu.enqueue_dma source(%dma_start3A_163 : memref<640x128xf32, #tpu.memory_space<vmem_shared>>) target(%dma_start3A_161 : memref<640x128xf32, #tpu.memory_space<hbm>>) target_semaphore(%run_scoped3A : memref<!tpu.dma_semaphore, #tpu.memory_space<semaphore_mem>>)
      %dma_wait3A_164 = arith.constant 0 : i32
      %dma_wait3A_165 = tpu.memref_slice %arg6[%add3A_159, %dma_wait3A_164] : memref<20480x128xf32, #tpu.memory_space<hbm>> -> memref<640x128xf32, #tpu.memory_space<hbm>>
      %dma_wait3A_166 = arith.constant 0 : i32
      %dma_wait3A_167 = tpu.memref_slice %arg10[%multiple_of3A_155, %dma_wait3A_166] : memref<10240x128xf32, #tpu.memory_space<vmem_shared>> -> memref<640x128xf32, #tpu.memory_space<vmem_shared>>
      tpu.wait_dma2 semaphore(%run_scoped3A : memref<!tpu.dma_semaphore, #tpu.memory_space<semaphore_mem>>) src(%dma_wait3A_167 : memref<640x128xf32, #tpu.memory_space<vmem_shared>>) dst(%dma_wait3A_165 : memref<640x128xf32, #tpu.memory_space<hbm>>)
      tpu.yield
    }) : () -> ()
    return
  }
}

#map = affine_map<(d0, d1) -> (0, 0)>
#map1 = affine_map<(d0, d1) -> (0)>
#map2 = affine_map<(d0, d1) -> (0, 0, 0)>
module attributes {stable_mosaic.version = 14 : i64} {
  func.func @_agg_body(%arg0: i32, %arg1: i32, %arg2: memref<10000x128xf32, #tpu.memory_space<hbm>>, %arg3: memref<320000xi32, #tpu.memory_space<hbm>>, %arg4: memref<32x125x80xi32, #tpu.memory_space<hbm>>, %arg5: memref<640x128xf32, #tpu.memory_space<hbm>>, %arg6: memref<20480x128xf32, #tpu.memory_space<hbm>>, %arg7: memref<3x80xi32, #tpu.memory_space<vmem>>, %arg8: memref<125x80xi32, #tpu.memory_space<vmem>>, %arg9: memref<3x80x128xf32, #tpu.memory_space<vmem>>, %arg10: memref<10240x128xf32, #tpu.memory_space<vmem_shared>>, %arg11: memref<3x!tpu.dma_semaphore, #tpu.memory_space<semaphore_mem>>, %arg12: memref<3x!tpu.dma_semaphore, #tpu.memory_space<semaphore_mem>>, %arg13: memref<3x!tpu.dma_semaphore, #tpu.memory_space<semaphore_mem>>) attributes {dimension_semantics = [#tpu.dimension_semantics<core_parallel>, #tpu.dimension_semantics<subcore_parallel>], iteration_bounds = array<i64: 2, 16>, scalar_prefetch = 0 : i64, scratch_operands = 7 : i64, tpu.core_type = #tpu.core_type<sc_vector_subcore>, window_params = [{transform_indices = #map}, {transform_indices = #map1}, {transform_indices = #map2}, {transform_indices = #map}, {transform_indices = #map}]} {
    %mul3A = arith.constant 16 : i32
    %mul3A_0 = arith.muli %arg0, %mul3A : i32
    %add3A = arith.addi %mul3A_0, %arg1 : i32
    %mul3A_1 = arith.constant 10000 : i32
    %mul3A_2 = arith.muli %add3A, %mul3A_1 : i32
    %multiple_of3A = tpu.assume_multiple %mul3A_2, 8 : i32
    %mul3A_3 = arith.constant 640 : i32
    %mul3A_4 = arith.muli %arg1, %mul3A_3 : i32
    %multiple_of3A_5 = tpu.assume_multiple %mul3A_4, 8 : i32
    %dma_start3A = arith.constant 0 : i32
    %dma_start3A_6 = arith.constant 0 : i32
    %dma_start3A_7 = arith.constant 0 : i32
    %dma_start3A_8 = tpu.memref_slice %arg4[%add3A, %dma_start3A_6, %dma_start3A_7] : memref<32x125x80xi32, #tpu.memory_space<hbm>> -> memref<1x125x80xi32, #tpu.memory_space<hbm>>
    %dma_start3A_9 = tpu.memref_squeeze %dma_start3A_8 : memref<1x125x80xi32, #tpu.memory_space<hbm>> -> memref<125x80xi32, #tpu.memory_space<hbm>>
    %dma_start3A_10 = tpu.memref_slice %arg11[%dma_start3A] : memref<3x!tpu.dma_semaphore, #tpu.memory_space<semaphore_mem>> -> memref<1x!tpu.dma_semaphore, #tpu.memory_space<semaphore_mem>>
    %dma_start3A_11 = tpu.memref_squeeze %dma_start3A_10 : memref<1x!tpu.dma_semaphore, #tpu.memory_space<semaphore_mem>> -> memref<!tpu.dma_semaphore, #tpu.memory_space<semaphore_mem>>
    %dma_start3A_12 = arith.constant 0 : i32
    %dma_start3A_13 = arith.constant 0 : i32
    %dma_start3A_14 = tpu.memref_slice %arg4[%add3A, %dma_start3A_12, %dma_start3A_13] : memref<32x125x80xi32, #tpu.memory_space<hbm>> -> memref<1x125x80xi32, #tpu.memory_space<hbm>>
    %dma_start3A_15 = tpu.memref_squeeze %dma_start3A_14 : memref<1x125x80xi32, #tpu.memory_space<hbm>> -> memref<125x80xi32, #tpu.memory_space<hbm>>
    tpu.enqueue_dma source(%dma_start3A_15 : memref<125x80xi32, #tpu.memory_space<hbm>>) target(%arg8 : memref<125x80xi32, #tpu.memory_space<vmem>>) target_semaphore(%dma_start3A_11 : memref<!tpu.dma_semaphore, #tpu.memory_space<semaphore_mem>>)
    %dma_start3A_16 = arith.constant 0 : i32
    %dma_start3A_17 = arith.constant 0 : i32
    %dma_start3A_18 = arith.constant 0 : i32
    %dma_start3A_19 = tpu.memref_slice %arg7[%dma_start3A_16, %dma_start3A_18] : memref<3x80xi32, #tpu.memory_space<vmem>> -> memref<1x80xi32, #tpu.memory_space<vmem>>
    %dma_start3A_20 = tpu.memref_squeeze %dma_start3A_19 : memref<1x80xi32, #tpu.memory_space<vmem>> -> memref<80xi32, #tpu.memory_space<vmem>>
    %dma_start3A_21 = tpu.memref_slice %arg3[%multiple_of3A] : memref<320000xi32, #tpu.memory_space<hbm>> -> memref<80xi32, #tpu.memory_space<hbm>>
    %dma_start3A_22 = tpu.memref_slice %arg13[%dma_start3A_17] : memref<3x!tpu.dma_semaphore, #tpu.memory_space<semaphore_mem>> -> memref<1x!tpu.dma_semaphore, #tpu.memory_space<semaphore_mem>>
    %dma_start3A_23 = tpu.memref_squeeze %dma_start3A_22 : memref<1x!tpu.dma_semaphore, #tpu.memory_space<semaphore_mem>> -> memref<!tpu.dma_semaphore, #tpu.memory_space<semaphore_mem>>
    %dma_start3A_24 = arith.constant 0 : i32
    %dma_start3A_25 = tpu.memref_slice %arg7[%dma_start3A_16, %dma_start3A_24] : memref<3x80xi32, #tpu.memory_space<vmem>> -> memref<1x80xi32, #tpu.memory_space<vmem>>
    %dma_start3A_26 = tpu.memref_squeeze %dma_start3A_25 : memref<1x80xi32, #tpu.memory_space<vmem>> -> memref<80xi32, #tpu.memory_space<vmem>>
    %dma_start3A_27 = tpu.memref_slice %arg3[%multiple_of3A] : memref<320000xi32, #tpu.memory_space<hbm>> -> memref<80xi32, #tpu.memory_space<hbm>>
    tpu.enqueue_dma source(%dma_start3A_27 : memref<80xi32, #tpu.memory_space<hbm>>) target(%dma_start3A_26 : memref<80xi32, #tpu.memory_space<vmem>>) target_semaphore(%dma_start3A_23 : memref<!tpu.dma_semaphore, #tpu.memory_space<semaphore_mem>>)
    %add3A_28 = arith.constant 80 : i32
    %add3A_29 = arith.addi %multiple_of3A, %add3A_28 : i32
    %dma_start3A_30 = arith.constant 1 : i32
    %dma_start3A_31 = arith.constant 1 : i32
    %dma_start3A_32 = arith.constant 0 : i32
    %dma_start3A_33 = tpu.memref_slice %arg7[%dma_start3A_30, %dma_start3A_32] : memref<3x80xi32, #tpu.memory_space<vmem>> -> memref<1x80xi32, #tpu.memory_space<vmem>>
    %dma_start3A_34 = tpu.memref_squeeze %dma_start3A_33 : memref<1x80xi32, #tpu.memory_space<vmem>> -> memref<80xi32, #tpu.memory_space<vmem>>
    %dma_start3A_35 = tpu.memref_slice %arg3[%add3A_29] : memref<320000xi32, #tpu.memory_space<hbm>> -> memref<80xi32, #tpu.memory_space<hbm>>
    %dma_start3A_36 = tpu.memref_slice %arg13[%dma_start3A_31] : memref<3x!tpu.dma_semaphore, #tpu.memory_space<semaphore_mem>> -> memref<1x!tpu.dma_semaphore, #tpu.memory_space<semaphore_mem>>
    %dma_start3A_37 = tpu.memref_squeeze %dma_start3A_36 : memref<1x!tpu.dma_semaphore, #tpu.memory_space<semaphore_mem>> -> memref<!tpu.dma_semaphore, #tpu.memory_space<semaphore_mem>>
    %dma_start3A_38 = arith.constant 0 : i32
    %dma_start3A_39 = tpu.memref_slice %arg7[%dma_start3A_30, %dma_start3A_38] : memref<3x80xi32, #tpu.memory_space<vmem>> -> memref<1x80xi32, #tpu.memory_space<vmem>>
    %dma_start3A_40 = tpu.memref_squeeze %dma_start3A_39 : memref<1x80xi32, #tpu.memory_space<vmem>> -> memref<80xi32, #tpu.memory_space<vmem>>
    %dma_start3A_41 = tpu.memref_slice %arg3[%add3A_29] : memref<320000xi32, #tpu.memory_space<hbm>> -> memref<80xi32, #tpu.memory_space<hbm>>
    tpu.enqueue_dma source(%dma_start3A_41 : memref<80xi32, #tpu.memory_space<hbm>>) target(%dma_start3A_40 : memref<80xi32, #tpu.memory_space<vmem>>) target_semaphore(%dma_start3A_37 : memref<!tpu.dma_semaphore, #tpu.memory_space<semaphore_mem>>)
    %add3A_42 = arith.constant 160 : i32
    %add3A_43 = arith.addi %multiple_of3A, %add3A_42 : i32
    %dma_start3A_44 = arith.constant 2 : i32
    %dma_start3A_45 = arith.constant 2 : i32
    %dma_start3A_46 = arith.constant 0 : i32
    %dma_start3A_47 = tpu.memref_slice %arg7[%dma_start3A_44, %dma_start3A_46] : memref<3x80xi32, #tpu.memory_space<vmem>> -> memref<1x80xi32, #tpu.memory_space<vmem>>
    %dma_start3A_48 = tpu.memref_squeeze %dma_start3A_47 : memref<1x80xi32, #tpu.memory_space<vmem>> -> memref<80xi32, #tpu.memory_space<vmem>>
    %dma_start3A_49 = tpu.memref_slice %arg3[%add3A_43] : memref<320000xi32, #tpu.memory_space<hbm>> -> memref<80xi32, #tpu.memory_space<hbm>>
    %dma_start3A_50 = tpu.memref_slice %arg13[%dma_start3A_45] : memref<3x!tpu.dma_semaphore, #tpu.memory_space<semaphore_mem>> -> memref<1x!tpu.dma_semaphore, #tpu.memory_space<semaphore_mem>>
    %dma_start3A_51 = tpu.memref_squeeze %dma_start3A_50 : memref<1x!tpu.dma_semaphore, #tpu.memory_space<semaphore_mem>> -> memref<!tpu.dma_semaphore, #tpu.memory_space<semaphore_mem>>
    %dma_start3A_52 = arith.constant 0 : i32
    %dma_start3A_53 = tpu.memref_slice %arg7[%dma_start3A_44, %dma_start3A_52] : memref<3x80xi32, #tpu.memory_space<vmem>> -> memref<1x80xi32, #tpu.memory_space<vmem>>
    %dma_start3A_54 = tpu.memref_squeeze %dma_start3A_53 : memref<1x80xi32, #tpu.memory_space<vmem>> -> memref<80xi32, #tpu.memory_space<vmem>>
    %dma_start3A_55 = tpu.memref_slice %arg3[%add3A_43] : memref<320000xi32, #tpu.memory_space<hbm>> -> memref<80xi32, #tpu.memory_space<hbm>>
    tpu.enqueue_dma source(%dma_start3A_55 : memref<80xi32, #tpu.memory_space<hbm>>) target(%dma_start3A_54 : memref<80xi32, #tpu.memory_space<vmem>>) target_semaphore(%dma_start3A_51 : memref<!tpu.dma_semaphore, #tpu.memory_space<semaphore_mem>>)
    %dma_start3A_56 = arith.constant 1 : i32
    %dma_start3A_57 = tpu.memref_slice %arg11[%dma_start3A_56] : memref<3x!tpu.dma_semaphore, #tpu.memory_space<semaphore_mem>> -> memref<1x!tpu.dma_semaphore, #tpu.memory_space<semaphore_mem>>
    %dma_start3A_58 = tpu.memref_squeeze %dma_start3A_57 : memref<1x!tpu.dma_semaphore, #tpu.memory_space<semaphore_mem>> -> memref<!tpu.dma_semaphore, #tpu.memory_space<semaphore_mem>>
    %dma_start3A_59 = arith.constant 0 : i32
    %dma_start3A_60 = tpu.memref_slice %arg10[%multiple_of3A_5, %dma_start3A_59] : memref<10240x128xf32, #tpu.memory_space<vmem_shared>> -> memref<640x128xf32, #tpu.memory_space<vmem_shared>>
    tpu.enqueue_dma source(%arg5 : memref<640x128xf32, #tpu.memory_space<hbm>>) target(%dma_start3A_60 : memref<640x128xf32, #tpu.memory_space<vmem_shared>>) target_semaphore(%dma_start3A_58 : memref<!tpu.dma_semaphore, #tpu.memory_space<semaphore_mem>>)
    %dma_wait3A = arith.constant 0 : i32
    %dma_wait3A_61 = arith.constant 0 : i32
    %dma_wait3A_62 = arith.constant 0 : i32
    %dma_wait3A_63 = tpu.memref_slice %arg4[%add3A, %dma_wait3A_61, %dma_wait3A_62] : memref<32x125x80xi32, #tpu.memory_space<hbm>> -> memref<1x125x80xi32, #tpu.memory_space<hbm>>
    %dma_wait3A_64 = tpu.memref_squeeze %dma_wait3A_63 : memref<1x125x80xi32, #tpu.memory_space<hbm>> -> memref<125x80xi32, #tpu.memory_space<hbm>>
    %dma_wait3A_65 = tpu.memref_slice %arg11[%dma_wait3A] : memref<3x!tpu.dma_semaphore, #tpu.memory_space<semaphore_mem>> -> memref<1x!tpu.dma_semaphore, #tpu.memory_space<semaphore_mem>>
    %dma_wait3A_66 = tpu.memref_squeeze %dma_wait3A_65 : memref<1x!tpu.dma_semaphore, #tpu.memory_space<semaphore_mem>> -> memref<!tpu.dma_semaphore, #tpu.memory_space<semaphore_mem>>
    %dma_wait3A_67 = arith.constant 0 : i32
    %dma_wait3A_68 = arith.constant 0 : i32
    %dma_wait3A_69 = tpu.memref_slice %arg4[%add3A, %dma_wait3A_67, %dma_wait3A_68] : memref<32x125x80xi32, #tpu.memory_space<hbm>> -> memref<1x125x80xi32, #tpu.memory_space<hbm>>
    %dma_wait3A_70 = tpu.memref_squeeze %dma_wait3A_69 : memref<1x125x80xi32, #tpu.memory_space<hbm>> -> memref<125x80xi32, #tpu.memory_space<hbm>>
    tpu.wait_dma2 semaphore(%dma_wait3A_66 : memref<!tpu.dma_semaphore, #tpu.memory_space<semaphore_mem>>) src(%dma_wait3A_70 : memref<125x80xi32, #tpu.memory_space<hbm>>) dst(%arg8 : memref<125x80xi32, #tpu.memory_space<vmem>>)
    %dma_wait3A_71 = arith.constant 0 : i32
    %dma_wait3A_72 = arith.constant 0 : i32
    %dma_wait3A_73 = arith.constant 0 : i32
    %dma_wait3A_74 = tpu.memref_slice %arg7[%dma_wait3A_71, %dma_wait3A_73] : memref<3x80xi32, #tpu.memory_space<vmem>> -> memref<1x80xi32, #tpu.memory_space<vmem>>
    %dma_wait3A_75 = tpu.memref_squeeze %dma_wait3A_74 : memref<1x80xi32, #tpu.memory_space<vmem>> -> memref<80xi32, #tpu.memory_space<vmem>>
    %dma_wait3A_76 = tpu.memref_slice %arg3[%multiple_of3A] : memref<320000xi32, #tpu.memory_space<hbm>> -> memref<80xi32, #tpu.memory_space<hbm>>
    %dma_wait3A_77 = tpu.memref_slice %arg13[%dma_wait3A_72] : memref<3x!tpu.dma_semaphore, #tpu.memory_space<semaphore_mem>> -> memref<1x!tpu.dma_semaphore, #tpu.memory_space<semaphore_mem>>
    %dma_wait3A_78 = tpu.memref_squeeze %dma_wait3A_77 : memref<1x!tpu.dma_semaphore, #tpu.memory_space<semaphore_mem>> -> memref<!tpu.dma_semaphore, #tpu.memory_space<semaphore_mem>>
    %dma_wait3A_79 = arith.constant 0 : i32
    %dma_wait3A_80 = tpu.memref_slice %arg7[%dma_wait3A_71, %dma_wait3A_79] : memref<3x80xi32, #tpu.memory_space<vmem>> -> memref<1x80xi32, #tpu.memory_space<vmem>>
    %dma_wait3A_81 = tpu.memref_squeeze %dma_wait3A_80 : memref<1x80xi32, #tpu.memory_space<vmem>> -> memref<80xi32, #tpu.memory_space<vmem>>
    %dma_wait3A_82 = tpu.memref_slice %arg3[%multiple_of3A] : memref<320000xi32, #tpu.memory_space<hbm>> -> memref<80xi32, #tpu.memory_space<hbm>>
    tpu.wait_dma2 semaphore(%dma_wait3A_78 : memref<!tpu.dma_semaphore, #tpu.memory_space<semaphore_mem>>) src(%dma_wait3A_82 : memref<80xi32, #tpu.memory_space<hbm>>) dst(%dma_wait3A_81 : memref<80xi32, #tpu.memory_space<vmem>>)
    %add3A_83 = arith.constant 80 : i32
    %add3A_84 = arith.addi %multiple_of3A, %add3A_83 : i32
    %dma_wait3A_85 = arith.constant 1 : i32
    %dma_wait3A_86 = arith.constant 1 : i32
    %dma_wait3A_87 = arith.constant 0 : i32
    %dma_wait3A_88 = tpu.memref_slice %arg7[%dma_wait3A_85, %dma_wait3A_87] : memref<3x80xi32, #tpu.memory_space<vmem>> -> memref<1x80xi32, #tpu.memory_space<vmem>>
    %dma_wait3A_89 = tpu.memref_squeeze %dma_wait3A_88 : memref<1x80xi32, #tpu.memory_space<vmem>> -> memref<80xi32, #tpu.memory_space<vmem>>
    %dma_wait3A_90 = tpu.memref_slice %arg3[%add3A_84] : memref<320000xi32, #tpu.memory_space<hbm>> -> memref<80xi32, #tpu.memory_space<hbm>>
    %dma_wait3A_91 = tpu.memref_slice %arg13[%dma_wait3A_86] : memref<3x!tpu.dma_semaphore, #tpu.memory_space<semaphore_mem>> -> memref<1x!tpu.dma_semaphore, #tpu.memory_space<semaphore_mem>>
    %dma_wait3A_92 = tpu.memref_squeeze %dma_wait3A_91 : memref<1x!tpu.dma_semaphore, #tpu.memory_space<semaphore_mem>> -> memref<!tpu.dma_semaphore, #tpu.memory_space<semaphore_mem>>
    %dma_wait3A_93 = arith.constant 0 : i32
    %dma_wait3A_94 = tpu.memref_slice %arg7[%dma_wait3A_85, %dma_wait3A_93] : memref<3x80xi32, #tpu.memory_space<vmem>> -> memref<1x80xi32, #tpu.memory_space<vmem>>
    %dma_wait3A_95 = tpu.memref_squeeze %dma_wait3A_94 : memref<1x80xi32, #tpu.memory_space<vmem>> -> memref<80xi32, #tpu.memory_space<vmem>>
    %dma_wait3A_96 = tpu.memref_slice %arg3[%add3A_84] : memref<320000xi32, #tpu.memory_space<hbm>> -> memref<80xi32, #tpu.memory_space<hbm>>
    tpu.wait_dma2 semaphore(%dma_wait3A_92 : memref<!tpu.dma_semaphore, #tpu.memory_space<semaphore_mem>>) src(%dma_wait3A_96 : memref<80xi32, #tpu.memory_space<hbm>>) dst(%dma_wait3A_95 : memref<80xi32, #tpu.memory_space<vmem>>)
    %dma_wait3A_97 = arith.constant 1 : i32
    %dma_wait3A_98 = tpu.memref_slice %arg11[%dma_wait3A_97] : memref<3x!tpu.dma_semaphore, #tpu.memory_space<semaphore_mem>> -> memref<1x!tpu.dma_semaphore, #tpu.memory_space<semaphore_mem>>
    %dma_wait3A_99 = tpu.memref_squeeze %dma_wait3A_98 : memref<1x!tpu.dma_semaphore, #tpu.memory_space<semaphore_mem>> -> memref<!tpu.dma_semaphore, #tpu.memory_space<semaphore_mem>>
    %dma_wait3A_100 = arith.constant 0 : i32
    %dma_wait3A_101 = tpu.memref_slice %arg10[%multiple_of3A_5, %dma_wait3A_100] : memref<10240x128xf32, #tpu.memory_space<vmem_shared>> -> memref<640x128xf32, #tpu.memory_space<vmem_shared>>
    tpu.wait_dma2 semaphore(%dma_wait3A_99 : memref<!tpu.dma_semaphore, #tpu.memory_space<semaphore_mem>>) src(%arg5 : memref<640x128xf32, #tpu.memory_space<hbm>>) dst(%dma_wait3A_101 : memref<640x128xf32, #tpu.memory_space<vmem_shared>>)
    %barrier3A = arith.constant 0 : index
    tpu.barrier barrier_id(%barrier3A)
    %dma_start3A_102 = arith.constant 0 : i32
    %dma_start3A_103 = arith.constant 0 : i32
    %dma_start3A_104 = arith.constant 0 : i32
    %dma_start3A_105 = arith.constant 0 : i32
    %dma_start3A_106 = arith.constant 0 : i32
    %dma_start3A_107 = tpu.memref_slice %arg9[%dma_start3A_103, %dma_start3A_105, %dma_start3A_106] : memref<3x80x128xf32, #tpu.memory_space<vmem>> -> memref<1x80x128xf32, #tpu.memory_space<vmem>>
    %dma_start3A_108 = tpu.memref_squeeze %dma_start3A_107 : memref<1x80x128xf32, #tpu.memory_space<vmem>> -> memref<80x128xf32, #tpu.memory_space<vmem>>
    %dma_start3A_109 = arith.constant 0 : i32
    %dma_start3A_110 = tpu.memref_slice %arg7[%dma_start3A_102, %dma_start3A_109] : memref<3x80xi32, #tpu.memory_space<vmem>> -> memref<1x80xi32, #tpu.memory_space<vmem>>
    %dma_start3A_111 = tpu.memref_squeeze %dma_start3A_110 : memref<1x80xi32, #tpu.memory_space<vmem>> -> memref<80xi32, #tpu.memory_space<vmem>>
    %dma_start3A_112 = arith.constant 0 : i32
    %dma_start3A_113 = arith.constant 0 : i32
    %dma_start3A_114 = tpu.memref_slice %arg2[%dma_start3A_112, %dma_start3A_113] : memref<10000x128xf32, #tpu.memory_space<hbm>> -> memref<10000x128xf32, #tpu.memory_space<hbm>>
    %dma_start3A_115 = tpu.memref_slice %arg11[%dma_start3A_104] : memref<3x!tpu.dma_semaphore, #tpu.memory_space<semaphore_mem>> -> memref<1x!tpu.dma_semaphore, #tpu.memory_space<semaphore_mem>>
    %dma_start3A_116 = tpu.memref_squeeze %dma_start3A_115 : memref<1x!tpu.dma_semaphore, #tpu.memory_space<semaphore_mem>> -> memref<!tpu.dma_semaphore, #tpu.memory_space<semaphore_mem>>
    tpu.enqueue_indirect_dma source(%dma_start3A_114 : memref<10000x128xf32, #tpu.memory_space<hbm>>) target(%dma_start3A_108 : memref<80x128xf32, #tpu.memory_space<vmem>>) offsets(%dma_start3A_111 : memref<80xi32, #tpu.memory_space<vmem>>) semaphore(%dma_start3A_116 : memref<!tpu.dma_semaphore, #tpu.memory_space<semaphore_mem>>)
    %dma_start3A_117 = arith.constant 1 : i32
    %dma_start3A_118 = arith.constant 1 : i32
    %dma_start3A_119 = arith.constant 1 : i32
    %dma_start3A_120 = arith.constant 0 : i32
    %dma_start3A_121 = arith.constant 0 : i32
    %dma_start3A_122 = tpu.memref_slice %arg9[%dma_start3A_118, %dma_start3A_120, %dma_start3A_121] : memref<3x80x128xf32, #tpu.memory_space<vmem>> -> memref<1x80x128xf32, #tpu.memory_space<vmem>>
    %dma_start3A_123 = tpu.memref_squeeze %dma_start3A_122 : memref<1x80x128xf32, #tpu.memory_space<vmem>> -> memref<80x128xf32, #tpu.memory_space<vmem>>
    %dma_start3A_124 = arith.constant 0 : i32
    %dma_start3A_125 = tpu.memref_slice %arg7[%dma_start3A_117, %dma_start3A_124] : memref<3x80xi32, #tpu.memory_space<vmem>> -> memref<1x80xi32, #tpu.memory_space<vmem>>
    %dma_start3A_126 = tpu.memref_squeeze %dma_start3A_125 : memref<1x80xi32, #tpu.memory_space<vmem>> -> memref<80xi32, #tpu.memory_space<vmem>>
    %dma_start3A_127 = arith.constant 0 : i32
    %dma_start3A_128 = arith.constant 0 : i32
    %dma_start3A_129 = tpu.memref_slice %arg2[%dma_start3A_127, %dma_start3A_128] : memref<10000x128xf32, #tpu.memory_space<hbm>> -> memref<10000x128xf32, #tpu.memory_space<hbm>>
    %dma_start3A_130 = tpu.memref_slice %arg11[%dma_start3A_119] : memref<3x!tpu.dma_semaphore, #tpu.memory_space<semaphore_mem>> -> memref<1x!tpu.dma_semaphore, #tpu.memory_space<semaphore_mem>>
    %dma_start3A_131 = tpu.memref_squeeze %dma_start3A_130 : memref<1x!tpu.dma_semaphore, #tpu.memory_space<semaphore_mem>> -> memref<!tpu.dma_semaphore, #tpu.memory_space<semaphore_mem>>
    tpu.enqueue_indirect_dma source(%dma_start3A_129 : memref<10000x128xf32, #tpu.memory_space<hbm>>) target(%dma_start3A_123 : memref<80x128xf32, #tpu.memory_space<vmem>>) offsets(%dma_start3A_126 : memref<80xi32, #tpu.memory_space<vmem>>) semaphore(%dma_start3A_131 : memref<!tpu.dma_semaphore, #tpu.memory_space<semaphore_mem>>)
    %scan3A = arith.constant 0 : i32
    %scan3A_132 = arith.constant 0 : i32
    %scan3A_133 = arith.constant 125 : i32
    %scan3A_134 = arith.addi %scan3A_132, %scan3A_133 : i32
    %scan3A_135 = arith.constant 1 : i32
    scf.for %scan3A_160 = %scan3A_132 to %scan3A_134 step %scan3A_135  : i32 {
      %jit3A = arith.constant 3 : i32
      %eq3A = arith.constant 0 : i32
      %eq3A_161 = arith.cmpi eq, %jit3A, %eq3A : i32
      %jit3A_162 = arith.constant 1 : i32
      %select_n3A = arith.select %eq3A_161, %jit3A_162, %jit3A : i32
      %rem3A = arith.remsi %scan3A_160, %select_n3A : i32
      %ne3A = arith.constant 0 : i32
      %ne3A_163 = arith.cmpi ne, %rem3A, %ne3A : i32
      %lt3A = arith.constant 0 : i32
      %lt3A_164 = arith.cmpi slt, %rem3A, %lt3A : i32
      %lt3A_165 = arith.constant 0 : i32
      %lt3A_166 = arith.cmpi slt, %select_n3A, %lt3A_165 : i32
      %ne3A_167 = arith.xori %lt3A_164, %lt3A_166 : i1
      %and3A = arith.andi %ne3A_167, %ne3A_163 : i1
      %add3A_168 = arith.addi %rem3A, %select_n3A : i32
      %select_n3A_169 = arith.select %and3A, %add3A_168, %rem3A : i32
      %add3A_170 = arith.constant 2 : i32
      %add3A_171 = arith.addi %scan3A_160, %add3A_170 : i32
      %jit3A_172 = arith.constant 3 : i32
      %eq3A_173 = arith.constant 0 : i32
      %eq3A_174 = arith.cmpi eq, %jit3A_172, %eq3A_173 : i32
      %jit3A_175 = arith.constant 1 : i32
      %select_n3A_176 = arith.select %eq3A_174, %jit3A_175, %jit3A_172 : i32
      %rem3A_177 = arith.remsi %add3A_171, %select_n3A_176 : i32
      %ne3A_178 = arith.constant 0 : i32
      %ne3A_179 = arith.cmpi ne, %rem3A_177, %ne3A_178 : i32
      %lt3A_180 = arith.constant 0 : i32
      %lt3A_181 = arith.cmpi slt, %rem3A_177, %lt3A_180 : i32
      %lt3A_182 = arith.constant 0 : i32
      %lt3A_183 = arith.cmpi slt, %select_n3A_176, %lt3A_182 : i32
      %ne3A_184 = arith.xori %lt3A_181, %lt3A_183 : i1
      %and3A_185 = arith.andi %ne3A_184, %ne3A_179 : i1
      %add3A_186 = arith.addi %rem3A_177, %select_n3A_176 : i32
      %select_n3A_187 = arith.select %and3A_185, %add3A_186, %rem3A_177 : i32
      %dma_wait3A_188 = arith.constant 0 : i32
      %dma_wait3A_189 = arith.constant 0 : i32
      %dma_wait3A_190 = tpu.memref_slice %arg9[%select_n3A_169, %dma_wait3A_188, %dma_wait3A_189] : memref<3x80x128xf32, #tpu.memory_space<vmem>> -> memref<1x80x128xf32, #tpu.memory_space<vmem>>
      %dma_wait3A_191 = tpu.memref_squeeze %dma_wait3A_190 : memref<1x80x128xf32, #tpu.memory_space<vmem>> -> memref<80x128xf32, #tpu.memory_space<vmem>>
      %dma_wait3A_192 = arith.constant 0 : i32
      %dma_wait3A_193 = tpu.memref_slice %arg7[%select_n3A_169, %dma_wait3A_192] : memref<3x80xi32, #tpu.memory_space<vmem>> -> memref<1x80xi32, #tpu.memory_space<vmem>>
      %dma_wait3A_194 = tpu.memref_squeeze %dma_wait3A_193 : memref<1x80xi32, #tpu.memory_space<vmem>> -> memref<80xi32, #tpu.memory_space<vmem>>
      %dma_wait3A_195 = arith.constant 0 : i32
      %dma_wait3A_196 = arith.constant 0 : i32
      %dma_wait3A_197 = tpu.memref_slice %arg2[%dma_wait3A_195, %dma_wait3A_196] : memref<10000x128xf32, #tpu.memory_space<hbm>> -> memref<10000x128xf32, #tpu.memory_space<hbm>>
      %dma_wait3A_198 = tpu.memref_slice %arg11[%select_n3A_169] : memref<3x!tpu.dma_semaphore, #tpu.memory_space<semaphore_mem>> -> memref<1x!tpu.dma_semaphore, #tpu.memory_space<semaphore_mem>>
      %dma_wait3A_199 = tpu.memref_squeeze %dma_wait3A_198 : memref<1x!tpu.dma_semaphore, #tpu.memory_space<semaphore_mem>> -> memref<!tpu.dma_semaphore, #tpu.memory_space<semaphore_mem>>
      tpu.wait_indirect_dma semaphore(%dma_wait3A_199 : memref<!tpu.dma_semaphore, #tpu.memory_space<semaphore_mem>>) src(%dma_wait3A_197 : memref<10000x128xf32, #tpu.memory_space<hbm>>) dst(%dma_wait3A_191 : memref<80x128xf32, #tpu.memory_space<vmem>>)
      %add3A_200 = arith.constant 3 : i32
      %add3A_201 = arith.addi %scan3A_160, %add3A_200 : i32
      %lt3A_202 = arith.constant 125 : i32
      %lt3A_203 = arith.cmpi slt, %add3A_201, %lt3A_202 : i32
      %convert_element_type3A = arith.extui %lt3A_203 : i1 to i32
      %cond3A = arith.constant 0 : i32
      %cond3A_204 = arith.cmpi ne, %convert_element_type3A, %cond3A : i32
      scf.if %cond3A_204 {
        %add3A_228 = arith.constant 3 : i32
        %add3A_229 = arith.addi %scan3A_160, %add3A_228 : i32
        %mul3A_230 = arith.constant 80 : i32
        %mul3A_231 = arith.muli %add3A_229, %mul3A_230 : i32
        %add3A_232 = arith.addi %multiple_of3A, %mul3A_231 : i32
        %multiple_of3A_233 = tpu.assume_multiple %add3A_232, 8 : i32
        %dma_start3A_234 = arith.constant 0 : i32
        %dma_start3A_235 = tpu.memref_slice %arg7[%select_n3A_169, %dma_start3A_234] : memref<3x80xi32, #tpu.memory_space<vmem>> -> memref<1x80xi32, #tpu.memory_space<vmem>>
        %dma_start3A_236 = tpu.memref_squeeze %dma_start3A_235 : memref<1x80xi32, #tpu.memory_space<vmem>> -> memref<80xi32, #tpu.memory_space<vmem>>
        %dma_start3A_237 = tpu.memref_slice %arg3[%multiple_of3A_233] : memref<320000xi32, #tpu.memory_space<hbm>> -> memref<80xi32, #tpu.memory_space<hbm>>
        %dma_start3A_238 = tpu.memref_slice %arg13[%select_n3A_169] : memref<3x!tpu.dma_semaphore, #tpu.memory_space<semaphore_mem>> -> memref<1x!tpu.dma_semaphore, #tpu.memory_space<semaphore_mem>>
        %dma_start3A_239 = tpu.memref_squeeze %dma_start3A_238 : memref<1x!tpu.dma_semaphore, #tpu.memory_space<semaphore_mem>> -> memref<!tpu.dma_semaphore, #tpu.memory_space<semaphore_mem>>
        %dma_start3A_240 = arith.constant 0 : i32
        %dma_start3A_241 = tpu.memref_slice %arg7[%select_n3A_169, %dma_start3A_240] : memref<3x80xi32, #tpu.memory_space<vmem>> -> memref<1x80xi32, #tpu.memory_space<vmem>>
        %dma_start3A_242 = tpu.memref_squeeze %dma_start3A_241 : memref<1x80xi32, #tpu.memory_space<vmem>> -> memref<80xi32, #tpu.memory_space<vmem>>
        %dma_start3A_243 = tpu.memref_slice %arg3[%multiple_of3A_233] : memref<320000xi32, #tpu.memory_space<hbm>> -> memref<80xi32, #tpu.memory_space<hbm>>
        tpu.enqueue_dma source(%dma_start3A_243 : memref<80xi32, #tpu.memory_space<hbm>>) target(%dma_start3A_242 : memref<80xi32, #tpu.memory_space<vmem>>) target_semaphore(%dma_start3A_239 : memref<!tpu.dma_semaphore, #tpu.memory_space<semaphore_mem>>)
      } else {
      }
      %dma_start3A_205 = arith.constant 0 : i32
      %dma_start3A_206 = arith.constant 0 : i32
      %dma_start3A_207 = tpu.memref_slice %arg9[%select_n3A_169, %dma_start3A_205, %dma_start3A_206] : memref<3x80x128xf32, #tpu.memory_space<vmem>> -> memref<1x80x128xf32, #tpu.memory_space<vmem>>
      %dma_start3A_208 = tpu.memref_squeeze %dma_start3A_207 : memref<1x80x128xf32, #tpu.memory_space<vmem>> -> memref<80x128xf32, #tpu.memory_space<vmem>>
      %dma_start3A_209 = arith.constant 0 : i32
      %dma_start3A_210 = tpu.memref_slice %arg8[%scan3A_160, %dma_start3A_209] : memref<125x80xi32, #tpu.memory_space<vmem>> -> memref<1x80xi32, #tpu.memory_space<vmem>>
      %dma_start3A_211 = tpu.memref_squeeze %dma_start3A_210 : memref<1x80xi32, #tpu.memory_space<vmem>> -> memref<80xi32, #tpu.memory_space<vmem>>
      %dma_start3A_212 = arith.constant 0 : i32
      %dma_start3A_213 = arith.constant 0 : i32
      %dma_start3A_214 = tpu.memref_slice %arg10[%dma_start3A_212, %dma_start3A_213] : memref<10240x128xf32, #tpu.memory_space<vmem_shared>> -> memref<10240x128xf32, #tpu.memory_space<vmem_shared>>
      %dma_start3A_215 = tpu.memref_slice %arg12[%select_n3A_169] : memref<3x!tpu.dma_semaphore, #tpu.memory_space<semaphore_mem>> -> memref<1x!tpu.dma_semaphore, #tpu.memory_space<semaphore_mem>>
      %dma_start3A_216 = tpu.memref_squeeze %dma_start3A_215 : memref<1x!tpu.dma_semaphore, #tpu.memory_space<semaphore_mem>> -> memref<!tpu.dma_semaphore, #tpu.memory_space<semaphore_mem>>
      tpu.enqueue_indirect_dma source(%dma_start3A_208 : memref<80x128xf32, #tpu.memory_space<vmem>>) target(%dma_start3A_214 : memref<10240x128xf32, #tpu.memory_space<vmem_shared>>) offsets(%dma_start3A_211 : memref<80xi32, #tpu.memory_space<vmem>>) semaphore(%dma_start3A_216 : memref<!tpu.dma_semaphore, #tpu.memory_space<semaphore_mem>>) {add = true}
      %ge3A = arith.constant 1 : i32
      %ge3A_217 = arith.cmpi sge, %scan3A_160, %ge3A : i32
      %convert_element_type3A_218 = arith.extui %ge3A_217 : i1 to i32
      %cond3A_219 = arith.constant 0 : i32
      %cond3A_220 = arith.cmpi ne, %convert_element_type3A_218, %cond3A_219 : i32
      scf.if %cond3A_220 {
        %dma_wait3A_228 = arith.constant 0 : i32
        %dma_wait3A_229 = arith.constant 0 : i32
        %dma_wait3A_230 = tpu.memref_slice %arg9[%select_n3A_187, %dma_wait3A_228, %dma_wait3A_229] : memref<3x80x128xf32, #tpu.memory_space<vmem>> -> memref<1x80x128xf32, #tpu.memory_space<vmem>>
        %dma_wait3A_231 = tpu.memref_squeeze %dma_wait3A_230 : memref<1x80x128xf32, #tpu.memory_space<vmem>> -> memref<80x128xf32, #tpu.memory_space<vmem>>
        %dma_wait3A_232 = arith.constant 0 : i32
        %dma_wait3A_233 = tpu.memref_slice %arg8[%scan3A_160, %dma_wait3A_232] : memref<125x80xi32, #tpu.memory_space<vmem>> -> memref<1x80xi32, #tpu.memory_space<vmem>>
        %dma_wait3A_234 = tpu.memref_squeeze %dma_wait3A_233 : memref<1x80xi32, #tpu.memory_space<vmem>> -> memref<80xi32, #tpu.memory_space<vmem>>
        %dma_wait3A_235 = arith.constant 0 : i32
        %dma_wait3A_236 = arith.constant 0 : i32
        %dma_wait3A_237 = tpu.memref_slice %arg10[%dma_wait3A_235, %dma_wait3A_236] : memref<10240x128xf32, #tpu.memory_space<vmem_shared>> -> memref<10240x128xf32, #tpu.memory_space<vmem_shared>>
        %dma_wait3A_238 = tpu.memref_slice %arg12[%select_n3A_187] : memref<3x!tpu.dma_semaphore, #tpu.memory_space<semaphore_mem>> -> memref<1x!tpu.dma_semaphore, #tpu.memory_space<semaphore_mem>>
        %dma_wait3A_239 = tpu.memref_squeeze %dma_wait3A_238 : memref<1x!tpu.dma_semaphore, #tpu.memory_space<semaphore_mem>> -> memref<!tpu.dma_semaphore, #tpu.memory_space<semaphore_mem>>
        tpu.wait_indirect_dma semaphore(%dma_wait3A_239 : memref<!tpu.dma_semaphore, #tpu.memory_space<semaphore_mem>>) src(%dma_wait3A_231 : memref<80x128xf32, #tpu.memory_space<vmem>>) dst(%dma_wait3A_237 : memref<10240x128xf32, #tpu.memory_space<vmem_shared>>)
      } else {
      }
      %add3A_221 = arith.constant 2 : i32
      %add3A_222 = arith.addi %scan3A_160, %add3A_221 : i32
      %lt3A_223 = arith.constant 125 : i32
      %lt3A_224 = arith.cmpi slt, %add3A_222, %lt3A_223 : i32
      %convert_element_type3A_225 = arith.extui %lt3A_224 : i1 to i32
      %cond3A_226 = arith.constant 0 : i32
      %cond3A_227 = arith.cmpi ne, %convert_element_type3A_225, %cond3A_226 : i32
      scf.if %cond3A_227 {
        %dma_wait3A_228 = arith.constant 0 : i32
        %dma_wait3A_229 = tpu.memref_slice %arg7[%select_n3A_187, %dma_wait3A_228] : memref<3x80xi32, #tpu.memory_space<vmem>> -> memref<1x80xi32, #tpu.memory_space<vmem>>
        %dma_wait3A_230 = tpu.memref_squeeze %dma_wait3A_229 : memref<1x80xi32, #tpu.memory_space<vmem>> -> memref<80xi32, #tpu.memory_space<vmem>>
        %dma_wait3A_231 = tpu.memref_slice %arg3[%multiple_of3A] : memref<320000xi32, #tpu.memory_space<hbm>> -> memref<80xi32, #tpu.memory_space<hbm>>
        %dma_wait3A_232 = tpu.memref_slice %arg13[%select_n3A_187] : memref<3x!tpu.dma_semaphore, #tpu.memory_space<semaphore_mem>> -> memref<1x!tpu.dma_semaphore, #tpu.memory_space<semaphore_mem>>
        %dma_wait3A_233 = tpu.memref_squeeze %dma_wait3A_232 : memref<1x!tpu.dma_semaphore, #tpu.memory_space<semaphore_mem>> -> memref<!tpu.dma_semaphore, #tpu.memory_space<semaphore_mem>>
        %dma_wait3A_234 = arith.constant 0 : i32
        %dma_wait3A_235 = tpu.memref_slice %arg7[%select_n3A_187, %dma_wait3A_234] : memref<3x80xi32, #tpu.memory_space<vmem>> -> memref<1x80xi32, #tpu.memory_space<vmem>>
        %dma_wait3A_236 = tpu.memref_squeeze %dma_wait3A_235 : memref<1x80xi32, #tpu.memory_space<vmem>> -> memref<80xi32, #tpu.memory_space<vmem>>
        %dma_wait3A_237 = tpu.memref_slice %arg3[%multiple_of3A] : memref<320000xi32, #tpu.memory_space<hbm>> -> memref<80xi32, #tpu.memory_space<hbm>>
        tpu.wait_dma2 semaphore(%dma_wait3A_233 : memref<!tpu.dma_semaphore, #tpu.memory_space<semaphore_mem>>) src(%dma_wait3A_237 : memref<80xi32, #tpu.memory_space<hbm>>) dst(%dma_wait3A_236 : memref<80xi32, #tpu.memory_space<vmem>>)
        %dma_start3A_238 = arith.constant 0 : i32
        %dma_start3A_239 = arith.constant 0 : i32
        %dma_start3A_240 = tpu.memref_slice %arg9[%select_n3A_187, %dma_start3A_238, %dma_start3A_239] : memref<3x80x128xf32, #tpu.memory_space<vmem>> -> memref<1x80x128xf32, #tpu.memory_space<vmem>>
        %dma_start3A_241 = tpu.memref_squeeze %dma_start3A_240 : memref<1x80x128xf32, #tpu.memory_space<vmem>> -> memref<80x128xf32, #tpu.memory_space<vmem>>
        %dma_start3A_242 = arith.constant 0 : i32
        %dma_start3A_243 = tpu.memref_slice %arg7[%select_n3A_187, %dma_start3A_242] : memref<3x80xi32, #tpu.memory_space<vmem>> -> memref<1x80xi32, #tpu.memory_space<vmem>>
        %dma_start3A_244 = tpu.memref_squeeze %dma_start3A_243 : memref<1x80xi32, #tpu.memory_space<vmem>> -> memref<80xi32, #tpu.memory_space<vmem>>
        %dma_start3A_245 = arith.constant 0 : i32
        %dma_start3A_246 = arith.constant 0 : i32
        %dma_start3A_247 = tpu.memref_slice %arg2[%dma_start3A_245, %dma_start3A_246] : memref<10000x128xf32, #tpu.memory_space<hbm>> -> memref<10000x128xf32, #tpu.memory_space<hbm>>
        %dma_start3A_248 = tpu.memref_slice %arg11[%select_n3A_187] : memref<3x!tpu.dma_semaphore, #tpu.memory_space<semaphore_mem>> -> memref<1x!tpu.dma_semaphore, #tpu.memory_space<semaphore_mem>>
        %dma_start3A_249 = tpu.memref_squeeze %dma_start3A_248 : memref<1x!tpu.dma_semaphore, #tpu.memory_space<semaphore_mem>> -> memref<!tpu.dma_semaphore, #tpu.memory_space<semaphore_mem>>
        tpu.enqueue_indirect_dma source(%dma_start3A_247 : memref<10000x128xf32, #tpu.memory_space<hbm>>) target(%dma_start3A_241 : memref<80x128xf32, #tpu.memory_space<vmem>>) offsets(%dma_start3A_244 : memref<80xi32, #tpu.memory_space<vmem>>) semaphore(%dma_start3A_249 : memref<!tpu.dma_semaphore, #tpu.memory_space<semaphore_mem>>)
      } else {
      }
    }
    %scan3A_136 = arith.constant 125 : i32
    %dma_wait3A_137 = arith.constant 0 : i32
    %dma_wait3A_138 = arith.constant 0 : i32
    %dma_wait3A_139 = arith.constant 1 : i32
    %dma_wait3A_140 = arith.constant 0 : i32
    %dma_wait3A_141 = arith.constant 0 : i32
    %dma_wait3A_142 = tpu.memref_slice %arg9[%dma_wait3A_137, %dma_wait3A_140, %dma_wait3A_141] : memref<3x80x128xf32, #tpu.memory_space<vmem>> -> memref<1x80x128xf32, #tpu.memory_space<vmem>>
    %dma_wait3A_143 = tpu.memref_squeeze %dma_wait3A_142 : memref<1x80x128xf32, #tpu.memory_space<vmem>> -> memref<80x128xf32, #tpu.memory_space<vmem>>
    %dma_wait3A_144 = arith.constant 0 : i32
    %dma_wait3A_145 = tpu.memref_slice %arg8[%dma_wait3A_138, %dma_wait3A_144] : memref<125x80xi32, #tpu.memory_space<vmem>> -> memref<1x80xi32, #tpu.memory_space<vmem>>
    %dma_wait3A_146 = tpu.memref_squeeze %dma_wait3A_145 : memref<1x80xi32, #tpu.memory_space<vmem>> -> memref<80xi32, #tpu.memory_space<vmem>>
    %dma_wait3A_147 = arith.constant 0 : i32
    %dma_wait3A_148 = arith.constant 0 : i32
    %dma_wait3A_149 = tpu.memref_slice %arg10[%dma_wait3A_147, %dma_wait3A_148] : memref<10240x128xf32, #tpu.memory_space<vmem_shared>> -> memref<10240x128xf32, #tpu.memory_space<vmem_shared>>
    %dma_wait3A_150 = tpu.memref_slice %arg12[%dma_wait3A_139] : memref<3x!tpu.dma_semaphore, #tpu.memory_space<semaphore_mem>> -> memref<1x!tpu.dma_semaphore, #tpu.memory_space<semaphore_mem>>
    %dma_wait3A_151 = tpu.memref_squeeze %dma_wait3A_150 : memref<1x!tpu.dma_semaphore, #tpu.memory_space<semaphore_mem>> -> memref<!tpu.dma_semaphore, #tpu.memory_space<semaphore_mem>>
    tpu.wait_indirect_dma semaphore(%dma_wait3A_151 : memref<!tpu.dma_semaphore, #tpu.memory_space<semaphore_mem>>) src(%dma_wait3A_143 : memref<80x128xf32, #tpu.memory_space<vmem>>) dst(%dma_wait3A_149 : memref<10240x128xf32, #tpu.memory_space<vmem_shared>>)
    %barrier3A_152 = arith.constant 0 : index
    tpu.barrier barrier_id(%barrier3A_152)
    %mul3A_153 = arith.constant 640 : i32
    %mul3A_154 = arith.muli %arg1, %mul3A_153 : i32
    %multiple_of3A_155 = tpu.assume_multiple %mul3A_154, 8 : i32
    %mul3A_156 = arith.constant 10240 : i32
    %mul3A_157 = arith.muli %arg0, %mul3A_156 : i32
    %multiple_of3A_158 = tpu.assume_multiple %mul3A_157, 8 : i32
    %add3A_159 = arith.addi %multiple_of3A_158, %multiple_of3A_155 : i32
    "tpu.region"() ({
      %run_scoped3A = tpu.sem_alloc : memref<!tpu.dma_semaphore, #tpu.memory_space<semaphore_mem>>
      %dma_start3A_160 = arith.constant 0 : i32
      %dma_start3A_161 = tpu.memref_slice %arg6[%add3A_159, %dma_start3A_160] : memref<20480x128xf32, #tpu.memory_space<hbm>> -> memref<640x128xf32, #tpu.memory_space<hbm>>
      %dma_start3A_162 = arith.constant 0 : i32
      %dma_start3A_163 = tpu.memref_slice %arg10[%multiple_of3A_155, %dma_start3A_162] : memref<10240x128xf32, #tpu.memory_space<vmem_shared>> -> memref<640x128xf32, #tpu.memory_space<vmem_shared>>
      tpu.enqueue_dma source(%dma_start3A_163 : memref<640x128xf32, #tpu.memory_space<vmem_shared>>) target(%dma_start3A_161 : memref<640x128xf32, #tpu.memory_space<hbm>>) target_semaphore(%run_scoped3A : memref<!tpu.dma_semaphore, #tpu.memory_space<semaphore_mem>>)
      %dma_wait3A_164 = arith.constant 0 : i32
      %dma_wait3A_165 = tpu.memref_slice %arg6[%add3A_159, %dma_wait3A_164] : memref<20480x128xf32, #tpu.memory_space<hbm>> -> memref<640x128xf32, #tpu.memory_space<hbm>>
      %dma_wait3A_166 = arith.constant 0 : i32
      %dma_wait3A_167 = tpu.memref_slice %arg10[%multiple_of3A_155, %dma_wait3A_166] : memref<10240x128xf32, #tpu.memory_space<vmem_shared>> -> memref<640x128xf32, #tpu.memory_space<vmem_shared>>
      tpu.wait_dma2 semaphore(%run_scoped3A : memref<!tpu.dma_semaphore, #tpu.memory_space<semaphore_mem>>) src(%dma_wait3A_167 : memref<640x128xf32, #tpu.memory_space<vmem_shared>>) dst(%dma_wait3A_165 : memref<640x128xf32, #tpu.memory_space<hbm>>)
      tpu.yield
    }) : () -> ()
    return
  }
}

module attributes {stable_mosaic.version = 14 : i64} {
  func.func @_mid_body(%arg0: memref<20480x128xf32, #tpu.memory_space<vmem>>, %arg1: memref<10000x128xf32, #tpu.memory_space<vmem>>, %arg2: memref<10000x1xf32, #tpu.memory_space<vmem>>, %arg3: memref<1x128xf32, #tpu.memory_space<vmem>>, %arg4: memref<128x128xf32, #tpu.memory_space<vmem>>, %arg5: memref<10000x128xf32, #tpu.memory_space<vmem>>) attributes {dimension_semantics = [], scalar_prefetch = 0 : i64, scratch_operands = 0 : i64, tpu.core_type = #tpu.core_type<tc>} {
    %get3A = arith.constant 0 : index
    %get3A_0 = arith.constant 0 : index
    %get3A_1 = vector.load %arg2[%get3A, %get3A_0] : memref<10000x1xf32, #tpu.memory_space<vmem>>, vector<10000x1xf32>
    %get3A_2 = arith.constant 0 : index
    %get3A_3 = arith.constant 0 : index
    %get3A_4 = vector.load %arg0[%get3A_2, %get3A_3] : memref<20480x128xf32, #tpu.memory_space<vmem>>, vector<10000x128xf32>
    %get3A_5 = arith.constant 10240 : index
    %get3A_6 = arith.constant 0 : index
    %get3A_7 = vector.load %arg0[%get3A_5, %get3A_6] : memref<20480x128xf32, #tpu.memory_space<vmem>>, vector<10000x128xf32>
    %add3A = arith.addf %get3A_4, %get3A_7 : vector<10000x128xf32>
    %get3A_8 = arith.constant 0 : index
    %get3A_9 = arith.constant 0 : index
    %get3A_10 = vector.load %arg1[%get3A_8, %get3A_9] : memref<10000x128xf32, #tpu.memory_space<vmem>>, vector<10000x128xf32>
    %add3A_11 = arith.addf %add3A, %get3A_10 : vector<10000x128xf32>
    %mul3A = vector.broadcast %get3A_1 : vector<10000x1xf32> to vector<10000x128xf32>
    %mul3A_12 = arith.mulf %mul3A, %add3A_11 : vector<10000x128xf32>
    %get3A_13 = arith.constant 0 : index
    %get3A_14 = arith.constant 0 : index
    %get3A_15 = vector.load %arg3[%get3A_13, %get3A_14] : memref<1x128xf32, #tpu.memory_space<vmem>>, vector<1x128xf32>
    %add3A_16 = vector.broadcast %get3A_15 : vector<1x128xf32> to vector<10000x128xf32>
    %add3A_17 = arith.addf %mul3A_12, %add3A_16 : vector<10000x128xf32>
    %max3A = arith.constant 0.000000e+00 : f32
    %max3A_18 = vector.broadcast %max3A : f32 to vector<10000x128xf32>
    %max3A_19 = arith.maximumf %add3A_17, %max3A_18 : vector<10000x128xf32>
    %get3A_20 = arith.constant 0 : index
    %get3A_21 = arith.constant 0 : index
    %get3A_22 = vector.load %arg4[%get3A_20, %get3A_21] : memref<128x128xf32, #tpu.memory_space<vmem>>, vector<128x128xf32>
    %dot_general3A = arith.constant dense<0.000000e+00> : vector<10000x128xf32>
    %dot_general3A_23 = tpu.matmul %max3A_19, %get3A_22, %dot_general3A {dimension_numbers = #tpu.dot_dimension_numbers<[1], [0], [0], [1], [0, 0, 1, 1], [], []>, transpose_lhs_hint = false} : vector<10000x128xf32>, vector<128x128xf32>, vector<10000x128xf32> -> vector<10000x128xf32>
    %mul3A_24 = vector.broadcast %get3A_1 : vector<10000x1xf32> to vector<10000x128xf32>
    %mul3A_25 = arith.mulf %dot_general3A_23, %mul3A_24 : vector<10000x128xf32>
    %swap3A = arith.constant 0 : index
    %swap3A_26 = arith.constant 0 : index
    %swap3A_27 = vector.load %arg5[%swap3A, %swap3A_26] : memref<10000x128xf32, #tpu.memory_space<vmem>>, vector<10000x128xf32>
    tpu.vector_store %arg5[%swap3A, %swap3A_26], %mul3A_25 {strides = array<i32>} : memref<10000x128xf32, #tpu.memory_space<vmem>>, vector<10000x128xf32>,
    return
  }
}

module attributes {stable_mosaic.version = 14 : i64} {
  func.func @_pre1_body(%arg0: memref<10000x128xf32, #tpu.memory_space<vmem>>, %arg1: memref<128x128xf32, #tpu.memory_space<vmem>>, %arg2: memref<20480x128xf32, #tpu.memory_space<vmem>>, %arg3: memref<10000x128xf32, #tpu.memory_space<vmem>>, %arg4: memref<10000x1xf32, #tpu.memory_space<vmem>>) attributes {dimension_semantics = [], scalar_prefetch = 0 : i64, scratch_operands = 0 : i64, tpu.core_type = #tpu.core_type<tc>} {
    %get3A = arith.constant 0 : index
    %get3A_0 = arith.constant 0 : index
    %get3A_1 = vector.load %arg2[%get3A, %get3A_0] : memref<20480x128xf32, #tpu.memory_space<vmem>>, vector<10000x1xf32>
    %get3A_2 = arith.constant 10240 : index
    %get3A_3 = arith.constant 0 : index
    %get3A_4 = vector.load %arg2[%get3A_2, %get3A_3] : memref<20480x128xf32, #tpu.memory_space<vmem>>, vector<10000x1xf32>
    %add3A = arith.addf %get3A_1, %get3A_4 : vector<10000x1xf32>
    %add3A_5 = arith.constant 1.000000e+00 : f32
    %add3A_6 = vector.broadcast %add3A_5 : f32 to vector<10000x1xf32>
    %add3A_7 = arith.addf %add3A, %add3A_6 : vector<10000x1xf32>
    %rsqrt3A = math.rsqrt %add3A_7 : vector<10000x1xf32>
    %get3A_8 = arith.constant 0 : index
    %get3A_9 = arith.constant 0 : index
    %get3A_10 = vector.load %arg0[%get3A_8, %get3A_9] : memref<10000x128xf32, #tpu.memory_space<vmem>>, vector<10000x128xf32>
    %get3A_11 = arith.constant 0 : index
    %get3A_12 = arith.constant 0 : index
    %get3A_13 = vector.load %arg1[%get3A_11, %get3A_12] : memref<128x128xf32, #tpu.memory_space<vmem>>, vector<128x128xf32>
    %dot_general3A = arith.constant dense<0.000000e+00> : vector<10000x128xf32>
    %dot_general3A_14 = tpu.matmul %get3A_10, %get3A_13, %dot_general3A {dimension_numbers = #tpu.dot_dimension_numbers<[1], [0], [0], [1], [0, 0, 1, 1], [], []>, transpose_lhs_hint = false} : vector<10000x128xf32>, vector<128x128xf32>, vector<10000x128xf32> -> vector<10000x128xf32>
    %mul3A = vector.broadcast %rsqrt3A : vector<10000x1xf32> to vector<10000x128xf32>
    %mul3A_15 = arith.mulf %dot_general3A_14, %mul3A : vector<10000x128xf32>
    %swap3A = arith.constant 0 : index
    %swap3A_16 = arith.constant 0 : index
    %swap3A_17 = vector.load %arg3[%swap3A, %swap3A_16] : memref<10000x128xf32, #tpu.memory_space<vmem>>, vector<10000x128xf32>
    tpu.vector_store %arg3[%swap3A, %swap3A_16], %mul3A_15 {strides = array<i32>} : memref<10000x128xf32, #tpu.memory_space<vmem>>, vector<10000x128xf32>,
    %swap3A_18 = arith.constant 0 : index
    %swap3A_19 = arith.constant 0 : index
    %swap3A_20 = vector.load %arg4[%swap3A_18, %swap3A_19] : memref<10000x1xf32, #tpu.memory_space<vmem>>, vector<10000x1xf32>
    tpu.vector_store %arg4[%swap3A_18, %swap3A_19], %rsqrt3A {strides = array<i32>} : memref<10000x1xf32, #tpu.memory_space<vmem>>, vector<10000x1xf32>,
    return
  }
}

module attributes {stable_mosaic.version = 14 : i64} {
  func.func @_final_body(%arg0: memref<20480x128xf32, #tpu.memory_space<vmem>>, %arg1: memref<10000x128xf32, #tpu.memory_space<vmem>>, %arg2: memref<10000x1xf32, #tpu.memory_space<vmem>>, %arg3: memref<1x128xf32, #tpu.memory_space<vmem>>, %arg4: memref<1x10000xi32, #tpu.memory_space<vmem>>, %arg5: memref<128x128xf32, #tpu.memory_space<vmem>>, %arg6: memref<1x128xf32, #tpu.memory_space<vmem>>, %arg7: memref<128x128xf32, #tpu.memory_space<vmem>>, %arg8: memref<1x128xf32, #tpu.memory_space<vmem>>, %arg9: memref<64x128xf32, #tpu.memory_space<vmem>>) attributes {dimension_semantics = [], scalar_prefetch = 0 : i64, scratch_operands = 0 : i64, tpu.core_type = #tpu.core_type<tc>} {
    %get3A = arith.constant 0 : index
    %get3A_0 = arith.constant 0 : index
    %get3A_1 = vector.load %arg2[%get3A, %get3A_0] : memref<10000x1xf32, #tpu.memory_space<vmem>>, vector<10000x1xf32>
    %get3A_2 = arith.constant 0 : index
    %get3A_3 = arith.constant 0 : index
    %get3A_4 = vector.load %arg0[%get3A_2, %get3A_3] : memref<20480x128xf32, #tpu.memory_space<vmem>>, vector<10000x128xf32>
    %get3A_5 = arith.constant 10240 : index
    %get3A_6 = arith.constant 0 : index
    %get3A_7 = vector.load %arg0[%get3A_5, %get3A_6] : memref<20480x128xf32, #tpu.memory_space<vmem>>, vector<10000x128xf32>
    %add3A = arith.addf %get3A_4, %get3A_7 : vector<10000x128xf32>
    %get3A_8 = arith.constant 0 : index
    %get3A_9 = arith.constant 0 : index
    %get3A_10 = vector.load %arg1[%get3A_8, %get3A_9] : memref<10000x128xf32, #tpu.memory_space<vmem>>, vector<10000x128xf32>
    %add3A_11 = arith.addf %add3A, %get3A_10 : vector<10000x128xf32>
    %mul3A = vector.broadcast %get3A_1 : vector<10000x1xf32> to vector<10000x128xf32>
    %mul3A_12 = arith.mulf %mul3A, %add3A_11 : vector<10000x128xf32>
    %get3A_13 = arith.constant 0 : index
    %get3A_14 = arith.constant 0 : index
    %get3A_15 = vector.load %arg3[%get3A_13, %get3A_14] : memref<1x128xf32, #tpu.memory_space<vmem>>, vector<1x128xf32>
    %add3A_16 = vector.broadcast %get3A_15 : vector<1x128xf32> to vector<10000x128xf32>
    %add3A_17 = arith.addf %mul3A_12, %add3A_16 : vector<10000x128xf32>
    %iota3A = tpu.iota {dimensions = array<i32: 0>} : vector<64x10000xi32>
    %get3A_18 = arith.constant 0 : index
    %get3A_19 = arith.constant 0 : index
    %get3A_20 = vector.load %arg4[%get3A_18, %get3A_19] : memref<1x10000xi32, #tpu.memory_space<vmem>>, vector<1x10000xi32>
    %eq3A = vector.broadcast %get3A_20 : vector<1x10000xi32> to vector<64x10000xi32>
    %eq3A_21 = arith.cmpi eq, %iota3A, %eq3A : vector<64x10000xi32>
    %convert_element_type3A = arith.extui %eq3A_21 : vector<64x10000xi1> to vector<64x10000xi32>
    %convert_element_type3A_22 = arith.sitofp %convert_element_type3A : vector<64x10000xi32> to vector<64x10000xf32>
    %reduce_sum3A = arith.constant dense<0.000000e+00> : vector<64xf32>
    %reduce_sum3A_23 = vector.multi_reduction <add>, %convert_element_type3A_22, %reduce_sum3A [1] : vector<64x10000xf32> to vector<64xf32>
    %broadcast_in_dim3A = vector.shape_cast %reduce_sum3A_23 : vector<64xf32> to vector<64x1xf32>
    %dot_general3A = arith.constant dense<0.000000e+00> : vector<64x128xf32>
    %dot_general3A_24 = tpu.matmul %convert_element_type3A_22, %add3A_17, %dot_general3A {dimension_numbers = #tpu.dot_dimension_numbers<[1], [0], [0], [1], [0, 0, 1, 1], [], []>, transpose_lhs_hint = false} : vector<64x10000xf32>, vector<10000x128xf32>, vector<64x128xf32> -> vector<64x128xf32>
    %max3A = arith.constant 1.000000e+00 : f32
    %max3A_25 = vector.broadcast %max3A : f32 to vector<64x1xf32>
    %max3A_26 = arith.maximumf %broadcast_in_dim3A, %max3A_25 : vector<64x1xf32>
    %div3A = vector.broadcast %max3A_26 : vector<64x1xf32> to vector<64x128xf32>
    %div3A_27 = arith.divf %dot_general3A_24, %div3A : vector<64x128xf32>
    %get3A_28 = arith.constant 0 : index
    %get3A_29 = arith.constant 0 : index
    %get3A_30 = vector.load %arg5[%get3A_28, %get3A_29] : memref<128x128xf32, #tpu.memory_space<vmem>>, vector<128x128xf32>
    %dot_general3A_31 = arith.constant dense<0.000000e+00> : vector<64x128xf32>
    %dot_general3A_32 = tpu.matmul %div3A_27, %get3A_30, %dot_general3A_31 {dimension_numbers = #tpu.dot_dimension_numbers<[1], [0], [0], [1], [0, 0, 1, 1], [], []>, transpose_lhs_hint = false} : vector<64x128xf32>, vector<128x128xf32>, vector<64x128xf32> -> vector<64x128xf32>
    %get3A_33 = arith.constant 0 : index
    %get3A_34 = arith.constant 0 : index
    %get3A_35 = vector.load %arg6[%get3A_33, %get3A_34] : memref<1x128xf32, #tpu.memory_space<vmem>>, vector<1x128xf32>
    %add3A_36 = vector.broadcast %get3A_35 : vector<1x128xf32> to vector<64x128xf32>
    %add3A_37 = arith.addf %dot_general3A_32, %add3A_36 : vector<64x128xf32>
    %max3A_38 = arith.constant 0.000000e+00 : f32
    %max3A_39 = vector.broadcast %max3A_38 : f32 to vector<64x128xf32>
    %max3A_40 = arith.maximumf %add3A_37, %max3A_39 : vector<64x128xf32>
    %get3A_41 = arith.constant 0 : index
    %get3A_42 = arith.constant 0 : index
    %get3A_43 = vector.load %arg7[%get3A_41, %get3A_42] : memref<128x128xf32, #tpu.memory_space<vmem>>, vector<128x128xf32>
    %dot_general3A_44 = arith.constant dense<0.000000e+00> : vector<64x128xf32>
    %dot_general3A_45 = tpu.matmul %max3A_40, %get3A_43, %dot_general3A_44 {dimension_numbers = #tpu.dot_dimension_numbers<[1], [0], [0], [1], [0, 0, 1, 1], [], []>, transpose_lhs_hint = false} : vector<64x128xf32>, vector<128x128xf32>, vector<64x128xf32> -> vector<64x128xf32>
    %get3A_46 = arith.constant 0 : index
    %get3A_47 = arith.constant 0 : index
    %get3A_48 = vector.load %arg8[%get3A_46, %get3A_47] : memref<1x128xf32, #tpu.memory_space<vmem>>, vector<1x128xf32>
    %add3A_49 = vector.broadcast %get3A_48 : vector<1x128xf32> to vector<64x128xf32>
    %add3A_50 = arith.addf %dot_general3A_45, %add3A_49 : vector<64x128xf32>
    %swap3A = arith.constant 0 : index
    %swap3A_51 = arith.constant 0 : index
    %swap3A_52 = vector.load %arg9[%swap3A, %swap3A_51] : memref<64x128xf32, #tpu.memory_space<vmem>>, vector<64x128xf32>
    tpu.vector_store %arg9[%swap3A, %swap3A_51], %add3A_50 {strides = array<i32>} : memref<64x128xf32, #tpu.memory_space<vmem>>, vector<64x128xf32>,
    return
  }
}

</mosaic_0001>

<sc_bundles>
// kernel: kernel.10.cloned.1.call-start
scs
__scs_entry_jumppad:
0x0: {  	(pc) =	sbr.rel $0x88, $3  }
0x1: {  	(tag) =	ssettag $0x0;
	lr =	simm.s32 $0x1  }
0x2: {  	[smem:$0x3F94] =	sst lr;
	_ =	strace $0xD0000000  }
0x3: {  	_ = 	snop  }
0x4: {  	_ = 	snop  }
0x5: {  	_ = 	snop  }
0x6: {  	_ = 	snop  }
0x7: {  	_ = 	snop  }
__scs_overlays_trampoline_lowered:
0x8: {  	[smem:$0x3FA3] =	sst s0  }
0x9: {  	[smem:$0x3FA4] =	sst s1  }
0xa: {  	[smem:$0x3FA5] =	sst s2  }
0xb: {  	[smem:$0x3FA6] =	sst s3  }
0xc: {  	[smem:$0x3FA7] =	sst s4  }
0xd: {  	[smem:$0x3FA8] =	sst s5  }
0xe: {  	[smem:$0x3FA9] =	sst s6  }
0xf: {  	[smem:$0x3FAA] =	sst s7  }
0x10: {  	[smem:$0x3FAB] =	sst s8  }
0x11: {  	[smem:$0x3FAC] =	sst s9;
	s0 =	simm.s32 @!p0 $0x0  }
0x12: {  	s1 =	sld [smem:$0x3F92];
	s0 =	simm.s32 @p0 $0x1  }
0x13: {  	[smem:$0x3FAD] =	sst s0;
	s0 =	simm.s32 @!p1 $0x0  }
0x14: {  	s2 =	sld [smem:$0x3F91];
	s0 =	simm.s32 @p1 $0x1  }
0x15: {  	[smem:$0x3FAE] =	sst s0;
	s0 =	simm.s32 @!p2 $0x0  }
0x16: {  	s3 =	sld [smem:$0x3FDB];
	s0 =	simm.s32 @p2 $0x1  }
0x17: {  	s4 =	simm.s32 $0x1BF5;
	[smem:$0x3FB0] =	sst s0  }
0x18: {  	s0 =	sld [smem:$0x3F93];
	_ =	swait.ge [sflag:s4], $0x0  }
0x19: {  	s7 =	sld [smem:$0x3F94]  }
0x1a: {  	s8 =	sadd.s32 $0xFFFFE003, lr  }
0x1b: {  	s9 =	sadd.s32 $0xFFFFFEF7, lr;
	s5 =	simm.s32 $0xFFFFFFFF;
	p2 =	slt.u32 s8, $0xFFFFF086  }
0x1c: {  	p1 =	slt.u32 s9, $0xF7A;
	s5 =	simm.s32 @!p2 $0x0  }
0x1d: {  	s5 =	simm.s32 @p1 $0x1;
	p0 =	seq.s32 s7, s2  }
0x1e: {  	s7 =	smul.u32 @!p0 $0xF7A, s2;
	p2 =	seq.s32 @!p0 s5, $0x0  }
0x1f: {  	s9 =	smul.u32 $0xF7A, s1;
	s8 =	simm.s32 @!p0 $0x1BF5;
	p2 =	por !p2, p0  }
0x20: {  	[sflag:s8] =	ssyncset.s32 @!p0 $0xFFFFF086;
	s6 =	sadd.s32 @!p0 s3, s7;
	s7 =	simm.s32 @!p0 $0x108  }
0x21: {  	s3 =	sadd.s32 s3, s9;
	s6 =	sadd.s32 @!p0 $0x88, s6;
	s7 =	simm.s32 @p2 $0x1082  }
0x22: {  	[simem:s7], [sflag:s8] =	dma.local @!p0 [hbm:s6], $0xF7A  }
0x23: {  	s9 =	sor.u32 $0xD0000000, s2;
	s6 =	simm.s32 $0x108;
	_ =	swait.ge @!p0 [sflag:s8], $0x0  }
0x24: {  	s3 =	sadd.s32 $0x88, s3;
	s6 =	simm.s32 @!p1 $0x1082;
	[sflag:s4] =	ssyncset.s32 $0xFFFFF086  }
0x25: {  	[simem:s6], [sflag:s4] =	dma.local [hbm:s3], $0xF7A  }
0x26: {  	[smem:$0x3F94] =	sst s1;
	(tag) =	ssettag s2;
	_ =	strace s9  }
0x27: {  	s1 =	sld [smem:$0x3FA4]  }
0x28: {  	s2 =	sld [smem:$0x3FA5]  }
0x29: {  	s4 =	sld [smem:$0x3FA7]  }
0x2a: {  	p0 =	seq.s32 s5, $0x0;
	s5 =	sld [smem:$0x3FA8]  }
0x2b: {  	s6 =	sld [smem:$0x3FA9]  }
0x2c: {  	s7 =	sld [smem:$0x3FAA]  }
0x2d: {  	s3 =	simm.s32 $0x108;
	s8 =	sld [smem:$0x3FAB]  }
0x2e: {  	s3 =	simm.s32 @!p0 $0x1082;
	s9 =	sld [smem:$0x3FAC]  }
0x2f: {  	lr =	sadd.s32 s0, s3;
	s0 =	sld [smem:$0x3FA3]  }
0x30: {  	s3 =	sld [smem:$0x3FA6]  }
0x31: {  	[smem:$0x3FAF] =	sst s10  }
0x32: {  	s10 =	sld [smem:$0x3FAD];
	_ =	sdelay $0x3  }
0x33: {  	p0 =	seq.s32 s10, $0x1;
	s10 =	sld [smem:$0x3FAF];
	_ =	sdelay $0x3  }
0x34: {  	[smem:$0x3FAF] =	sst s10  }
0x35: {  	s10 =	sld [smem:$0x3FAE];
	_ =	sdelay $0x3  }
0x36: {  	p1 =	seq.s32 s10, $0x1;
	s10 =	sld [smem:$0x3FAF];
	_ =	sdelay $0x3  }
0x37: {  	[smem:$0x3FAF] =	sst s10  }
0x38: {  	s10 =	sld [smem:$0x3FB0]  }
0x39: {  	_ = 	snop;
	(pc) =	sbr.ind lr, $3  }
0x3a: {  	_ = 	snop  }
0x3b: {  	_ = 	snop  }
0x3c: {  	p2 =	seq.s32 s10, $0x1;
	s10 =	sld [smem:$0x3FAF]  }
0x3d: {  	_ =	shalt  }
0x3e: {  	_ =	shalt  }
0x3f: {  	_ =	shalt  }
0x40: {  	_ =	shalt  }
0x41: {  	_ =	shalt  }
0x42: {  	_ =	shalt  }
0x43: {  	_ =	shalt  }
0x44: {  	_ =	shalt  }
0x45: {  	_ =	shalt  }
0x46: {  	_ =	shalt  }
0x47: {  	_ =	shalt  }
0x48: {  	_ =	shalt  }
0x49: {  	_ =	shalt  }
0x4a: {  	_ =	shalt  }
0x4b: {  	_ =	shalt  }
0x4c: {  	_ =	shalt  }
0x4d: {  	_ =	shalt  }
0x4e: {  	_ =	shalt  }
0x4f: {  	_ =	shalt  }
0x50: {  	_ =	shalt  }
0x51: {  	_ =	shalt  }
0x52: {  	_ =	shalt  }
0x53: {  	_ =	shalt  }
0x54: {  	_ =	shalt  }
0x55: {  	_ =	shalt  }
0x56: {  	_ =	shalt  }
0x57: {  	_ =	shalt  }
0x58: {  	_ =	shalt  }
0x59: {  	_ =	shalt  }
0x5a: {  	_ =	shalt  }
0x5b: {  	_ =	shalt  }
0x5c: {  	_ =	shalt  }
0x5d: {  	_ =	shalt  }
0x5e: {  	_ =	shalt  }
0x5f: {  	_ =	shalt  }
0x60: {  	_ =	shalt  }
0x61: {  	_ =	shalt  }
0x62: {  	_ =	shalt  }
0x63: {  	_ =	shalt  }
0x64: {  	_ =	shalt  }
0x65: {  	_ =	shalt  }
0x66: {  	_ =	shalt  }
0x67: {  	_ =	shalt  }
0x68: {  	_ =	shalt  }
0x69: {  	_ =	shalt  }
0x6a: {  	_ =	shalt  }
0x6b: {  	_ =	shalt  }
0x6c: {  	_ =	shalt  }
0x6d: {  	_ =	shalt  }
0x6e: {  	_ =	shalt  }
0x6f: {  	_ =	shalt  }
0x70: {  	_ =	shalt  }
0x71: {  	_ =	shalt  }
0x72: {  	_ =	shalt  }
0x73: {  	_ =	shalt  }
0x74: {  	_ =	shalt  }
0x75: {  	_ =	shalt  }
0x76: {  	_ =	shalt  }
0x77: {  	_ =	shalt  }
0x78: {  	_ =	shalt  }
0x79: {  	_ =	shalt  }
0x7a: {  	_ =	shalt  }
0x7b: {  	_ =	shalt  }
0x7c: {  	_ =	shalt  }
0x7d: {  	_ =	shalt  }
0x7e: {  	_ =	shalt  }
0x7f: {  	_ =	shalt  }
0x80: {  	_ =	shalt  }
0x81: {  	_ =	shalt  }
0x82: {  	_ =	shalt  }
0x83: {  	_ =	shalt  }
0x84: {  	_ =	shalt  }
0x85: {  	_ =	shalt  }
0x86: {  	_ =	shalt  }
0x87: {  	_ =	shalt  }
.Lfunc_end0:
.L_simem_size_0:
called_computation_lowered:
.L_overlay_start_0:
0x88: {  	s2 =	sld [smem:$0x3FD9]  }
0x89: {  	s3 =	sld [smem:$0x3FFE];
	_ =	sdelay $0x1  }
0x8a: {  	s1 =	srdreg.scid  }
0x8b: {  	s0 =	sand.u32 $0x1, s1  }
0x8c: {  	s16 =	sshll.u32 s0, $0xA;
	s2 =	sadd.s32 s3, s2  }
0x8d: {  	s2 =	sadd.s32 s2, s16  }
0x8e: {  	[smem:$0x3FBB] =	sst s2  }
0x8f: {  	_ = 	snop  }
0x90: {  	(tm) =	ssettm $0x1  }
0x91: {  	s17 =	sld [smem:$0x3FFB];
	_ =	sdelay $0x3  }
0x92: {  	_ =	strace s17  }
0x93: {  	s2 =	sld [smem:$0x3FFC];
	_ =	sdelay $0x3  }
0x94: {  	_ =	strace s2  }
0x95: {  	s2 =	sld [smem:$0x3FFD];
	_ =	sdelay $0x3  }
0x96: {  	_ =	strace s2  }
0x97: {  	_ =	strace $0x8FFFFFFF  }
0x98: {  	s18 =	sld [smem:$0x3FDB];
	_ =	sdelay $0x1  }
0x99: {  	s19 =	simm.s32 $_scs_section_size  }
0x9a: {  	s4 =	simm.s32 $_size__tile_overlayer_lowered;
	s5 =	simm.s32 $_tile_overlayer_lowered  }
0x9b: {  	s22 =	simm.s32 $0x1BFF;
	s21 =	sshll.u32 s5, $0x1;
	s2 =	sadd.s32 s19, s18  }
0x9c: {  	s6 =	simm.s32 $0x0;
	s20 =	sshll.u32 s4, $0x1;
	s4 =	sadd.s32 s21, s2  }
0x9d: {  	[timem:s6], [sflag:s22] =	dma.local [hbm:s4], s20  }
0x9e: {  	_ =	swait.ge [sflag:s22], s20  }
0x9f: {  	s3 =	ssub.s32 $0x0, s20;
	[sflag:s22] =	ssyncset.done $0x0  }
0xa0: {  	[sflag:s22] =	ssyncadd.s32 s3;
	_ =	sdelay $0x1  }
0xa1: {  	s23 =	simm.s32 $0x1B8B  }
0xa2: {  	_ =	swait.ge [sflag:s23], $0x1  }
0xa3: {  	[sflag:s23] =	ssyncset.done $0x0  }
0xa4: {  	s25 =	simm.s32 $0x1B8E;
	s24 =	sld [smem:$0x3FFE];
	[sflag:s23] =	ssyncadd.s32 $0xFFFFFFFF  }
0xa5: {  	s26 =	simm.s32 $execute0_lowered;
	[smem:$0x3FD2] =	sst s25  }
0xa6: {  	s4 =	sshll.u32 s26, $0x1;
	_ =	strace $0x80000046;
	[dreg:$0x1] =	wrdreg $0xFFFFFFFF  }
0xa7: {  	s28 =	simm.s32 $_size_execute0_lowered;
	s2 =	sadd.s32 s2, s4;
	[dreg:$0x0] =	wrdreg $0x0  }
0xa8: {  	s4 =	sshll.u32 s28, $0x1;
	[dreg:$0x2] =	wrdreg s2  }
0xa9: {  	[dreg:$0x3] =	wrdreg s4  }
0xaa: {  	[dreg:$0x4] =	wrdreg $0xC0  }
0xab: {  	_ =	task [dreg:s6], $0x5FFFF  }
0xac: {  	[dreg:$0x1] =	wrdreg $0xFFFFFFFF  }
0xad: {  	[dreg:$0x0] =	wrdreg $0x60  }
0xae: {  	[dreg:$0x2] =	wrdreg s24  }
0xaf: {  	[dreg:$0x3] =	wrdreg $0x68000  }
0xb0: {  	[dreg:$0x4] =	wrdreg $0x9  }
0xb1: {  	_ =	task.clear_ibuf [dreg:s6], $0x5FFFF;
	_ =	strace $0x90000046  }
0xb2: {  	s29 =	simm.s32 $0x9;
	_ =	strace $0x80000048  }
0xb3: {  	_ =	swait.ge [sflag:s29], $0x1  }
0xb4: {  	[sflag:s29] =	ssyncadd.s32 $0xFFFFFFFF  }
0xb5: {  	_ =	strace $0x90000048  }
0xb6: {  	_ =	sfence  }
0xb7: {  	s30 =	sld [smem:$0x0];
	_ =	sdelay $0x2  }
0xb8: {  	s31 =	sshll.u32 s1, $0xD;
	s1 =	sshrl.u32 s1, $0x2  }
0xb9: {  	s3 =	sand.u32 $0x4000, s31;
	s1 =	sadd.s32 s1, s30  }
0xba: {  	s0 =	sor.u32 s3, s0;
	s1 =	sshll.u32 s1, $0x11  }
0xbb: {  	s0 =	sor.u32 s1, s0  }
0xbc: {  	s0 =	sadd.s32 $0x8F2B, s0  }
0xbd: {  	[sflag:s0] =	ssyncadd.remote.s32 $0x1  }
0xbe: {  	_ =	sfence.sel $0xFFFF  }
0xbf: {  	[dreg:$0x0] =	wrdreg $0xFFFFFFFF;
	(pc) =	sbr.abs _section_cstart, $3  }
0xc0: {  	[dreg:$0x1] =	wrdreg $0xFFFFFFFF  }
0xc1: {  	_ =	task.clear_ibuf [dreg:s6], $0x2FFFF;
	_ =	strace $0x9FFFFFFF  }
0xc2: {  	(tm) =	ssettm $0x7FFFFFFF  }
0xc3: {  	_ =	shalt  }
tec
execute0_lowered:
.L_overlay_start_1:
0x0: {  	(tag) =	ssettag $0x1  }
0x1: {  	s6 =	rddreg [dreg:$0x0]  }
0x2: {  	s2 =	rddreg [dreg:$0x1]  }
0x3: {  	s0 =	rddreg [dreg:$0x2];
	s3 =	simm.s32 $0x0  }
0x4: {  	s1 =	stileid.u32;
	s4 =	srdreg.scid;
	s13 =	simm.s32 $0x2  }
0x5: {  	s14 =	simm.s32 $0x3;
	s15 =	simm.s32 $0x50;
	s16 =	simm.s32 $0x80  }
0x6: {  	s17 =	simm.s32 $0x100;
	s18 =	simm.s32 $0x180;
	s19 =	simm.s32 $0x4  }
0x7: {  	s21 =	simm.s32 $0x5;
	s22 =	simm.s32 $0x0;
	[smem:$0x7FF] =	sst s3  }
0x8: {  	s5 =	sshll.u32 s1, $0xB;
	s7 =	sand.u32 $0x1, s4;
	s8 =	smul.u32 $0x2800, s1  }
0x9: {  	s4 =	sadd.s32 $0x1D400, s6;
	s12 =	smul.u32 $0x50000, s1;
	s20 =	sshll.u32 s1, $0x6  }
0xa: {  	_ =	strace $0x80000047;
	s9 =	sadd.s32 s5, s6;
	s10 =	smul.u32 $0x28000, s7  }
0xb: {  	s5 =	sadd.s32 $0x1FC00, s6;
	s11 =	ssub.s32 $0x2, s7;
	s29 =	sshll.u32 s7, $0xF  }
0xc: {  	s7 =	sor.u32 $0x1C03, s20;
	s20 =	sor.u32 $0x1C05, s20;
	s28 =	sshrl.u32 s11, $0x1  }
0xd: {  	s30 =	sshrl.u32 s12, $0x2;
	s12 =	simm.s32 $0x1;
	s8 =	sadd.s32 s8, s10  }
0xe: {  	s10 =	ssub.s32 s11, s28;
	s31 =	sadd.s32 s30, s2;
	s8 =	sadd.s32 s8, s6  }
0xf: {  	s6 =	sadd.s32 s29, s9;
	s9 =	smax.u32 s10, $0x1;
	s10 =	simm.s32 $0x4000  }
0x10: {  	s11 =	sshrl.u32 s31, $0x3;
	s6 =	sadd.s32 $0xD400, s6;
	s8 =	sadd.s32 $0x20200, s8  }
.LBB2_1:
0x11: {  	[tilespmem:s10], [sflag:$0x1] =	stream.linear.gather [hbm4b:s5+s3], $0x2800, $0x38;
	[tilespmem:$0x1A800] =	vst v63  }
0x12: {  	_ = 	snop  }
0x13: {  	[tilespmem:s3], [sflag:$0x2] =	stream.linear.gather [hbm4b:s6+s3], $0x3E80, $0x38;
	[tilespmem:$0x1A800] =	vst v63  }
0x14: {  	[spmem:s11], [sflag:s7] =	dma.local [hbm:s4], $0x2800  }
0x15: {  	_ =	swait.ge [sflag:s12], $0x2800  }
0x16: {  	[sflag:s12] =	ssyncset.done $0x0  }
0x17: {  	[sflag:s12] =	ssyncadd.s32 $0xFFFFD800  }
0x18: {  	_ =	swait.ge [sflag:s13], $0x3E80  }
0x19: {  	[sflag:s13] =	ssyncset.done $0x0  }
0x1a: {  	[sflag:s13] =	ssyncadd.s32 $0xFFFFC180  }
0x1b: {  	_ =	swait.ge [sflag:s14], $0x2800  }
0x1c: {  	[sflag:s14] =	ssyncset.done $0x0  }
0x1d: {  	[sflag:s14] =	ssyncadd.s32 $0xFFFFD800  }
0x1e: {  	[bflag:$0x0] =	sbarrier.arrive $0xFFFF  }
0x1f: {  	[spmem:s2] =	stream.indirect.scatter.add.f32 [tilespmem:s10], [sflag:$0x1], $0x80, s3, s15, $0xb8;
	[tilespmem:$0x1A800] =	vst v63  }
0x20: {  	_ = 	snop  }
0x21: {  	[spmem:s2] =	stream.indirect.scatter.add.f32 [tilespmem:s10], [sflag:$0x2], $0x80, s16, s15, $0xb8;
	[tilespmem:$0x1A800] =	vst v63  }
0x22: {  	_ = 	snop  }
0x23: {  	[spmem:s2] =	stream.indirect.scatter.add.f32 [tilespmem:s10], [sflag:$0x3], $0x80, s17, s15, $0xb8;
	[tilespmem:$0x1A800] =	vst v63  }
0x24: {  	s23 =	sand.u32 $0x3, s19  }
0x25: {  	[spmem:s2] =	stream.indirect.scatter.add.f32 [tilespmem:s10], [sflag:$0x4], $0x80, s18, s15, $0xb8;
	[tilespmem:$0x1A800] =	vst v63  }
0x26: {  	s24 =	simm.s32 $0x200;
	s23 =	sadd.s32 $0x1, s23  }
0x27: {  	[spmem:s2] =	stream.indirect.scatter.add.f32 [tilespmem:s10], [sflag:s23], $0x80, s24, s15, $0xb8;
	[tilespmem:$0x1A800] =	vst v63  }
0x28: {  	s25 =	simm.s32 $0x5;
	_ =	swait.ge [sflag:s23], $0x2800  }
.LBB2_2:
0x29: {  	s26 =	sand.u32 $0x3, s25  }
0x2a: {  	[sflag:s23] =	ssyncset.done $0x0;
	s24 =	sadd.s32 $0x80, s24;
	p0 =	sne.s32 s25, $0x7C  }
.Ltmp0:
0x2b: {  	[sflag:s23] =	ssyncadd.s32 $0xFFFFD800;
	s23 =	sadd.s32 $0x1, s26;
	(pc) =	sbr.rel @p0 .LBB2_2-.Ltmp0, $3  }
0x2c: {  	[spmem:s2] =	stream.indirect.scatter.add.f32 [tilespmem:s10], [sflag:s23], $0x80, s24, s15, $0xb8;
	[tilespmem:$0x1A800] =	vst v63  }
0x2d: {  	s25 =	sadd.s32 $0x1, s25;
	_ =	sdelay $0x1  }
0x2e: {  	_ =	swait.ge [sflag:s23], $0x2800  }
0x2f: {  	[sflag:s23] =	ssyncset.done $0x0  }
0x30: {  	[sflag:s23] =	ssyncadd.s32 $0xFFFFD800  }
0x31: {  	_ =	swait.ge [sflag:s12], $0x2800  }
0x32: {  	[sflag:s12] =	ssyncset.done $0x0  }
0x33: {  	[sflag:s12] =	ssyncadd.s32 $0xFFFFD800  }
0x34: {  	_ =	swait.ge [sflag:s13], $0x2800  }
0x35: {  	[sflag:s13] =	ssyncset.done $0x0  }
0x36: {  	[sflag:s13] =	ssyncadd.s32 $0xFFFFD800  }
0x37: {  	_ =	swait.ge [sflag:s14], $0x2800  }
0x38: {  	[sflag:s14] =	ssyncset.done $0x0  }
0x39: {  	[sflag:s14] =	ssyncadd.s32 $0xFFFFD800  }
0x3a: {  	_ =	swait.ge [sflag:s19], $0x2800  }
0x3b: {  	s22 =	sadd.s32 $0x1, s22;
	[sflag:s19] =	ssyncset.done $0x0  }
0x3c: {  	p0 =	sne.s32 s22, s9;
	[sflag:s19] =	ssyncadd.s32 $0xFFFFD800  }
.Ltmp1:
0x3d: {  	[bflag:$0x0] =	sbarrier.arrive $0xFFFF;
	(pc) =	sbr.rel @p0 .LBB2_1-.Ltmp1, $4  }
0x3e: {  	[hbm:s8], [sflag:s20] =	dma.local [spmem:s11], $0x2800  }
0x3f: {  	_ =	swait.ge [sflag:s21], $0x2800  }
0x40: {  	[sflag:s21] =	ssyncset.done $0x0  }
0x41: {  	[sflag:s21] =	ssyncadd.s32 $0xFFFFD800  }
0x42: {  	_ =	sfence.sel $0x180000  }
0x43: {  	[bflag:$0x0] =	sbarrier.arrive $0xFFFF  }
0x44: {  	p0 =	sne.s32 s1, $0x0;
	_ =	strace $0x90000047  }
0x45: {  	s0 =	sadd.s32 @!p0 $0x100000, s0;
	[bflag:$0x2] =	sbarrier.arrive $0xFFFF  }
0x46: {  	[sflag:s0] =	ssyncadd.tile.s32 @!p0 $0x1;
	_ =	shalt  }
.Lfunc_end2:
_tile_overlayer_lowered:
.L_overlay_start_2:
0x47: {  	(tag) =	ssettag $0x2  }
0x48: {  	s0 =	rddreg [dreg:$0x0];
	s2 =	stileid.u32  }
0x49: {  	s1 =	rddreg [dreg:$0x1];
	p0 =	sne.s32 s2, $0x0  }
0x4a: {  	s3 =	rddreg [dreg:$0x2];
	[bflag:$0x3] =	sbarrier.arrive $0xFFFF;
	s2 =	simm.s32 @!p0 $0x1C05  }
0x4b: {  	[timem:s3], [sflag:s2] =	dma.local @!p0 [hbm:s0], s1  }
0x4c: {  	s0 =	simm.s32 @!p0 $0x5  }
0x4d: {  	_ =	swait.ge @!p0 [sflag:s0], s1  }
0x4e: {  	s1 =	ssub.s32 @!p0 $0x0, s1;
	[sflag:s0] =	ssyncset.done @!p0 $0x0  }
0x4f: {  	[sflag:s0] =	ssyncadd.s32 @!p0 s1  }
0x50: {  	[bflag:$0x3] =	sbarrier.arrive $0xFFFF  }
0x51: {  	_ =	shalt  }

// kernel: kernel.13.cloned.1.call-start
scs
__scs_entry_jumppad:
0x0: {  	(pc) =	sbr.rel $0x88, $3  }
0x1: {  	(tag) =	ssettag $0x0;
	lr =	simm.s32 $0x1  }
0x2: {  	[smem:$0x3F94] =	sst lr;
	_ =	strace $0xD0000000  }
0x3: {  	_ = 	snop  }
0x4: {  	_ = 	snop  }
0x5: {  	_ = 	snop  }
0x6: {  	_ = 	snop  }
0x7: {  	_ = 	snop  }
__scs_overlays_trampoline_lowered:
0x8: {  	[smem:$0x3FA3] =	sst s0  }
0x9: {  	[smem:$0x3FA4] =	sst s1  }
0xa: {  	[smem:$0x3FA5] =	sst s2  }
0xb: {  	[smem:$0x3FA6] =	sst s3  }
0xc: {  	[smem:$0x3FA7] =	sst s4  }
0xd: {  	[smem:$0x3FA8] =	sst s5  }
0xe: {  	[smem:$0x3FA9] =	sst s6  }
0xf: {  	[smem:$0x3FAA] =	sst s7  }
0x10: {  	[smem:$0x3FAB] =	sst s8  }
0x11: {  	[smem:$0x3FAC] =	sst s9;
	s0 =	simm.s32 @!p0 $0x0  }
0x12: {  	s1 =	sld [smem:$0x3F92];
	s0 =	simm.s32 @p0 $0x1  }
0x13: {  	[smem:$0x3FAD] =	sst s0;
	s0 =	simm.s32 @!p1 $0x0  }
0x14: {  	s2 =	sld [smem:$0x3F91];
	s0 =	simm.s32 @p1 $0x1  }
0x15: {  	[smem:$0x3FAE] =	sst s0;
	s0 =	simm.s32 @!p2 $0x0  }
0x16: {  	s3 =	sld [smem:$0x3FDB];
	s0 =	simm.s32 @p2 $0x1  }
0x17: {  	s4 =	simm.s32 $0x1BF5;
	[smem:$0x3FB0] =	sst s0  }
0x18: {  	s0 =	sld [smem:$0x3F93];
	_ =	swait.ge [sflag:s4], $0x0  }
0x19: {  	s7 =	sld [smem:$0x3F94]  }
0x1a: {  	s8 =	sadd.s32 $0xFFFFE003, lr  }
0x1b: {  	s9 =	sadd.s32 $0xFFFFFEF7, lr;
	s5 =	simm.s32 $0xFFFFFFFF;
	p2 =	slt.u32 s8, $0xFFFFF086  }
0x1c: {  	p1 =	slt.u32 s9, $0xF7A;
	s5 =	simm.s32 @!p2 $0x0  }
0x1d: {  	s5 =	simm.s32 @p1 $0x1;
	p0 =	seq.s32 s7, s2  }
0x1e: {  	s7 =	smul.u32 @!p0 $0xF7A, s2;
	p2 =	seq.s32 @!p0 s5, $0x0  }
0x1f: {  	s9 =	smul.u32 $0xF7A, s1;
	s8 =	simm.s32 @!p0 $0x1BF5;
	p2 =	por !p2, p0  }
0x20: {  	[sflag:s8] =	ssyncset.s32 @!p0 $0xFFFFF086;
	s6 =	sadd.s32 @!p0 s3, s7;
	s7 =	simm.s32 @!p0 $0x108  }
0x21: {  	s3 =	sadd.s32 s3, s9;
	s6 =	sadd.s32 @!p0 $0x88, s6;
	s7 =	simm.s32 @p2 $0x1082  }
0x22: {  	[simem:s7], [sflag:s8] =	dma.local @!p0 [hbm:s6], $0xF7A  }
0x23: {  	s9 =	sor.u32 $0xD0000000, s2;
	s6 =	simm.s32 $0x108;
	_ =	swait.ge @!p0 [sflag:s8], $0x0  }
0x24: {  	s3 =	sadd.s32 $0x88, s3;
	s6 =	simm.s32 @!p1 $0x1082;
	[sflag:s4] =	ssyncset.s32 $0xFFFFF086  }
0x25: {  	[simem:s6], [sflag:s4] =	dma.local [hbm:s3], $0xF7A  }
0x26: {  	[smem:$0x3F94] =	sst s1;
	(tag) =	ssettag s2;
	_ =	strace s9  }
0x27: {  	s1 =	sld [smem:$0x3FA4]  }
0x28: {  	s2 =	sld [smem:$0x3FA5]  }
0x29: {  	s4 =	sld [smem:$0x3FA7]  }
0x2a: {  	p0 =	seq.s32 s5, $0x0;
	s5 =	sld [smem:$0x3FA8]  }
0x2b: {  	s6 =	sld [smem:$0x3FA9]  }
0x2c: {  	s7 =	sld [smem:$0x3FAA]  }
0x2d: {  	s3 =	simm.s32 $0x108;
	s8 =	sld [smem:$0x3FAB]  }
0x2e: {  	s3 =	simm.s32 @!p0 $0x1082;
	s9 =	sld [smem:$0x3FAC]  }
0x2f: {  	lr =	sadd.s32 s0, s3;
	s0 =	sld [smem:$0x3FA3]  }
0x30: {  	s3 =	sld [smem:$0x3FA6]  }
0x31: {  	[smem:$0x3FAF] =	sst s10  }
0x32: {  	s10 =	sld [smem:$0x3FAD];
	_ =	sdelay $0x3  }
0x33: {  	p0 =	seq.s32 s10, $0x1;
	s10 =	sld [smem:$0x3FAF];
	_ =	sdelay $0x3  }
0x34: {  	[smem:$0x3FAF] =	sst s10  }
0x35: {  	s10 =	sld [smem:$0x3FAE];
	_ =	sdelay $0x3  }
0x36: {  	p1 =	seq.s32 s10, $0x1;
	s10 =	sld [smem:$0x3FAF];
	_ =	sdelay $0x3  }
0x37: {  	[smem:$0x3FAF] =	sst s10  }
0x38: {  	s10 =	sld [smem:$0x3FB0]  }
0x39: {  	_ = 	snop;
	(pc) =	sbr.ind lr, $3  }
0x3a: {  	_ = 	snop  }
0x3b: {  	_ = 	snop  }
0x3c: {  	p2 =	seq.s32 s10, $0x1;
	s10 =	sld [smem:$0x3FAF]  }
0x3d: {  	_ =	shalt  }
0x3e: {  	_ =	shalt  }
0x3f: {  	_ =	shalt  }
0x40: {  	_ =	shalt  }
0x41: {  	_ =	shalt  }
0x42: {  	_ =	shalt  }
0x43: {  	_ =	shalt  }
0x44: {  	_ =	shalt  }
0x45: {  	_ =	shalt  }
0x46: {  	_ =	shalt  }
0x47: {  	_ =	shalt  }
0x48: {  	_ =	shalt  }
0x49: {  	_ =	shalt  }
0x4a: {  	_ =	shalt  }
0x4b: {  	_ =	shalt  }
0x4c: {  	_ =	shalt  }
0x4d: {  	_ =	shalt  }
0x4e: {  	_ =	shalt  }
0x4f: {  	_ =	shalt  }
0x50: {  	_ =	shalt  }
0x51: {  	_ =	shalt  }
0x52: {  	_ =	shalt  }
0x53: {  	_ =	shalt  }
0x54: {  	_ =	shalt  }
0x55: {  	_ =	shalt  }
0x56: {  	_ =	shalt  }
0x57: {  	_ =	shalt  }
0x58: {  	_ =	shalt  }
0x59: {  	_ =	shalt  }
0x5a: {  	_ =	shalt  }
0x5b: {  	_ =	shalt  }
0x5c: {  	_ =	shalt  }
0x5d: {  	_ =	shalt  }
0x5e: {  	_ =	shalt  }
0x5f: {  	_ =	shalt  }
0x60: {  	_ =	shalt  }
0x61: {  	_ =	shalt  }
0x62: {  	_ =	shalt  }
0x63: {  	_ =	shalt  }
0x64: {  	_ =	shalt  }
0x65: {  	_ =	shalt  }
0x66: {  	_ =	shalt  }
0x67: {  	_ =	shalt  }
0x68: {  	_ =	shalt  }
0x69: {  	_ =	shalt  }
0x6a: {  	_ =	shalt  }
0x6b: {  	_ =	shalt  }
0x6c: {  	_ =	shalt  }
0x6d: {  	_ =	shalt  }
0x6e: {  	_ =	shalt  }
0x6f: {  	_ =	shalt  }
0x70: {  	_ =	shalt  }
0x71: {  	_ =	shalt  }
0x72: {  	_ =	shalt  }
0x73: {  	_ =	shalt  }
0x74: {  	_ =	shalt  }
0x75: {  	_ =	shalt  }
0x76: {  	_ =	shalt  }
0x77: {  	_ =	shalt  }
0x78: {  	_ =	shalt  }
0x79: {  	_ =	shalt  }
0x7a: {  	_ =	shalt  }
0x7b: {  	_ =	shalt  }
0x7c: {  	_ =	shalt  }
0x7d: {  	_ =	shalt  }
0x7e: {  	_ =	shalt  }
0x7f: {  	_ =	shalt  }
0x80: {  	_ =	shalt  }
0x81: {  	_ =	shalt  }
0x82: {  	_ =	shalt  }
0x83: {  	_ =	shalt  }
0x84: {  	_ =	shalt  }
0x85: {  	_ =	shalt  }
0x86: {  	_ =	shalt  }
0x87: {  	_ =	shalt  }
.Lfunc_end0:
.L_simem_size_0:
called_computation.1_lowered:
.L_overlay_start_0:
0x88: {  	s2 =	sld [smem:$0x3FD9]  }
0x89: {  	s3 =	sld [smem:$0x3FFE];
	_ =	sdelay $0x1  }
0x8a: {  	s1 =	srdreg.scid  }
0x8b: {  	s0 =	sand.u32 $0x1, s1  }
0x8c: {  	s16 =	sshll.u32 s0, $0xA;
	s2 =	sadd.s32 s3, s2  }
0x8d: {  	s2 =	sadd.s32 s2, s16  }
0x8e: {  	[smem:$0x3FBB] =	sst s2  }
0x8f: {  	_ = 	snop  }
0x90: {  	(tm) =	ssettm $0x1  }
0x91: {  	s17 =	sld [smem:$0x3FFB];
	_ =	sdelay $0x3  }
0x92: {  	_ =	strace s17  }
0x93: {  	s2 =	sld [smem:$0x3FFC];
	_ =	sdelay $0x3  }
0x94: {  	_ =	strace s2  }
0x95: {  	s2 =	sld [smem:$0x3FFD];
	_ =	sdelay $0x3  }
0x96: {  	_ =	strace s2  }
0x97: {  	_ =	strace $0x8FFFFFFF  }
0x98: {  	s18 =	sld [smem:$0x3FDB];
	_ =	sdelay $0x1  }
0x99: {  	s19 =	simm.s32 $_scs_section_size  }
0x9a: {  	s4 =	simm.s32 $_size__tile_overlayer_lowered;
	s5 =	simm.s32 $_tile_overlayer_lowered  }
0x9b: {  	s22 =	simm.s32 $0x1BFF;
	s21 =	sshll.u32 s5, $0x1;
	s2 =	sadd.s32 s19, s18  }
0x9c: {  	s6 =	simm.s32 $0x0;
	s20 =	sshll.u32 s4, $0x1;
	s4 =	sadd.s32 s21, s2  }
0x9d: {  	[timem:s6], [sflag:s22] =	dma.local [hbm:s4], s20  }
0x9e: {  	_ =	swait.ge [sflag:s22], s20  }
0x9f: {  	s3 =	ssub.s32 $0x0, s20;
	[sflag:s22] =	ssyncset.done $0x0  }
0xa0: {  	[sflag:s22] =	ssyncadd.s32 s3;
	_ =	sdelay $0x1  }
0xa1: {  	s23 =	simm.s32 $0x1B8B  }
0xa2: {  	_ =	swait.ge [sflag:s23], $0x1  }
0xa3: {  	[sflag:s23] =	ssyncset.done $0x0  }
0xa4: {  	s25 =	simm.s32 $0x1B8E;
	s24 =	sld [smem:$0x3FFE];
	[sflag:s23] =	ssyncadd.s32 $0xFFFFFFFF  }
0xa5: {  	s26 =	simm.s32 $execute0_lowered;
	[smem:$0x3FD2] =	sst s25  }
0xa6: {  	s4 =	sshll.u32 s26, $0x1;
	_ =	strace $0x80000049;
	[dreg:$0x1] =	wrdreg $0xFFFFFFFF  }
0xa7: {  	s28 =	simm.s32 $_size_execute0_lowered;
	s2 =	sadd.s32 s2, s4;
	[dreg:$0x0] =	wrdreg $0x0  }
0xa8: {  	s4 =	sshll.u32 s28, $0x1;
	[dreg:$0x2] =	wrdreg s2  }
0xa9: {  	[dreg:$0x3] =	wrdreg s4  }
0xaa: {  	[dreg:$0x4] =	wrdreg $0xC0  }
0xab: {  	_ =	task [dreg:s6], $0x5FFFF  }
0xac: {  	[dreg:$0x1] =	wrdreg $0xFFFFFFFF  }
0xad: {  	[dreg:$0x0] =	wrdreg $0x60  }
0xae: {  	[dreg:$0x2] =	wrdreg s24  }
0xaf: {  	[dreg:$0x3] =	wrdreg $0xBA000  }
0xb0: {  	[dreg:$0x4] =	wrdreg $0x9  }
0xb1: {  	_ =	task.clear_ibuf [dreg:s6], $0x5FFFF;
	_ =	strace $0x90000049  }
0xb2: {  	s29 =	simm.s32 $0x9;
	_ =	strace $0x8000004B  }
0xb3: {  	_ =	swait.ge [sflag:s29], $0x1  }
0xb4: {  	[sflag:s29] =	ssyncadd.s32 $0xFFFFFFFF  }
0xb5: {  	_ =	strace $0x9000004B  }
0xb6: {  	_ =	sfence  }
0xb7: {  	s30 =	sld [smem:$0x0];
	_ =	sdelay $0x2  }
0xb8: {  	s31 =	sshll.u32 s1, $0xD;
	s1 =	sshrl.u32 s1, $0x2  }
0xb9: {  	s3 =	sand.u32 $0x4000, s31;
	s1 =	sadd.s32 s1, s30  }
0xba: {  	s0 =	sor.u32 s3, s0;
	s1 =	sshll.u32 s1, $0x11  }
0xbb: {  	s0 =	sor.u32 s1, s0  }
0xbc: {  	s0 =	sadd.s32 $0x8F2B, s0  }
0xbd: {  	[sflag:s0] =	ssyncadd.remote.s32 $0x1  }
0xbe: {  	_ =	sfence.sel $0xFFFF  }
0xbf: {  	[dreg:$0x0] =	wrdreg $0xFFFFFFFF;
	(pc) =	sbr.abs _section_cstart, $3  }
0xc0: {  	[dreg:$0x1] =	wrdreg $0xFFFFFFFF  }
0xc1: {  	_ =	task.clear_ibuf [dreg:s6], $0x2FFFF;
	_ =	strace $0x9FFFFFFF  }
0xc2: {  	(tm) =	ssettm $0x7FFFFFFF  }
0xc3: {  	_ =	shalt  }
tec
execute0_lowered:
.L_overlay_start_1:
0x0: {  	(tag) =	ssettag $0x1  }
0x1: {  	s0 =	rddreg [dreg:$0x0]  }
0x2: {  	s2 =	rddreg [dreg:$0x1];
	s1 =	srdreg.scid;
	s3 =	simm.s32 $0x0  }
0x3: {  	s12 =	stileid.u32;
	s15 =	simm.s32 $0x80;
	s18 =	simm.s32 $0x1  }
0x4: {  	s19 =	simm.s32 $0x7;
	s20 =	simm.s32 $0x8;
	s21 =	simm.s32 $0x2  }
0x5: {  	s22 =	simm.s32 $0x50;
	s25 =	simm.s32 $0x5;
	s5 =	smul.u32 $0x2800, s12  }
0x6: {  	s26 =	simm.s32 $0xA;
	s28 =	simm.s32 $0x0;
	s10 =	smul.u32 $0x50000, s12  }
0x7: {  	s1 =	sand.u32 $0x1, s1;
	[smem:$0x7FF] =	sst s3;
	s11 =	smul.u32 $0x2710, s12  }
0x8: {  	s14 =	sadd.s32 $0x3600, s0;
	s4 =	sshll.u32 s1, $0x4;
	s7 =	smul.u32 $0x28000, s1  }
0x9: {  	_ =	strace $0x8000004A;
	s30 =	ssub.s32 $0x2, s1;
	s1 =	smul.u32 $0x27100, s1  }
0xa: {  	s6 =	sor.u32 s12, s4;
	s4 =	sadd.s32 $0x1FC00, s0;
	s9 =	sshrl.u32 s30, $0x1  }
0xb: {  	s10 =	sshrl.u32 s10, $0x2;
	s8 =	sshll.u32 s6, $0xB;
	s7 =	sadd.s32 s5, s7  }
0xc: {  	s6 =	smul.u32 $0x2710, s6;
	s5 =	sadd.s32 $0x1D400, s0;
	s13 =	ssub.s32 s30, s9  }
0xd: {  	s1 =	sadd.s32 s11, s1;
	s16 =	sadd.s32 s10, s2;
	s10 =	sshll.u32 s12, $0x6  }
.Ltmp0:
0xe: {  	s8 =	sadd.s32 s8, s0;
	s0 =	sadd.s32 s7, s0;
	(pc) =	sbr.rel .LBB2_1-.Ltmp0, $4  }
0xf: {  	s1 =	sadd.s32 $0xF0, s1;
	s11 =	sor.u32 $0x1C02, s10;
	s13 =	smax.u32 s13, $0x1  }
0x10: {  	s17 =	sshrl.u32 s16, $0x3;
	s6 =	sshrl.u32 s6, $0x3;
	s7 =	sadd.s32 $0xD400, s8  }
0x11: {  	s12 =	sadd.s32 $0x46E00, s0;
	s31 =	sshrl.u32 s1, $0x3;
	s6 =	sadd.s32 s14, s6  }
0x12: {  	s14 =	sadd.s32 s31, s14;
	s8 =	sadd.s32 $0xA, s6;
	s9 =	sadd.s32 $0x14, s6  }
.LBB2_8:
0x13: {  	_ =	swait.ge [sflag:s25], $0x2800  }
0x14: {  	s28 =	sadd.s32 $0x1, s28;
	[sflag:s25] =	ssyncset.done $0x0  }
0x15: {  	p0 =	sne.s32 s28, s13;
	[sflag:s25] =	ssyncadd.s32 $0xFFFFD800  }
.Ltmp1:
0x16: {  	s0 =	sor.u32 $0x1C0A, s10;
	[bflag:$0x0] =	sbarrier.arrive $0xFFFF;
	(pc) =	sbr.rel @!p0 .LBB2_9-.Ltmp1, $4  }
0x17: {  	[hbm:s12], [sflag:s0] =	dma.local [spmem:s17], $0x2800  }
0x18: {  	_ =	swait.ge [sflag:s26], $0x2800  }
0x19: {  	[sflag:s26] =	ssyncset.done $0x0  }
0x1a: {  	[sflag:s26] =	ssyncadd.s32 $0xFFFFD800  }
.LBB2_1:
0x1b: {  	s29 =	simm.s32 $0x200  }
0x1c: {  	[tilespmem:s29], [sflag:$0x1] =	stream.linear.gather [hbm4b:s7+s3], $0x3E80, $0x38;
	[tilespmem:$0x1FA00] =	vst v63  }
0x1d: {  	_ = 	snop  }
0x1e: {  	[tilespmem:s3], [sflag:$0x7] =	stream.linear.gather [hbm4b:s6+s3], $0x50, $0x38;
	[tilespmem:$0x1FA00] =	vst v63  }
0x1f: {  	_ = 	snop  }
0x20: {  	[tilespmem:s15], [sflag:$0x8] =	stream.linear.gather [hbm4b:s8+s3], $0x50, $0x38;
	[tilespmem:$0x1FA00] =	vst v63  }
0x21: {  	s0 =	simm.s32 $0x100  }
0x22: {  	[tilespmem:s0], [sflag:$0x9] =	stream.linear.gather [hbm4b:s9+s3], $0x50, $0x38;
	[tilespmem:$0x1FA00] =	vst v63  }
0x23: {  	[spmem:s17], [sflag:s11] =	dma.local [hbm:s5], $0x2800  }
0x24: {  	_ =	swait.ge [sflag:s18], $0x3E80  }
0x25: {  	[sflag:s18] =	ssyncset.done $0x0  }
0x26: {  	[sflag:s18] =	ssyncadd.s32 $0xFFFFC180  }
0x27: {  	_ =	swait.ge [sflag:s19], $0x50  }
0x28: {  	[sflag:s19] =	ssyncset.done $0x0  }
0x29: {  	[sflag:s19] =	ssyncadd.s32 $0xFFFFFFB0  }
0x2a: {  	_ =	swait.ge [sflag:s20], $0x50  }
0x2b: {  	[sflag:s20] =	ssyncset.done $0x0  }
0x2c: {  	[sflag:s20] =	ssyncadd.s32 $0xFFFFFFB0  }
0x2d: {  	_ =	swait.ge [sflag:s21], $0x2800  }
0x2e: {  	[sflag:s21] =	ssyncset.done $0x0  }
.Ltmp2:
0x2f: {  	[sflag:s21] =	ssyncadd.s32 $0xFFFFD800;
	(pc) =	sbr.rel .LBB2_2-.Ltmp2, $4  }
0x30: {  	s23 =	simm.s32 $0x4200;
	[bflag:$0x0] =	sbarrier.arrive $0xFFFF  }
0x31: {  	[tilespmem:s23], [sflag:$0x1] =	stream.indirect.gather [hbm4b:s4+s22], $0x80, s3, s22, $0xb8;
	[tilespmem:$0x1FA00] =	vst v63  }
0x32: {  	s24 =	simm.s32 $0x6A00;
	s30 =	smov.u32 s14;
	s31 =	simm.s32 $0x0  }
0x33: {  	[tilespmem:s24], [sflag:$0x2] =	stream.indirect.gather [hbm4b:s4+s22], $0x80, s15, s22, $0xb8;
	[tilespmem:$0x1FA00] =	vst v63  }
.LBB2_6:
0x34: {  	s1 =	sadd.s32 $0x7, s0;
	s16 =	smul.u32 $0xA000, s0  }
0x35: {  	_ =	swait.ge [sflag:s1], $0x50  }
0x36: {  	s23 =	sshll.u32 s0, $0x7;
	[sflag:s1] =	ssyncset.done $0x0;
	s16 =	sshrl.u32 s16, $0x2  }
0x37: {  	s24 =	sadd.s32 $0x1, s0;
	[sflag:s1] =	ssyncadd.s32 $0xFFFFFFB0;
	s16 =	sadd.s32 $0x4200, s16  }
0x38: {  	[tilespmem:s16], [sflag:s24] =	stream.indirect.gather [hbm4b:s4+s22], $0x80, s23, s22, $0xb8;
	[tilespmem:$0x1FA00] =	vst v63  }
.LBB2_7:
0x39: {  	s31 =	sadd.s32 $0x1, s31  }
0x3a: {  	p0 =	sne.s32 s31, $0x7D  }
.Ltmp3:
0x3b: {  	_ = 	snop;
	(pc) =	sbr.rel @!p0 .LBB2_8-.Ltmp3, $2  }
0x3c: {  	_ =	sdelay $0x2  }
0x3d: {  	s29 =	sadd.s32 $0x80, s29;
	s30 =	sadd.s32 $0xA, s30  }
.LBB2_2:
0x3e: {  	s0 =	smul.u32 $0xAB, s31  }
0x3f: {  	s16 =	sadd.s32 $0x2, s31  }
0x40: {  	s1 =	sand.u32 $0xFF, s16;
	s0 =	sshrl.u32 s0, $0x9  }
0x41: {  	s1 =	smul.u32 $0xAB, s1;
	s0 =	sand.u32 $0x7F, s0  }
0x42: {  	s0 =	smul.u32 $0x3, s0  }
0x43: {  	s1 =	sshrl.u32 s1, $0x9  }
0x44: {  	p0 =	slt.u32 s31, $0x7A;
	s23 =	smul.u32 $0x3, s1;
	s0 =	ssub.s32 s31, s0  }
.Ltmp4:
0x45: {  	s1 =	sand.u32 $0xFF, s0;
	(pc) =	sbr.rel @!p0 .LBB2_3-.Ltmp4, $4  }
0x46: {  	s16 =	ssub.s32 s16, s23;
	s23 =	smul.u32 $0xA000, s1;
	s24 =	sadd.s32 $0x1, s1  }
0x47: {  	_ =	swait.ge [sflag:s24], $0x2800  }
0x48: {  	s0 =	sand.u32 $0xFF, s16;
	s16 =	sshrl.u32 s23, $0x2;
	[sflag:s24] =	ssyncset.done $0x0  }
0x49: {  	s23 =	sadd.s32 $0x4, s1;
	s16 =	sadd.s32 $0x4200, s16;
	[sflag:s24] =	ssyncadd.s32 $0xFFFFD800  }
0x4a: {  	p0 =	seq.s32 s31, $0x0  }
.Ltmp5:
0x4b: {  	_ = 	snop;
	(pc) =	sbr.rel @!p0 .LBB2_5-.Ltmp5, $4  }
.Ltmp6:
0x4c: {  	s24 =	sshll.u32 s1, $0x7;
	s1 =	sadd.s32 $0x7, s1;
	(pc) =	sbr.rel @p0 .LBB2_6-.Ltmp6, $4  }
0x4d: {  	[tilespmem:s24], [sflag:s1] =	stream.linear.gather [hbm4b:s30+s3], $0x50, $0x38;
	[tilespmem:$0x1FA00] =	vst v63  }
0x4e: {  	_ = 	snop  }
0x4f: {  	[spmem:s2] =	stream.indirect.scatter.add.f32 [tilespmem:s16], [sflag:s23], $0x80, s29, s22, $0xb8;
	[tilespmem:$0x1FA00] =	vst v63  }
0x50: {  	_ = 	snop  }
.LBB2_3:
0x51: {  	[spmem:s2] =	stream.indirect.scatter.add.f32 [tilespmem:s16], [sflag:s23], $0x80, s29, s22, $0xb8;
	[tilespmem:$0x1FA00] =	vst v63  }
.LBB2_5:
0x52: {  	p0 =	sgt.u32 s31, $0x7A  }
.Ltmp7:
0x53: {  	_ = 	snop;
	(pc) =	sbr.rel @p0 .LBB2_7-.Ltmp7, $4  }
.Ltmp8:
0x54: {  	s1 =	sadd.s32 $0x4, s0;
	(pc) =	sbr.rel @!p0 .LBB2_6-.Ltmp8, $4  }
0x55: {  	_ =	swait.ge [sflag:s1], $0x2800  }
0x56: {  	[sflag:s1] =	ssyncset.done $0x0  }
0x57: {  	[sflag:s1] =	ssyncadd.s32 $0xFFFFD800  }
0x58: {  	_ = 	snop  }
.LBB2_9:
0x59: {  	_ =	sfence.sel $0x180000  }
0x5a: {  	[bflag:$0x0] =	sbarrier.arrive $0xFFFF  }
0x5b: {  	_ =	strace $0x9000004A  }
0x5c: {  	s0 =	stileid.u32;
	[bflag:$0x2] =	sbarrier.arrive $0xFFFF  }
0x5d: {  	p0 =	sne.s32 s0, $0x0;
	s0 =	rddreg [dreg:$0x2]  }
0x5e: {  	s0 =	sadd.s32 @!p0 $0x100000, s0  }
0x5f: {  	[sflag:s0] =	ssyncadd.tile.s32 @!p0 $0x1;
	_ =	shalt  }
.Lfunc_end2:
_tile_overlayer_lowered:
.L_overlay_start_2:
0x60: {  	(tag) =	ssettag $0x2  }
0x61: {  	s0 =	rddreg [dreg:$0x0];
	s2 =	stileid.u32  }
0x62: {  	s1 =	rddreg [dreg:$0x1];
	p0 =	sne.s32 s2, $0x0  }
0x63: {  	s3 =	rddreg [dreg:$0x2];
	[bflag:$0x3] =	sbarrier.arrive $0xFFFF;
	s2 =	simm.s32 @!p0 $0x1C0A  }
0x64: {  	[timem:s3], [sflag:s2] =	dma.local @!p0 [hbm:s0], s1  }
0x65: {  	s0 =	simm.s32 @!p0 $0xA  }
0x66: {  	_ =	swait.ge @!p0 [sflag:s0], s1  }
0x67: {  	s1 =	ssub.s32 @!p0 $0x0, s1;
	[sflag:s0] =	ssyncset.done @!p0 $0x0  }
0x68: {  	[sflag:s0] =	ssyncadd.s32 @!p0 s1  }
0x69: {  	[bflag:$0x3] =	sbarrier.arrive $0xFFFF  }
0x6a: {  	_ =	shalt  }

// kernel: kernel.16.cloned.1.call-start
scs
__scs_entry_jumppad:
0x0: {  	(pc) =	sbr.rel $0x88, $3  }
0x1: {  	(tag) =	ssettag $0x0;
	lr =	simm.s32 $0x1  }
0x2: {  	[smem:$0x3F94] =	sst lr;
	_ =	strace $0xD0000000  }
0x3: {  	_ = 	snop  }
0x4: {  	_ = 	snop  }
0x5: {  	_ = 	snop  }
0x6: {  	_ = 	snop  }
0x7: {  	_ = 	snop  }
__scs_overlays_trampoline_lowered:
0x8: {  	[smem:$0x3FA3] =	sst s0  }
0x9: {  	[smem:$0x3FA4] =	sst s1  }
0xa: {  	[smem:$0x3FA5] =	sst s2  }
0xb: {  	[smem:$0x3FA6] =	sst s3  }
0xc: {  	[smem:$0x3FA7] =	sst s4  }
0xd: {  	[smem:$0x3FA8] =	sst s5  }
0xe: {  	[smem:$0x3FA9] =	sst s6  }
0xf: {  	[smem:$0x3FAA] =	sst s7  }
0x10: {  	[smem:$0x3FAB] =	sst s8  }
0x11: {  	[smem:$0x3FAC] =	sst s9;
	s0 =	simm.s32 @!p0 $0x0  }
0x12: {  	s1 =	sld [smem:$0x3F92];
	s0 =	simm.s32 @p0 $0x1  }
0x13: {  	[smem:$0x3FAD] =	sst s0;
	s0 =	simm.s32 @!p1 $0x0  }
0x14: {  	s2 =	sld [smem:$0x3F91];
	s0 =	simm.s32 @p1 $0x1  }
0x15: {  	[smem:$0x3FAE] =	sst s0;
	s0 =	simm.s32 @!p2 $0x0  }
0x16: {  	s3 =	sld [smem:$0x3FDB];
	s0 =	simm.s32 @p2 $0x1  }
0x17: {  	s4 =	simm.s32 $0x1BF5;
	[smem:$0x3FB0] =	sst s0  }
0x18: {  	s0 =	sld [smem:$0x3F93];
	_ =	swait.ge [sflag:s4], $0x0  }
0x19: {  	s7 =	sld [smem:$0x3F94]  }
0x1a: {  	s8 =	sadd.s32 $0xFFFFE003, lr  }
0x1b: {  	s9 =	sadd.s32 $0xFFFFFEF7, lr;
	s5 =	simm.s32 $0xFFFFFFFF;
	p2 =	slt.u32 s8, $0xFFFFF086  }
0x1c: {  	p1 =	slt.u32 s9, $0xF7A;
	s5 =	simm.s32 @!p2 $0x0  }
0x1d: {  	s5 =	simm.s32 @p1 $0x1;
	p0 =	seq.s32 s7, s2  }
0x1e: {  	s7 =	smul.u32 @!p0 $0xF7A, s2;
	p2 =	seq.s32 @!p0 s5, $0x0  }
0x1f: {  	s9 =	smul.u32 $0xF7A, s1;
	s8 =	simm.s32 @!p0 $0x1BF5;
	p2 =	por !p2, p0  }
0x20: {  	[sflag:s8] =	ssyncset.s32 @!p0 $0xFFFFF086;
	s6 =	sadd.s32 @!p0 s3, s7;
	s7 =	simm.s32 @!p0 $0x108  }
0x21: {  	s3 =	sadd.s32 s3, s9;
	s6 =	sadd.s32 @!p0 $0x88, s6;
	s7 =	simm.s32 @p2 $0x1082  }
0x22: {  	[simem:s7], [sflag:s8] =	dma.local @!p0 [hbm:s6], $0xF7A  }
0x23: {  	s9 =	sor.u32 $0xD0000000, s2;
	s6 =	simm.s32 $0x108;
	_ =	swait.ge @!p0 [sflag:s8], $0x0  }
0x24: {  	s3 =	sadd.s32 $0x88, s3;
	s6 =	simm.s32 @!p1 $0x1082;
	[sflag:s4] =	ssyncset.s32 $0xFFFFF086  }
0x25: {  	[simem:s6], [sflag:s4] =	dma.local [hbm:s3], $0xF7A  }
0x26: {  	[smem:$0x3F94] =	sst s1;
	(tag) =	ssettag s2;
	_ =	strace s9  }
0x27: {  	s1 =	sld [smem:$0x3FA4]  }
0x28: {  	s2 =	sld [smem:$0x3FA5]  }
0x29: {  	s4 =	sld [smem:$0x3FA7]  }
0x2a: {  	p0 =	seq.s32 s5, $0x0;
	s5 =	sld [smem:$0x3FA8]  }
0x2b: {  	s6 =	sld [smem:$0x3FA9]  }
0x2c: {  	s7 =	sld [smem:$0x3FAA]  }
0x2d: {  	s3 =	simm.s32 $0x108;
	s8 =	sld [smem:$0x3FAB]  }
0x2e: {  	s3 =	simm.s32 @!p0 $0x1082;
	s9 =	sld [smem:$0x3FAC]  }
0x2f: {  	lr =	sadd.s32 s0, s3;
	s0 =	sld [smem:$0x3FA3]  }
0x30: {  	s3 =	sld [smem:$0x3FA6]  }
0x31: {  	[smem:$0x3FAF] =	sst s10  }
0x32: {  	s10 =	sld [smem:$0x3FAD];
	_ =	sdelay $0x3  }
0x33: {  	p0 =	seq.s32 s10, $0x1;
	s10 =	sld [smem:$0x3FAF];
	_ =	sdelay $0x3  }
0x34: {  	[smem:$0x3FAF] =	sst s10  }
0x35: {  	s10 =	sld [smem:$0x3FAE];
	_ =	sdelay $0x3  }
0x36: {  	p1 =	seq.s32 s10, $0x1;
	s10 =	sld [smem:$0x3FAF];
	_ =	sdelay $0x3  }
0x37: {  	[smem:$0x3FAF] =	sst s10  }
0x38: {  	s10 =	sld [smem:$0x3FB0]  }
0x39: {  	_ = 	snop;
	(pc) =	sbr.ind lr, $3  }
0x3a: {  	_ = 	snop  }
0x3b: {  	_ = 	snop  }
0x3c: {  	p2 =	seq.s32 s10, $0x1;
	s10 =	sld [smem:$0x3FAF]  }
0x3d: {  	_ =	shalt  }
0x3e: {  	_ =	shalt  }
0x3f: {  	_ =	shalt  }
0x40: {  	_ =	shalt  }
0x41: {  	_ =	shalt  }
0x42: {  	_ =	shalt  }
0x43: {  	_ =	shalt  }
0x44: {  	_ =	shalt  }
0x45: {  	_ =	shalt  }
0x46: {  	_ =	shalt  }
0x47: {  	_ =	shalt  }
0x48: {  	_ =	shalt  }
0x49: {  	_ =	shalt  }
0x4a: {  	_ =	shalt  }
0x4b: {  	_ =	shalt  }
0x4c: {  	_ =	shalt  }
0x4d: {  	_ =	shalt  }
0x4e: {  	_ =	shalt  }
0x4f: {  	_ =	shalt  }
0x50: {  	_ =	shalt  }
0x51: {  	_ =	shalt  }
0x52: {  	_ =	shalt  }
0x53: {  	_ =	shalt  }
0x54: {  	_ =	shalt  }
0x55: {  	_ =	shalt  }
0x56: {  	_ =	shalt  }
0x57: {  	_ =	shalt  }
0x58: {  	_ =	shalt  }
0x59: {  	_ =	shalt  }
0x5a: {  	_ =	shalt  }
0x5b: {  	_ =	shalt  }
0x5c: {  	_ =	shalt  }
0x5d: {  	_ =	shalt  }
0x5e: {  	_ =	shalt  }
0x5f: {  	_ =	shalt  }
0x60: {  	_ =	shalt  }
0x61: {  	_ =	shalt  }
0x62: {  	_ =	shalt  }
0x63: {  	_ =	shalt  }
0x64: {  	_ =	shalt  }
0x65: {  	_ =	shalt  }
0x66: {  	_ =	shalt  }
0x67: {  	_ =	shalt  }
0x68: {  	_ =	shalt  }
0x69: {  	_ =	shalt  }
0x6a: {  	_ =	shalt  }
0x6b: {  	_ =	shalt  }
0x6c: {  	_ =	shalt  }
0x6d: {  	_ =	shalt  }
0x6e: {  	_ =	shalt  }
0x6f: {  	_ =	shalt  }
0x70: {  	_ =	shalt  }
0x71: {  	_ =	shalt  }
0x72: {  	_ =	shalt  }
0x73: {  	_ =	shalt  }
0x74: {  	_ =	shalt  }
0x75: {  	_ =	shalt  }
0x76: {  	_ =	shalt  }
0x77: {  	_ =	shalt  }
0x78: {  	_ =	shalt  }
0x79: {  	_ =	shalt  }
0x7a: {  	_ =	shalt  }
0x7b: {  	_ =	shalt  }
0x7c: {  	_ =	shalt  }
0x7d: {  	_ =	shalt  }
0x7e: {  	_ =	shalt  }
0x7f: {  	_ =	shalt  }
0x80: {  	_ =	shalt  }
0x81: {  	_ =	shalt  }
0x82: {  	_ =	shalt  }
0x83: {  	_ =	shalt  }
0x84: {  	_ =	shalt  }
0x85: {  	_ =	shalt  }
0x86: {  	_ =	shalt  }
0x87: {  	_ =	shalt  }
.Lfunc_end0:
.L_simem_size_0:
called_computation.2_lowered:
.L_overlay_start_0:
0x88: {  	s2 =	sld [smem:$0x3FD9]  }
0x89: {  	s3 =	sld [smem:$0x3FFE];
	_ =	sdelay $0x1  }
0x8a: {  	s1 =	srdreg.scid  }
0x8b: {  	s0 =	sand.u32 $0x1, s1  }
0x8c: {  	s16 =	sshll.u32 s0, $0xA;
	s2 =	sadd.s32 s3, s2  }
0x8d: {  	s2 =	sadd.s32 s2, s16  }
0x8e: {  	[smem:$0x3FBB] =	sst s2  }
0x8f: {  	_ = 	snop  }
0x90: {  	(tm) =	ssettm $0x1  }
0x91: {  	s17 =	sld [smem:$0x3FFB];
	_ =	sdelay $0x3  }
0x92: {  	_ =	strace s17  }
0x93: {  	s2 =	sld [smem:$0x3FFC];
	_ =	sdelay $0x3  }
0x94: {  	_ =	strace s2  }
0x95: {  	s2 =	sld [smem:$0x3FFD];
	_ =	sdelay $0x3  }
0x96: {  	_ =	strace s2  }
0x97: {  	_ =	strace $0x8FFFFFFF  }
0x98: {  	s18 =	sld [smem:$0x3FDB];
	_ =	sdelay $0x1  }
0x99: {  	s19 =	simm.s32 $_scs_section_size  }
0x9a: {  	s4 =	simm.s32 $_size__tile_overlayer_lowered;
	s5 =	simm.s32 $_tile_overlayer_lowered  }
0x9b: {  	s22 =	simm.s32 $0x1BFF;
	s21 =	sshll.u32 s5, $0x1;
	s2 =	sadd.s32 s19, s18  }
0x9c: {  	s6 =	simm.s32 $0x0;
	s20 =	sshll.u32 s4, $0x1;
	s4 =	sadd.s32 s21, s2  }
0x9d: {  	[timem:s6], [sflag:s22] =	dma.local [hbm:s4], s20  }
0x9e: {  	_ =	swait.ge [sflag:s22], s20  }
0x9f: {  	s3 =	ssub.s32 $0x0, s20;
	[sflag:s22] =	ssyncset.done $0x0  }
0xa0: {  	[sflag:s22] =	ssyncadd.s32 s3;
	_ =	sdelay $0x1  }
0xa1: {  	s23 =	simm.s32 $0x1B8B  }
0xa2: {  	_ =	swait.ge [sflag:s23], $0x1  }
0xa3: {  	[sflag:s23] =	ssyncset.done $0x0  }
0xa4: {  	s25 =	simm.s32 $0x1B8E;
	s24 =	sld [smem:$0x3FFE];
	[sflag:s23] =	ssyncadd.s32 $0xFFFFFFFF  }
0xa5: {  	s26 =	simm.s32 $execute0_lowered;
	[smem:$0x3FD2] =	sst s25  }
0xa6: {  	s4 =	sshll.u32 s26, $0x1;
	_ =	strace $0x8000004C;
	[dreg:$0x1] =	wrdreg $0xFFFFFFFF  }
0xa7: {  	s28 =	simm.s32 $_size_execute0_lowered;
	s2 =	sadd.s32 s2, s4;
	[dreg:$0x0] =	wrdreg $0x0  }
0xa8: {  	s4 =	sshll.u32 s28, $0x1;
	[dreg:$0x2] =	wrdreg s2  }
0xa9: {  	[dreg:$0x3] =	wrdreg s4  }
0xaa: {  	[dreg:$0x4] =	wrdreg $0xC0  }
0xab: {  	_ =	task [dreg:s6], $0x5FFFF  }
0xac: {  	[dreg:$0x1] =	wrdreg $0xFFFFFFFF  }
0xad: {  	[dreg:$0x0] =	wrdreg $0x60  }
0xae: {  	[dreg:$0x2] =	wrdreg s24  }
0xaf: {  	[dreg:$0x3] =	wrdreg $0xBA000  }
0xb0: {  	[dreg:$0x4] =	wrdreg $0x9  }
0xb1: {  	_ =	task.clear_ibuf [dreg:s6], $0x5FFFF;
	_ =	strace $0x9000004C  }
0xb2: {  	s29 =	simm.s32 $0x9;
	_ =	strace $0x8000004E  }
0xb3: {  	_ =	swait.ge [sflag:s29], $0x1  }
0xb4: {  	[sflag:s29] =	ssyncadd.s32 $0xFFFFFFFF  }
0xb5: {  	_ =	strace $0x9000004E  }
0xb6: {  	_ =	sfence  }
0xb7: {  	s30 =	sld [smem:$0x0];
	_ =	sdelay $0x2  }
0xb8: {  	s31 =	sshll.u32 s1, $0xD;
	s1 =	sshrl.u32 s1, $0x2  }
0xb9: {  	s3 =	sand.u32 $0x4000, s31;
	s1 =	sadd.s32 s1, s30  }
0xba: {  	s0 =	sor.u32 s3, s0;
	s1 =	sshll.u32 s1, $0x11  }
0xbb: {  	s0 =	sor.u32 s1, s0  }
0xbc: {  	s0 =	sadd.s32 $0x8F2B, s0  }
0xbd: {  	[sflag:s0] =	ssyncadd.remote.s32 $0x1  }
0xbe: {  	_ =	sfence.sel $0xFFFF  }
0xbf: {  	[dreg:$0x0] =	wrdreg $0xFFFFFFFF;
	(pc) =	sbr.abs _section_cstart, $3  }
0xc0: {  	[dreg:$0x1] =	wrdreg $0xFFFFFFFF  }
0xc1: {  	_ =	task.clear_ibuf [dreg:s6], $0x2FFFF;
	_ =	strace $0x9FFFFFFF  }
0xc2: {  	(tm) =	ssettm $0x7FFFFFFF  }
0xc3: {  	_ =	shalt  }
tec
execute0_lowered:
.L_overlay_start_1:
0x0: {  	(tag) =	ssettag $0x1  }
0x1: {  	s0 =	rddreg [dreg:$0x0]  }
0x2: {  	s2 =	rddreg [dreg:$0x1];
	s1 =	srdreg.scid;
	s3 =	simm.s32 $0x0  }
0x3: {  	s12 =	stileid.u32;
	s15 =	simm.s32 $0x80;
	s18 =	simm.s32 $0x1  }
0x4: {  	s19 =	simm.s32 $0x7;
	s20 =	simm.s32 $0x8;
	s21 =	simm.s32 $0x2  }
0x5: {  	s22 =	simm.s32 $0x50;
	s25 =	simm.s32 $0x5;
	s5 =	smul.u32 $0x2800, s12  }
0x6: {  	s26 =	simm.s32 $0xA;
	s28 =	simm.s32 $0x0;
	s10 =	smul.u32 $0x50000, s12  }
0x7: {  	s1 =	sand.u32 $0x1, s1;
	[smem:$0x7FF] =	sst s3;
	s11 =	smul.u32 $0x2710, s12  }
0x8: {  	s14 =	sadd.s32 $0x3600, s0;
	s4 =	sshll.u32 s1, $0x4;
	s7 =	smul.u32 $0x28000, s1  }
0x9: {  	_ =	strace $0x8000004D;
	s30 =	ssub.s32 $0x2, s1;
	s1 =	smul.u32 $0x27100, s1  }
0xa: {  	s6 =	sor.u32 s12, s4;
	s4 =	sadd.s32 $0x1FC00, s0;
	s9 =	sshrl.u32 s30, $0x1  }
0xb: {  	s10 =	sshrl.u32 s10, $0x2;
	s8 =	sshll.u32 s6, $0xB;
	s7 =	sadd.s32 s5, s7  }
0xc: {  	s6 =	smul.u32 $0x2710, s6;
	s5 =	sadd.s32 $0x1D400, s0;
	s13 =	ssub.s32 s30, s9  }
0xd: {  	s1 =	sadd.s32 s11, s1;
	s16 =	sadd.s32 s10, s2;
	s10 =	sshll.u32 s12, $0x6  }
.Ltmp0:
0xe: {  	s8 =	sadd.s32 s8, s0;
	s0 =	sadd.s32 s7, s0;
	(pc) =	sbr.rel .LBB2_1-.Ltmp0, $4  }
0xf: {  	s1 =	sadd.s32 $0xF0, s1;
	s11 =	sor.u32 $0x1C02, s10;
	s13 =	smax.u32 s13, $0x1  }
0x10: {  	s17 =	sshrl.u32 s16, $0x3;
	s6 =	sshrl.u32 s6, $0x3;
	s7 =	sadd.s32 $0xD400, s8  }
0x11: {  	s12 =	sadd.s32 $0x46E00, s0;
	s31 =	sshrl.u32 s1, $0x3;
	s6 =	sadd.s32 s14, s6  }
0x12: {  	s14 =	sadd.s32 s31, s14;
	s8 =	sadd.s32 $0xA, s6;
	s9 =	sadd.s32 $0x14, s6  }
.LBB2_8:
0x13: {  	_ =	swait.ge [sflag:s25], $0x2800  }
0x14: {  	s28 =	sadd.s32 $0x1, s28;
	[sflag:s25] =	ssyncset.done $0x0  }
0x15: {  	p0 =	sne.s32 s28, s13;
	[sflag:s25] =	ssyncadd.s32 $0xFFFFD800  }
.Ltmp1:
0x16: {  	s0 =	sor.u32 $0x1C0A, s10;
	[bflag:$0x0] =	sbarrier.arrive $0xFFFF;
	(pc) =	sbr.rel @!p0 .LBB2_9-.Ltmp1, $4  }
0x17: {  	[hbm:s12], [sflag:s0] =	dma.local [spmem:s17], $0x2800  }
0x18: {  	_ =	swait.ge [sflag:s26], $0x2800  }
0x19: {  	[sflag:s26] =	ssyncset.done $0x0  }
0x1a: {  	[sflag:s26] =	ssyncadd.s32 $0xFFFFD800  }
.LBB2_1:
0x1b: {  	s29 =	simm.s32 $0x200  }
0x1c: {  	[tilespmem:s29], [sflag:$0x1] =	stream.linear.gather [hbm4b:s7+s3], $0x3E80, $0x38;
	[tilespmem:$0x1FA00] =	vst v63  }
0x1d: {  	_ = 	snop  }
0x1e: {  	[tilespmem:s3], [sflag:$0x7] =	stream.linear.gather [hbm4b:s6+s3], $0x50, $0x38;
	[tilespmem:$0x1FA00] =	vst v63  }
0x1f: {  	_ = 	snop  }
0x20: {  	[tilespmem:s15], [sflag:$0x8] =	stream.linear.gather [hbm4b:s8+s3], $0x50, $0x38;
	[tilespmem:$0x1FA00] =	vst v63  }
0x21: {  	s0 =	simm.s32 $0x100  }
0x22: {  	[tilespmem:s0], [sflag:$0x9] =	stream.linear.gather [hbm4b:s9+s3], $0x50, $0x38;
	[tilespmem:$0x1FA00] =	vst v63  }
0x23: {  	[spmem:s17], [sflag:s11] =	dma.local [hbm:s5], $0x2800  }
0x24: {  	_ =	swait.ge [sflag:s18], $0x3E80  }
0x25: {  	[sflag:s18] =	ssyncset.done $0x0  }
0x26: {  	[sflag:s18] =	ssyncadd.s32 $0xFFFFC180  }
0x27: {  	_ =	swait.ge [sflag:s19], $0x50  }
0x28: {  	[sflag:s19] =	ssyncset.done $0x0  }
0x29: {  	[sflag:s19] =	ssyncadd.s32 $0xFFFFFFB0  }
0x2a: {  	_ =	swait.ge [sflag:s20], $0x50  }
0x2b: {  	[sflag:s20] =	ssyncset.done $0x0  }
0x2c: {  	[sflag:s20] =	ssyncadd.s32 $0xFFFFFFB0  }
0x2d: {  	_ =	swait.ge [sflag:s21], $0x2800  }
0x2e: {  	[sflag:s21] =	ssyncset.done $0x0  }
.Ltmp2:
0x2f: {  	[sflag:s21] =	ssyncadd.s32 $0xFFFFD800;
	(pc) =	sbr.rel .LBB2_2-.Ltmp2, $4  }
0x30: {  	s23 =	simm.s32 $0x4200;
	[bflag:$0x0] =	sbarrier.arrive $0xFFFF  }
0x31: {  	[tilespmem:s23], [sflag:$0x1] =	stream.indirect.gather [hbm4b:s4+s22], $0x80, s3, s22, $0xb8;
	[tilespmem:$0x1FA00] =	vst v63  }
0x32: {  	s24 =	simm.s32 $0x6A00;
	s30 =	smov.u32 s14;
	s31 =	simm.s32 $0x0  }
0x33: {  	[tilespmem:s24], [sflag:$0x2] =	stream.indirect.gather [hbm4b:s4+s22], $0x80, s15, s22, $0xb8;
	[tilespmem:$0x1FA00] =	vst v63  }
.LBB2_6:
0x34: {  	s1 =	sadd.s32 $0x7, s0;
	s16 =	smul.u32 $0xA000, s0  }
0x35: {  	_ =	swait.ge [sflag:s1], $0x50  }
0x36: {  	s23 =	sshll.u32 s0, $0x7;
	[sflag:s1] =	ssyncset.done $0x0;
	s16 =	sshrl.u32 s16, $0x2  }
0x37: {  	s24 =	sadd.s32 $0x1, s0;
	[sflag:s1] =	ssyncadd.s32 $0xFFFFFFB0;
	s16 =	sadd.s32 $0x4200, s16  }
0x38: {  	[tilespmem:s16], [sflag:s24] =	stream.indirect.gather [hbm4b:s4+s22], $0x80, s23, s22, $0xb8;
	[tilespmem:$0x1FA00] =	vst v63  }
.LBB2_7:
0x39: {  	s31 =	sadd.s32 $0x1, s31  }
0x3a: {  	p0 =	sne.s32 s31, $0x7D  }
.Ltmp3:
0x3b: {  	_ = 	snop;
	(pc) =	sbr.rel @!p0 .LBB2_8-.Ltmp3, $2  }
0x3c: {  	_ =	sdelay $0x2  }
0x3d: {  	s29 =	sadd.s32 $0x80, s29;
	s30 =	sadd.s32 $0xA, s30  }
.LBB2_2:
0x3e: {  	s0 =	smul.u32 $0xAB, s31  }
0x3f: {  	s16 =	sadd.s32 $0x2, s31  }
0x40: {  	s1 =	sand.u32 $0xFF, s16;
	s0 =	sshrl.u32 s0, $0x9  }
0x41: {  	s1 =	smul.u32 $0xAB, s1;
	s0 =	sand.u32 $0x7F, s0  }
0x42: {  	s0 =	smul.u32 $0x3, s0  }
0x43: {  	s1 =	sshrl.u32 s1, $0x9  }
0x44: {  	p0 =	slt.u32 s31, $0x7A;
	s23 =	smul.u32 $0x3, s1;
	s0 =	ssub.s32 s31, s0  }
.Ltmp4:
0x45: {  	s1 =	sand.u32 $0xFF, s0;
	(pc) =	sbr.rel @!p0 .LBB2_3-.Ltmp4, $4  }
0x46: {  	s16 =	ssub.s32 s16, s23;
	s23 =	smul.u32 $0xA000, s1;
	s24 =	sadd.s32 $0x1, s1  }
0x47: {  	_ =	swait.ge [sflag:s24], $0x2800  }
0x48: {  	s0 =	sand.u32 $0xFF, s16;
	s16 =	sshrl.u32 s23, $0x2;
	[sflag:s24] =	ssyncset.done $0x0  }
0x49: {  	s23 =	sadd.s32 $0x4, s1;
	s16 =	sadd.s32 $0x4200, s16;
	[sflag:s24] =	ssyncadd.s32 $0xFFFFD800  }
0x4a: {  	p0 =	seq.s32 s31, $0x0  }
.Ltmp5:
0x4b: {  	_ = 	snop;
	(pc) =	sbr.rel @!p0 .LBB2_5-.Ltmp5, $4  }
.Ltmp6:
0x4c: {  	s24 =	sshll.u32 s1, $0x7;
	s1 =	sadd.s32 $0x7, s1;
	(pc) =	sbr.rel @p0 .LBB2_6-.Ltmp6, $4  }
0x4d: {  	[tilespmem:s24], [sflag:s1] =	stream.linear.gather [hbm4b:s30+s3], $0x50, $0x38;
	[tilespmem:$0x1FA00] =	vst v63  }
0x4e: {  	_ = 	snop  }
0x4f: {  	[spmem:s2] =	stream.indirect.scatter.add.f32 [tilespmem:s16], [sflag:s23], $0x80, s29, s22, $0xb8;
	[tilespmem:$0x1FA00] =	vst v63  }
0x50: {  	_ = 	snop  }
.LBB2_3:
0x51: {  	[spmem:s2] =	stream.indirect.scatter.add.f32 [tilespmem:s16], [sflag:s23], $0x80, s29, s22, $0xb8;
	[tilespmem:$0x1FA00] =	vst v63  }
.LBB2_5:
0x52: {  	p0 =	sgt.u32 s31, $0x7A  }
.Ltmp7:
0x53: {  	_ = 	snop;
	(pc) =	sbr.rel @p0 .LBB2_7-.Ltmp7, $4  }
.Ltmp8:
0x54: {  	s1 =	sadd.s32 $0x4, s0;
	(pc) =	sbr.rel @!p0 .LBB2_6-.Ltmp8, $4  }
0x55: {  	_ =	swait.ge [sflag:s1], $0x2800  }
0x56: {  	[sflag:s1] =	ssyncset.done $0x0  }
0x57: {  	[sflag:s1] =	ssyncadd.s32 $0xFFFFD800  }
0x58: {  	_ = 	snop  }
.LBB2_9:
0x59: {  	_ =	sfence.sel $0x180000  }
0x5a: {  	[bflag:$0x0] =	sbarrier.arrive $0xFFFF  }
0x5b: {  	_ =	strace $0x9000004D  }
0x5c: {  	s0 =	stileid.u32;
	[bflag:$0x2] =	sbarrier.arrive $0xFFFF  }
0x5d: {  	p0 =	sne.s32 s0, $0x0;
	s0 =	rddreg [dreg:$0x2]  }
0x5e: {  	s0 =	sadd.s32 @!p0 $0x100000, s0  }
0x5f: {  	[sflag:s0] =	ssyncadd.tile.s32 @!p0 $0x1;
	_ =	shalt  }
.Lfunc_end2:
_tile_overlayer_lowered:
.L_overlay_start_2:
0x60: {  	(tag) =	ssettag $0x2  }
0x61: {  	s0 =	rddreg [dreg:$0x0];
	s2 =	stileid.u32  }
0x62: {  	s1 =	rddreg [dreg:$0x1];
	p0 =	sne.s32 s2, $0x0  }
0x63: {  	s3 =	rddreg [dreg:$0x2];
	[bflag:$0x3] =	sbarrier.arrive $0xFFFF;
	s2 =	simm.s32 @!p0 $0x1C0A  }
0x64: {  	[timem:s3], [sflag:s2] =	dma.local @!p0 [hbm:s0], s1  }
0x65: {  	s0 =	simm.s32 @!p0 $0xA  }
0x66: {  	_ =	swait.ge @!p0 [sflag:s0], s1  }
0x67: {  	s1 =	ssub.s32 @!p0 $0x0, s1;
	[sflag:s0] =	ssyncset.done @!p0 $0x0  }
0x68: {  	[sflag:s0] =	ssyncadd.s32 @!p0 s1  }
0x69: {  	[bflag:$0x3] =	sbarrier.arrive $0xFFFF  }
0x6a: {  	_ =	shalt  }

// kernel: kernel.19.cloned.1.call-start
scs
__scs_entry_jumppad:
0x0: {  	(pc) =	sbr.rel $0x88, $3  }
0x1: {  	(tag) =	ssettag $0x0;
	lr =	simm.s32 $0x1  }
0x2: {  	[smem:$0x3F94] =	sst lr;
	_ =	strace $0xD0000000  }
0x3: {  	_ = 	snop  }
0x4: {  	_ = 	snop  }
0x5: {  	_ = 	snop  }
0x6: {  	_ = 	snop  }
0x7: {  	_ = 	snop  }
__scs_overlays_trampoline_lowered:
0x8: {  	[smem:$0x3FA3] =	sst s0  }
0x9: {  	[smem:$0x3FA4] =	sst s1  }
0xa: {  	[smem:$0x3FA5] =	sst s2  }
0xb: {  	[smem:$0x3FA6] =	sst s3  }
0xc: {  	[smem:$0x3FA7] =	sst s4  }
0xd: {  	[smem:$0x3FA8] =	sst s5  }
0xe: {  	[smem:$0x3FA9] =	sst s6  }
0xf: {  	[smem:$0x3FAA] =	sst s7  }
0x10: {  	[smem:$0x3FAB] =	sst s8  }
0x11: {  	[smem:$0x3FAC] =	sst s9;
	s0 =	simm.s32 @!p0 $0x0  }
0x12: {  	s1 =	sld [smem:$0x3F92];
	s0 =	simm.s32 @p0 $0x1  }
0x13: {  	[smem:$0x3FAD] =	sst s0;
	s0 =	simm.s32 @!p1 $0x0  }
0x14: {  	s2 =	sld [smem:$0x3F91];
	s0 =	simm.s32 @p1 $0x1  }
0x15: {  	[smem:$0x3FAE] =	sst s0;
	s0 =	simm.s32 @!p2 $0x0  }
0x16: {  	s3 =	sld [smem:$0x3FDB];
	s0 =	simm.s32 @p2 $0x1  }
0x17: {  	s4 =	simm.s32 $0x1BF5;
	[smem:$0x3FB0] =	sst s0  }
0x18: {  	s0 =	sld [smem:$0x3F93];
	_ =	swait.ge [sflag:s4], $0x0  }
0x19: {  	s7 =	sld [smem:$0x3F94]  }
0x1a: {  	s8 =	sadd.s32 $0xFFFFE003, lr  }
0x1b: {  	s9 =	sadd.s32 $0xFFFFFEF7, lr;
	s5 =	simm.s32 $0xFFFFFFFF;
	p2 =	slt.u32 s8, $0xFFFFF086  }
0x1c: {  	p1 =	slt.u32 s9, $0xF7A;
	s5 =	simm.s32 @!p2 $0x0  }
0x1d: {  	s5 =	simm.s32 @p1 $0x1;
	p0 =	seq.s32 s7, s2  }
0x1e: {  	s7 =	smul.u32 @!p0 $0xF7A, s2;
	p2 =	seq.s32 @!p0 s5, $0x0  }
0x1f: {  	s9 =	smul.u32 $0xF7A, s1;
	s8 =	simm.s32 @!p0 $0x1BF5;
	p2 =	por !p2, p0  }
0x20: {  	[sflag:s8] =	ssyncset.s32 @!p0 $0xFFFFF086;
	s6 =	sadd.s32 @!p0 s3, s7;
	s7 =	simm.s32 @!p0 $0x108  }
0x21: {  	s3 =	sadd.s32 s3, s9;
	s6 =	sadd.s32 @!p0 $0x88, s6;
	s7 =	simm.s32 @p2 $0x1082  }
0x22: {  	[simem:s7], [sflag:s8] =	dma.local @!p0 [hbm:s6], $0xF7A  }
0x23: {  	s9 =	sor.u32 $0xD0000000, s2;
	s6 =	simm.s32 $0x108;
	_ =	swait.ge @!p0 [sflag:s8], $0x0  }
0x24: {  	s3 =	sadd.s32 $0x88, s3;
	s6 =	simm.s32 @!p1 $0x1082;
	[sflag:s4] =	ssyncset.s32 $0xFFFFF086  }
0x25: {  	[simem:s6], [sflag:s4] =	dma.local [hbm:s3], $0xF7A  }
0x26: {  	[smem:$0x3F94] =	sst s1;
	(tag) =	ssettag s2;
	_ =	strace s9  }
0x27: {  	s1 =	sld [smem:$0x3FA4]  }
0x28: {  	s2 =	sld [smem:$0x3FA5]  }
0x29: {  	s4 =	sld [smem:$0x3FA7]  }
0x2a: {  	p0 =	seq.s32 s5, $0x0;
	s5 =	sld [smem:$0x3FA8]  }
0x2b: {  	s6 =	sld [smem:$0x3FA9]  }
0x2c: {  	s7 =	sld [smem:$0x3FAA]  }
0x2d: {  	s3 =	simm.s32 $0x108;
	s8 =	sld [smem:$0x3FAB]  }
0x2e: {  	s3 =	simm.s32 @!p0 $0x1082;
	s9 =	sld [smem:$0x3FAC]  }
0x2f: {  	lr =	sadd.s32 s0, s3;
	s0 =	sld [smem:$0x3FA3]  }
0x30: {  	s3 =	sld [smem:$0x3FA6]  }
0x31: {  	[smem:$0x3FAF] =	sst s10  }
0x32: {  	s10 =	sld [smem:$0x3FAD];
	_ =	sdelay $0x3  }
0x33: {  	p0 =	seq.s32 s10, $0x1;
	s10 =	sld [smem:$0x3FAF];
	_ =	sdelay $0x3  }
0x34: {  	[smem:$0x3FAF] =	sst s10  }
0x35: {  	s10 =	sld [smem:$0x3FAE];
	_ =	sdelay $0x3  }
0x36: {  	p1 =	seq.s32 s10, $0x1;
	s10 =	sld [smem:$0x3FAF];
	_ =	sdelay $0x3  }
0x37: {  	[smem:$0x3FAF] =	sst s10  }
0x38: {  	s10 =	sld [smem:$0x3FB0]  }
0x39: {  	_ = 	snop;
	(pc) =	sbr.ind lr, $3  }
0x3a: {  	_ = 	snop  }
0x3b: {  	_ = 	snop  }
0x3c: {  	p2 =	seq.s32 s10, $0x1;
	s10 =	sld [smem:$0x3FAF]  }
0x3d: {  	_ =	shalt  }
0x3e: {  	_ =	shalt  }
0x3f: {  	_ =	shalt  }
0x40: {  	_ =	shalt  }
0x41: {  	_ =	shalt  }
0x42: {  	_ =	shalt  }
0x43: {  	_ =	shalt  }
0x44: {  	_ =	shalt  }
0x45: {  	_ =	shalt  }
0x46: {  	_ =	shalt  }
0x47: {  	_ =	shalt  }
0x48: {  	_ =	shalt  }
0x49: {  	_ =	shalt  }
0x4a: {  	_ =	shalt  }
0x4b: {  	_ =	shalt  }
0x4c: {  	_ =	shalt  }
0x4d: {  	_ =	shalt  }
0x4e: {  	_ =	shalt  }
0x4f: {  	_ =	shalt  }
0x50: {  	_ =	shalt  }
0x51: {  	_ =	shalt  }
0x52: {  	_ =	shalt  }
0x53: {  	_ =	shalt  }
0x54: {  	_ =	shalt  }
0x55: {  	_ =	shalt  }
0x56: {  	_ =	shalt  }
0x57: {  	_ =	shalt  }
0x58: {  	_ =	shalt  }
0x59: {  	_ =	shalt  }
0x5a: {  	_ =	shalt  }
0x5b: {  	_ =	shalt  }
0x5c: {  	_ =	shalt  }
0x5d: {  	_ =	shalt  }
0x5e: {  	_ =	shalt  }
0x5f: {  	_ =	shalt  }
0x60: {  	_ =	shalt  }
0x61: {  	_ =	shalt  }
0x62: {  	_ =	shalt  }
0x63: {  	_ =	shalt  }
0x64: {  	_ =	shalt  }
0x65: {  	_ =	shalt  }
0x66: {  	_ =	shalt  }
0x67: {  	_ =	shalt  }
0x68: {  	_ =	shalt  }
0x69: {  	_ =	shalt  }
0x6a: {  	_ =	shalt  }
0x6b: {  	_ =	shalt  }
0x6c: {  	_ =	shalt  }
0x6d: {  	_ =	shalt  }
0x6e: {  	_ =	shalt  }
0x6f: {  	_ =	shalt  }
0x70: {  	_ =	shalt  }
0x71: {  	_ =	shalt  }
0x72: {  	_ =	shalt  }
0x73: {  	_ =	shalt  }
0x74: {  	_ =	shalt  }
0x75: {  	_ =	shalt  }
0x76: {  	_ =	shalt  }
0x77: {  	_ =	shalt  }
0x78: {  	_ =	shalt  }
0x79: {  	_ =	shalt  }
0x7a: {  	_ =	shalt  }
0x7b: {  	_ =	shalt  }
0x7c: {  	_ =	shalt  }
0x7d: {  	_ =	shalt  }
0x7e: {  	_ =	shalt  }
0x7f: {  	_ =	shalt  }
0x80: {  	_ =	shalt  }
0x81: {  	_ =	shalt  }
0x82: {  	_ =	shalt  }
0x83: {  	_ =	shalt  }
0x84: {  	_ =	shalt  }
0x85: {  	_ =	shalt  }
0x86: {  	_ =	shalt  }
0x87: {  	_ =	shalt  }
.Lfunc_end0:
.L_simem_size_0:
called_computation.3_lowered:
.L_overlay_start_0:
0x88: {  	s2 =	sld [smem:$0x3FD9]  }
0x89: {  	s3 =	sld [smem:$0x3FFE];
	_ =	sdelay $0x1  }
0x8a: {  	s1 =	srdreg.scid  }
0x8b: {  	s0 =	sand.u32 $0x1, s1  }
0x8c: {  	s16 =	sshll.u32 s0, $0xA;
	s2 =	sadd.s32 s3, s2  }
0x8d: {  	s2 =	sadd.s32 s2, s16  }
0x8e: {  	[smem:$0x3FBB] =	sst s2  }
0x8f: {  	_ = 	snop  }
0x90: {  	(tm) =	ssettm $0x1  }
0x91: {  	s17 =	sld [smem:$0x3FFB];
	_ =	sdelay $0x3  }
0x92: {  	_ =	strace s17  }
0x93: {  	s2 =	sld [smem:$0x3FFC];
	_ =	sdelay $0x3  }
0x94: {  	_ =	strace s2  }
0x95: {  	s2 =	sld [smem:$0x3FFD];
	_ =	sdelay $0x3  }
0x96: {  	_ =	strace s2  }
0x97: {  	_ =	strace $0x8FFFFFFF  }
0x98: {  	s18 =	sld [smem:$0x3FDB];
	_ =	sdelay $0x1  }
0x99: {  	s19 =	simm.s32 $_scs_section_size  }
0x9a: {  	s4 =	simm.s32 $_size__tile_overlayer_lowered;
	s5 =	simm.s32 $_tile_overlayer_lowered  }
0x9b: {  	s22 =	simm.s32 $0x1BFF;
	s21 =	sshll.u32 s5, $0x1;
	s2 =	sadd.s32 s19, s18  }
0x9c: {  	s6 =	simm.s32 $0x0;
	s20 =	sshll.u32 s4, $0x1;
	s4 =	sadd.s32 s21, s2  }
0x9d: {  	[timem:s6], [sflag:s22] =	dma.local [hbm:s4], s20  }
0x9e: {  	_ =	swait.ge [sflag:s22], s20  }
0x9f: {  	s3 =	ssub.s32 $0x0, s20;
	[sflag:s22] =	ssyncset.done $0x0  }
0xa0: {  	[sflag:s22] =	ssyncadd.s32 s3;
	_ =	sdelay $0x1  }
0xa1: {  	s23 =	simm.s32 $0x1B8B  }
0xa2: {  	_ =	swait.ge [sflag:s23], $0x1  }
0xa3: {  	[sflag:s23] =	ssyncset.done $0x0  }
0xa4: {  	s25 =	simm.s32 $0x1B8E;
	s24 =	sld [smem:$0x3FFE];
	[sflag:s23] =	ssyncadd.s32 $0xFFFFFFFF  }
0xa5: {  	s26 =	simm.s32 $execute0_lowered;
	[smem:$0x3FD2] =	sst s25  }
0xa6: {  	s4 =	sshll.u32 s26, $0x1;
	_ =	strace $0x8000004F;
	[dreg:$0x1] =	wrdreg $0xFFFFFFFF  }
0xa7: {  	s28 =	simm.s32 $_size_execute0_lowered;
	s2 =	sadd.s32 s2, s4;
	[dreg:$0x0] =	wrdreg $0x0  }
0xa8: {  	s4 =	sshll.u32 s28, $0x1;
	[dreg:$0x2] =	wrdreg s2  }
0xa9: {  	[dreg:$0x3] =	wrdreg s4  }
0xaa: {  	[dreg:$0x4] =	wrdreg $0xC0  }
0xab: {  	_ =	task [dreg:s6], $0x5FFFF  }
0xac: {  	[dreg:$0x1] =	wrdreg $0xFFFFFFFF  }
0xad: {  	[dreg:$0x0] =	wrdreg $0x60  }
0xae: {  	[dreg:$0x2] =	wrdreg s24  }
0xaf: {  	[dreg:$0x3] =	wrdreg $0xBA000  }
0xb0: {  	[dreg:$0x4] =	wrdreg $0x9  }
0xb1: {  	_ =	task.clear_ibuf [dreg:s6], $0x5FFFF;
	_ =	strace $0x9000004F  }
0xb2: {  	s29 =	simm.s32 $0x9;
	_ =	strace $0x80000051  }
0xb3: {  	_ =	swait.ge [sflag:s29], $0x1  }
0xb4: {  	[sflag:s29] =	ssyncadd.s32 $0xFFFFFFFF  }
0xb5: {  	_ =	strace $0x90000051  }
0xb6: {  	_ =	sfence  }
0xb7: {  	s30 =	sld [smem:$0x0];
	_ =	sdelay $0x2  }
0xb8: {  	s31 =	sshll.u32 s1, $0xD;
	s1 =	sshrl.u32 s1, $0x2  }
0xb9: {  	s3 =	sand.u32 $0x4000, s31;
	s1 =	sadd.s32 s1, s30  }
0xba: {  	s0 =	sor.u32 s3, s0;
	s1 =	sshll.u32 s1, $0x11  }
0xbb: {  	s0 =	sor.u32 s1, s0  }
0xbc: {  	s0 =	sadd.s32 $0x8F2B, s0  }
0xbd: {  	[sflag:s0] =	ssyncadd.remote.s32 $0x1  }
0xbe: {  	_ =	sfence.sel $0xFFFF  }
0xbf: {  	[dreg:$0x0] =	wrdreg $0xFFFFFFFF;
	(pc) =	sbr.abs _section_cstart, $3  }
0xc0: {  	[dreg:$0x1] =	wrdreg $0xFFFFFFFF  }
0xc1: {  	_ =	task.clear_ibuf [dreg:s6], $0x2FFFF;
	_ =	strace $0x9FFFFFFF  }
0xc2: {  	(tm) =	ssettm $0x7FFFFFFF  }
0xc3: {  	_ =	shalt  }
tec
execute0_lowered:
.L_overlay_start_1:
0x0: {  	(tag) =	ssettag $0x1  }
0x1: {  	s0 =	rddreg [dreg:$0x0]  }
0x2: {  	s2 =	rddreg [dreg:$0x1];
	s1 =	srdreg.scid;
	s3 =	simm.s32 $0x0  }
0x3: {  	s12 =	stileid.u32;
	s15 =	simm.s32 $0x80;
	s18 =	simm.s32 $0x1  }
0x4: {  	s19 =	simm.s32 $0x7;
	s20 =	simm.s32 $0x8;
	s21 =	simm.s32 $0x2  }
0x5: {  	s22 =	simm.s32 $0x50;
	s25 =	simm.s32 $0x5;
	s5 =	smul.u32 $0x2800, s12  }
0x6: {  	s26 =	simm.s32 $0xA;
	s28 =	simm.s32 $0x0;
	s10 =	smul.u32 $0x50000, s12  }
0x7: {  	s1 =	sand.u32 $0x1, s1;
	[smem:$0x7FF] =	sst s3;
	s11 =	smul.u32 $0x2710, s12  }
0x8: {  	s14 =	sadd.s32 $0x3600, s0;
	s4 =	sshll.u32 s1, $0x4;
	s7 =	smul.u32 $0x28000, s1  }
0x9: {  	_ =	strace $0x80000050;
	s30 =	ssub.s32 $0x2, s1;
	s1 =	smul.u32 $0x27100, s1  }
0xa: {  	s6 =	sor.u32 s12, s4;
	s4 =	sadd.s32 $0x1FC00, s0;
	s9 =	sshrl.u32 s30, $0x1  }
0xb: {  	s10 =	sshrl.u32 s10, $0x2;
	s8 =	sshll.u32 s6, $0xB;
	s7 =	sadd.s32 s5, s7  }
0xc: {  	s6 =	smul.u32 $0x2710, s6;
	s5 =	sadd.s32 $0x1D400, s0;
	s13 =	ssub.s32 s30, s9  }
0xd: {  	s1 =	sadd.s32 s11, s1;
	s16 =	sadd.s32 s10, s2;
	s10 =	sshll.u32 s12, $0x6  }
.Ltmp0:
0xe: {  	s8 =	sadd.s32 s8, s0;
	s0 =	sadd.s32 s7, s0;
	(pc) =	sbr.rel .LBB2_1-.Ltmp0, $4  }
0xf: {  	s1 =	sadd.s32 $0xF0, s1;
	s11 =	sor.u32 $0x1C02, s10;
	s13 =	smax.u32 s13, $0x1  }
0x10: {  	s17 =	sshrl.u32 s16, $0x3;
	s6 =	sshrl.u32 s6, $0x3;
	s7 =	sadd.s32 $0xD400, s8  }
0x11: {  	s12 =	sadd.s32 $0x46E00, s0;
	s31 =	sshrl.u32 s1, $0x3;
	s6 =	sadd.s32 s14, s6  }
0x12: {  	s14 =	sadd.s32 s31, s14;
	s8 =	sadd.s32 $0xA, s6;
	s9 =	sadd.s32 $0x14, s6  }
.LBB2_8:
0x13: {  	_ =	swait.ge [sflag:s25], $0x2800  }
0x14: {  	s28 =	sadd.s32 $0x1, s28;
	[sflag:s25] =	ssyncset.done $0x0  }
0x15: {  	p0 =	sne.s32 s28, s13;
	[sflag:s25] =	ssyncadd.s32 $0xFFFFD800  }
.Ltmp1:
0x16: {  	s0 =	sor.u32 $0x1C0A, s10;
	[bflag:$0x0] =	sbarrier.arrive $0xFFFF;
	(pc) =	sbr.rel @!p0 .LBB2_9-.Ltmp1, $4  }
0x17: {  	[hbm:s12], [sflag:s0] =	dma.local [spmem:s17], $0x2800  }
0x18: {  	_ =	swait.ge [sflag:s26], $0x2800  }
0x19: {  	[sflag:s26] =	ssyncset.done $0x0  }
0x1a: {  	[sflag:s26] =	ssyncadd.s32 $0xFFFFD800  }
.LBB2_1:
0x1b: {  	s29 =	simm.s32 $0x200  }
0x1c: {  	[tilespmem:s29], [sflag:$0x1] =	stream.linear.gather [hbm4b:s7+s3], $0x3E80, $0x38;
	[tilespmem:$0x1FA00] =	vst v63  }
0x1d: {  	_ = 	snop  }
0x1e: {  	[tilespmem:s3], [sflag:$0x7] =	stream.linear.gather [hbm4b:s6+s3], $0x50, $0x38;
	[tilespmem:$0x1FA00] =	vst v63  }
0x1f: {  	_ = 	snop  }
0x20: {  	[tilespmem:s15], [sflag:$0x8] =	stream.linear.gather [hbm4b:s8+s3], $0x50, $0x38;
	[tilespmem:$0x1FA00] =	vst v63  }
0x21: {  	s0 =	simm.s32 $0x100  }
0x22: {  	[tilespmem:s0], [sflag:$0x9] =	stream.linear.gather [hbm4b:s9+s3], $0x50, $0x38;
	[tilespmem:$0x1FA00] =	vst v63  }
0x23: {  	[spmem:s17], [sflag:s11] =	dma.local [hbm:s5], $0x2800  }
0x24: {  	_ =	swait.ge [sflag:s18], $0x3E80  }
0x25: {  	[sflag:s18] =	ssyncset.done $0x0  }
0x26: {  	[sflag:s18] =	ssyncadd.s32 $0xFFFFC180  }
0x27: {  	_ =	swait.ge [sflag:s19], $0x50  }
0x28: {  	[sflag:s19] =	ssyncset.done $0x0  }
0x29: {  	[sflag:s19] =	ssyncadd.s32 $0xFFFFFFB0  }
0x2a: {  	_ =	swait.ge [sflag:s20], $0x50  }
0x2b: {  	[sflag:s20] =	ssyncset.done $0x0  }
0x2c: {  	[sflag:s20] =	ssyncadd.s32 $0xFFFFFFB0  }
0x2d: {  	_ =	swait.ge [sflag:s21], $0x2800  }
0x2e: {  	[sflag:s21] =	ssyncset.done $0x0  }
.Ltmp2:
0x2f: {  	[sflag:s21] =	ssyncadd.s32 $0xFFFFD800;
	(pc) =	sbr.rel .LBB2_2-.Ltmp2, $4  }
0x30: {  	s23 =	simm.s32 $0x4200;
	[bflag:$0x0] =	sbarrier.arrive $0xFFFF  }
0x31: {  	[tilespmem:s23], [sflag:$0x1] =	stream.indirect.gather [hbm4b:s4+s22], $0x80, s3, s22, $0xb8;
	[tilespmem:$0x1FA00] =	vst v63  }
0x32: {  	s24 =	simm.s32 $0x6A00;
	s30 =	smov.u32 s14;
	s31 =	simm.s32 $0x0  }
0x33: {  	[tilespmem:s24], [sflag:$0x2] =	stream.indirect.gather [hbm4b:s4+s22], $0x80, s15, s22, $0xb8;
	[tilespmem:$0x1FA00] =	vst v63  }
.LBB2_6:
0x34: {  	s1 =	sadd.s32 $0x7, s0;
	s16 =	smul.u32 $0xA000, s0  }
0x35: {  	_ =	swait.ge [sflag:s1], $0x50  }
0x36: {  	s23 =	sshll.u32 s0, $0x7;
	[sflag:s1] =	ssyncset.done $0x0;
	s16 =	sshrl.u32 s16, $0x2  }
0x37: {  	s24 =	sadd.s32 $0x1, s0;
	[sflag:s1] =	ssyncadd.s32 $0xFFFFFFB0;
	s16 =	sadd.s32 $0x4200, s16  }
0x38: {  	[tilespmem:s16], [sflag:s24] =	stream.indirect.gather [hbm4b:s4+s22], $0x80, s23, s22, $0xb8;
	[tilespmem:$0x1FA00] =	vst v63  }
.LBB2_7:
0x39: {  	s31 =	sadd.s32 $0x1, s31  }
0x3a: {  	p0 =	sne.s32 s31, $0x7D  }
.Ltmp3:
0x3b: {  	_ = 	snop;
	(pc) =	sbr.rel @!p0 .LBB2_8-.Ltmp3, $2  }
0x3c: {  	_ =	sdelay $0x2  }
0x3d: {  	s29 =	sadd.s32 $0x80, s29;
	s30 =	sadd.s32 $0xA, s30  }
.LBB2_2:
0x3e: {  	s0 =	smul.u32 $0xAB, s31  }
0x3f: {  	s16 =	sadd.s32 $0x2, s31  }
0x40: {  	s1 =	sand.u32 $0xFF, s16;
	s0 =	sshrl.u32 s0, $0x9  }
0x41: {  	s1 =	smul.u32 $0xAB, s1;
	s0 =	sand.u32 $0x7F, s0  }
0x42: {  	s0 =	smul.u32 $0x3, s0  }
0x43: {  	s1 =	sshrl.u32 s1, $0x9  }
0x44: {  	p0 =	slt.u32 s31, $0x7A;
	s23 =	smul.u32 $0x3, s1;
	s0 =	ssub.s32 s31, s0  }
.Ltmp4:
0x45: {  	s1 =	sand.u32 $0xFF, s0;
	(pc) =	sbr.rel @!p0 .LBB2_3-.Ltmp4, $4  }
0x46: {  	s16 =	ssub.s32 s16, s23;
	s23 =	smul.u32 $0xA000, s1;
	s24 =	sadd.s32 $0x1, s1  }
0x47: {  	_ =	swait.ge [sflag:s24], $0x2800  }
0x48: {  	s0 =	sand.u32 $0xFF, s16;
	s16 =	sshrl.u32 s23, $0x2;
	[sflag:s24] =	ssyncset.done $0x0  }
0x49: {  	s23 =	sadd.s32 $0x4, s1;
	s16 =	sadd.s32 $0x4200, s16;
	[sflag:s24] =	ssyncadd.s32 $0xFFFFD800  }
0x4a: {  	p0 =	seq.s32 s31, $0x0  }
.Ltmp5:
0x4b: {  	_ = 	snop;
	(pc) =	sbr.rel @!p0 .LBB2_5-.Ltmp5, $4  }
.Ltmp6:
0x4c: {  	s24 =	sshll.u32 s1, $0x7;
	s1 =	sadd.s32 $0x7, s1;
	(pc) =	sbr.rel @p0 .LBB2_6-.Ltmp6, $4  }
0x4d: {  	[tilespmem:s24], [sflag:s1] =	stream.linear.gather [hbm4b:s30+s3], $0x50, $0x38;
	[tilespmem:$0x1FA00] =	vst v63  }
0x4e: {  	_ = 	snop  }
0x4f: {  	[spmem:s2] =	stream.indirect.scatter.add.f32 [tilespmem:s16], [sflag:s23], $0x80, s29, s22, $0xb8;
	[tilespmem:$0x1FA00] =	vst v63  }
0x50: {  	_ = 	snop  }
.LBB2_3:
0x51: {  	[spmem:s2] =	stream.indirect.scatter.add.f32 [tilespmem:s16], [sflag:s23], $0x80, s29, s22, $0xb8;
	[tilespmem:$0x1FA00] =	vst v63  }
.LBB2_5:
0x52: {  	p0 =	sgt.u32 s31, $0x7A  }
.Ltmp7:
0x53: {  	_ = 	snop;
	(pc) =	sbr.rel @p0 .LBB2_7-.Ltmp7, $4  }
.Ltmp8:
0x54: {  	s1 =	sadd.s32 $0x4, s0;
	(pc) =	sbr.rel @!p0 .LBB2_6-.Ltmp8, $4  }
0x55: {  	_ =	swait.ge [sflag:s1], $0x2800  }
0x56: {  	[sflag:s1] =	ssyncset.done $0x0  }
0x57: {  	[sflag:s1] =	ssyncadd.s32 $0xFFFFD800  }
0x58: {  	_ = 	snop  }
.LBB2_9:
0x59: {  	_ =	sfence.sel $0x180000  }
0x5a: {  	[bflag:$0x0] =	sbarrier.arrive $0xFFFF  }
0x5b: {  	_ =	strace $0x90000050  }
0x5c: {  	s0 =	stileid.u32;
	[bflag:$0x2] =	sbarrier.arrive $0xFFFF  }
0x5d: {  	p0 =	sne.s32 s0, $0x0;
	s0 =	rddreg [dreg:$0x2]  }
0x5e: {  	s0 =	sadd.s32 @!p0 $0x100000, s0  }
0x5f: {  	[sflag:s0] =	ssyncadd.tile.s32 @!p0 $0x1;
	_ =	shalt  }
.Lfunc_end2:
_tile_overlayer_lowered:
.L_overlay_start_2:
0x60: {  	(tag) =	ssettag $0x2  }
0x61: {  	s0 =	rddreg [dreg:$0x0];
	s2 =	stileid.u32  }
0x62: {  	s1 =	rddreg [dreg:$0x1];
	p0 =	sne.s32 s2, $0x0  }
0x63: {  	s3 =	rddreg [dreg:$0x2];
	[bflag:$0x3] =	sbarrier.arrive $0xFFFF;
	s2 =	simm.s32 @!p0 $0x1C0A  }
0x64: {  	[timem:s3], [sflag:s2] =	dma.local @!p0 [hbm:s0], s1  }
0x65: {  	s0 =	simm.s32 @!p0 $0xA  }
0x66: {  	_ =	swait.ge @!p0 [sflag:s0], s1  }
0x67: {  	s1 =	ssub.s32 @!p0 $0x0, s1;
	[sflag:s0] =	ssyncset.done @!p0 $0x0  }
0x68: {  	[sflag:s0] =	ssyncadd.s32 @!p0 s1  }
0x69: {  	[bflag:$0x3] =	sbarrier.arrive $0xFFFF  }
0x6a: {  	_ =	shalt  }

</sc_bundles>
